<compile_context>
chip_gen: v7x
topology: tpu7x:2x2x1
jax: 0.10.2.dev20260603
libtpu: 0.0.44.dev20260713+nightly
codegen_flags: <defaults>
</compile_context>

<pallas_src>
import math

import jax
import jax.numpy as jnp
from jax import lax
from jax.experimental import pallas as pl
from jax.experimental.pallas import tpu as pltpu
from jax.experimental.pallas import tpu_sc as plsc

D_MODEL = 128
SCALE = math.sqrt(D_MODEL)
NC, NS, LANES = 2, 16, 16
NW = NC * NS


def _body(xt_hbm, table_hbm, out_hbm, idx_v, gin, gout, gsem, ssem):
    seq, n_rows = xt_hbm.shape
    rpw = n_rows // NW
    wid = lax.axis_index("s") * NC + lax.axis_index("c")
    pltpu.sync_copy(xt_hbm.at[pl.ds(0, seq), pl.ds(wid * rpw, rpw)], idx_v)

    def start_gather(s, b):
        pltpu.async_copy(table_hbm.at[idx_v.at[s]], gin.at[b], gsem.at[b])

    def wait_gather(s, b):
        pltpu.make_async_copy(table_hbm.at[idx_v.at[s]], gin.at[b],
                              gsem.at[b]).wait()

    def wait_scatter(b):
        pltpu.make_async_copy(gout.at[b], out_hbm.at[pl.ds(0, rpw)],
                              ssem.at[b]).wait()

    def do_step(s_ref, b, prefetch, may_wait_scatter):
        wait_gather(s_ref, b)
        if prefetch:
            start_gather(s_ref + 2, (b + 2) % 3)
        if may_wait_scatter:
            @pl.when(s_ref >= 3)
            def _():
                wait_scatter(b)
        else:
            wait_scatter(b)

        gin_b = gin.at[b]
        gout_b = gout.at[b]

        def scale_row(i, carry2):
            vals = [gin_b[i, pl.ds(j * LANES, LANES)]
                    for j in range(D_MODEL // LANES)]
            for j in range(D_MODEL // LANES):
                gout_b[i, pl.ds(j * LANES, LANES)] = vals[j] * SCALE
            return carry2

        lax.fori_loop(0, rpw, scale_row, 0, unroll=2)
        pltpu.async_copy(
            gout_b, out_hbm.at[pl.ds(s_ref * n_rows + wid * rpw, rpw)],
            ssem.at[b])

    start_gather(0, 0)
    start_gather(1, 1)

    def outer(p, carry):
        for b in range(3):
            do_step(3 * p + b, b, prefetch=True, may_wait_scatter=True)
        return carry

    n_trip = (seq - 2) // 3
    lax.fori_loop(0, n_trip, outer, 0)
    do_step(seq - 2, (seq - 2) % 3, prefetch=False, may_wait_scatter=False)
    do_step(seq - 1, (seq - 1) % 3, prefetch=False, may_wait_scatter=False)
    for b in range(3):
        wait_scatter(b)


def kernel(x, table):
    n_rows, seq = x.shape
    xt = x.T
    mesh = plsc.VectorSubcoreMesh(core_axis_name="c", subcore_axis_name="s")
    flat = pl.kernel(
        _body,
        out_type=jax.ShapeDtypeStruct((n_rows * seq, D_MODEL), jnp.float32),
        mesh=mesh,
        scratch_types=[
            pltpu.VMEM((seq, n_rows // NW), jnp.int32),
            pltpu.VMEM((3, n_rows // NW, D_MODEL), jnp.float32),
            pltpu.VMEM((3, n_rows // NW, D_MODEL), jnp.float32),
            pltpu.SemaphoreType.DMA((3,)),
            pltpu.SemaphoreType.DMA((3,)),
        ],
    )(xt, table)
    return flat.reshape(seq, n_rows, D_MODEL).transpose(1, 0, 2)

# --- scband reference (transcript-rebuilt; emitter-appended) ---
"""Pipeline reference for scband-input-embedding-74251394613810 (READ-ONLY COPY).

The authoritative reference and input builder live on the scoring server;
editing this copy changes nothing except your own understanding.
"""

import jax, jax.numpy as jnp
import numpy as np
import math

D_MODEL = 128
VOCAB = 100000

def setup_inputs(seed: int = 0) -> dict:
    key = jax.random.key(seed)
    k1, k2 = jax.random.split(key)
    x = jax.random.randint(k1, (4096, 50), 0, VOCAB, dtype=jnp.int64) if jax.config.jax_enable_x64 else jax.random.randint(k1, (4096, 50), 0, VOCAB, dtype=jnp.int32)
    table = jax.random.normal(k2, (VOCAB, D_MODEL), dtype=jnp.float32)
    return {"x": x, "table": table}

def reference(x, table):
    # InputEmbedding.forward: embedding lookup scaled by sqrt(d_model)
    emb = jnp.take(table, x, axis=0)
    return emb * math.sqrt(D_MODEL)

if __name__ == "__main__":
    import jax
    _d = setup_inputs()
    print(jax.jit(kernel)(*tuple(_d.values())))

</pallas_src>

<mosaic_0001>
#map = affine_map<(d0, d1) -> (0, 0)>
module attributes {stable_mosaic.version = 14 : i64} {
  func.func @_body(%arg0: i32, %arg1: i32, %arg2: memref<50x4096xi32, #tpu.memory_space<hbm>>, %arg3: memref<100000x128xf32, #tpu.memory_space<hbm>>, %arg4: memref<204800x128xf32, #tpu.memory_space<hbm>>, %arg5: memref<50x128xi32, #tpu.memory_space<vmem>>, %arg6: memref<3x128x128xf32, #tpu.memory_space<vmem>>, %arg7: memref<3x128x128xf32, #tpu.memory_space<vmem>>, %arg8: memref<3x!tpu.dma_semaphore, #tpu.memory_space<semaphore_mem>>, %arg9: memref<3x!tpu.dma_semaphore, #tpu.memory_space<semaphore_mem>>) attributes {dimension_semantics = [#tpu.dimension_semantics<core_parallel>, #tpu.dimension_semantics<subcore_parallel>], iteration_bounds = array<i64: 2, 16>, scalar_prefetch = 0 : i64, scratch_operands = 5 : i64, tpu.core_type = #tpu.core_type<sc_vector_subcore>, window_params = [{transform_indices = #map}, {transform_indices = #map}, {transform_indices = #map}]} {
    %mul3A = arith.constant 2 : i32
    %mul3A_0 = arith.muli %arg1, %mul3A : i32
    %add3A = arith.addi %mul3A_0, %arg0 : i32
    %mul3A_1 = arith.constant 128 : i32
    %mul3A_2 = arith.muli %add3A, %mul3A_1 : i32
    "tpu.region"() ({
      %run_scoped3A = tpu.sem_alloc : memref<!tpu.dma_semaphore, #tpu.memory_space<semaphore_mem>>
      %dma_start3A_212 = arith.constant 0 : i32
      %dma_start3A_213 = tpu.memref_slice %arg2[%dma_start3A_212, %mul3A_2] : memref<50x4096xi32, #tpu.memory_space<hbm>> -> memref<50x128xi32, #tpu.memory_space<hbm>>
      %dma_start3A_214 = arith.constant 0 : i32
      %dma_start3A_215 = tpu.memref_slice %arg2[%dma_start3A_214, %mul3A_2] : memref<50x4096xi32, #tpu.memory_space<hbm>> -> memref<50x128xi32, #tpu.memory_space<hbm>>
      tpu.enqueue_dma source(%dma_start3A_215 : memref<50x128xi32, #tpu.memory_space<hbm>>) target(%arg5 : memref<50x128xi32, #tpu.memory_space<vmem>>) target_semaphore(%run_scoped3A : memref<!tpu.dma_semaphore, #tpu.memory_space<semaphore_mem>>)
      %dma_wait3A_216 = arith.constant 0 : i32
      %dma_wait3A_217 = tpu.memref_slice %arg2[%dma_wait3A_216, %mul3A_2] : memref<50x4096xi32, #tpu.memory_space<hbm>> -> memref<50x128xi32, #tpu.memory_space<hbm>>
      %dma_wait3A_218 = arith.constant 0 : i32
      %dma_wait3A_219 = tpu.memref_slice %arg2[%dma_wait3A_218, %mul3A_2] : memref<50x4096xi32, #tpu.memory_space<hbm>> -> memref<50x128xi32, #tpu.memory_space<hbm>>
      tpu.wait_dma2 semaphore(%run_scoped3A : memref<!tpu.dma_semaphore, #tpu.memory_space<semaphore_mem>>) src(%dma_wait3A_219 : memref<50x128xi32, #tpu.memory_space<hbm>>) dst(%arg5 : memref<50x128xi32, #tpu.memory_space<vmem>>)
      tpu.yield
    }) : () -> ()
    %dma_start3A = arith.constant 0 : i32
    %dma_start3A_3 = arith.constant 0 : i32
    %dma_start3A_4 = arith.constant 0 : i32
    %dma_start3A_5 = arith.constant 0 : i32
    %dma_start3A_6 = arith.constant 0 : i32
    %dma_start3A_7 = tpu.memref_slice %arg6[%dma_start3A_3, %dma_start3A_5, %dma_start3A_6] : memref<3x128x128xf32, #tpu.memory_space<vmem>> -> memref<1x128x128xf32, #tpu.memory_space<vmem>>
    %dma_start3A_8 = tpu.memref_squeeze %dma_start3A_7 : memref<1x128x128xf32, #tpu.memory_space<vmem>> -> memref<128x128xf32, #tpu.memory_space<vmem>>
    %dma_start3A_9 = arith.constant 0 : i32
    %dma_start3A_10 = tpu.memref_slice %arg5[%dma_start3A, %dma_start3A_9] : memref<50x128xi32, #tpu.memory_space<vmem>> -> memref<1x128xi32, #tpu.memory_space<vmem>>
    %dma_start3A_11 = tpu.memref_squeeze %dma_start3A_10 : memref<1x128xi32, #tpu.memory_space<vmem>> -> memref<128xi32, #tpu.memory_space<vmem>>
    %dma_start3A_12 = arith.constant 0 : i32
    %dma_start3A_13 = arith.constant 0 : i32
    %dma_start3A_14 = tpu.memref_slice %arg3[%dma_start3A_12, %dma_start3A_13] : memref<100000x128xf32, #tpu.memory_space<hbm>> -> memref<100000x128xf32, #tpu.memory_space<hbm>>
    %dma_start3A_15 = tpu.memref_slice %arg8[%dma_start3A_4] : memref<3x!tpu.dma_semaphore, #tpu.memory_space<semaphore_mem>> -> memref<1x!tpu.dma_semaphore, #tpu.memory_space<semaphore_mem>>
    %dma_start3A_16 = tpu.memref_squeeze %dma_start3A_15 : memref<1x!tpu.dma_semaphore, #tpu.memory_space<semaphore_mem>> -> memref<!tpu.dma_semaphore, #tpu.memory_space<semaphore_mem>>
    tpu.enqueue_indirect_dma source(%dma_start3A_14 : memref<100000x128xf32, #tpu.memory_space<hbm>>) target(%dma_start3A_8 : memref<128x128xf32, #tpu.memory_space<vmem>>) offsets(%dma_start3A_11 : memref<128xi32, #tpu.memory_space<vmem>>) semaphore(%dma_start3A_16 : memref<!tpu.dma_semaphore, #tpu.memory_space<semaphore_mem>>)
    %dma_start3A_17 = arith.constant 1 : i32
    %dma_start3A_18 = arith.constant 1 : i32
    %dma_start3A_19 = arith.constant 1 : i32
    %dma_start3A_20 = arith.constant 0 : i32
    %dma_start3A_21 = arith.constant 0 : i32
    %dma_start3A_22 = tpu.memref_slice %arg6[%dma_start3A_18, %dma_start3A_20, %dma_start3A_21] : memref<3x128x128xf32, #tpu.memory_space<vmem>> -> memref<1x128x128xf32, #tpu.memory_space<vmem>>
    %dma_start3A_23 = tpu.memref_squeeze %dma_start3A_22 : memref<1x128x128xf32, #tpu.memory_space<vmem>> -> memref<128x128xf32, #tpu.memory_space<vmem>>
    %dma_start3A_24 = arith.constant 0 : i32
    %dma_start3A_25 = tpu.memref_slice %arg5[%dma_start3A_17, %dma_start3A_24] : memref<50x128xi32, #tpu.memory_space<vmem>> -> memref<1x128xi32, #tpu.memory_space<vmem>>
    %dma_start3A_26 = tpu.memref_squeeze %dma_start3A_25 : memref<1x128xi32, #tpu.memory_space<vmem>> -> memref<128xi32, #tpu.memory_space<vmem>>
    %dma_start3A_27 = arith.constant 0 : i32
    %dma_start3A_28 = arith.constant 0 : i32
    %dma_start3A_29 = tpu.memref_slice %arg3[%dma_start3A_27, %dma_start3A_28] : memref<100000x128xf32, #tpu.memory_space<hbm>> -> memref<100000x128xf32, #tpu.memory_space<hbm>>
    %dma_start3A_30 = tpu.memref_slice %arg8[%dma_start3A_19] : memref<3x!tpu.dma_semaphore, #tpu.memory_space<semaphore_mem>> -> memref<1x!tpu.dma_semaphore, #tpu.memory_space<semaphore_mem>>
    %dma_start3A_31 = tpu.memref_squeeze %dma_start3A_30 : memref<1x!tpu.dma_semaphore, #tpu.memory_space<semaphore_mem>> -> memref<!tpu.dma_semaphore, #tpu.memory_space<semaphore_mem>>
    tpu.enqueue_indirect_dma source(%dma_start3A_29 : memref<100000x128xf32, #tpu.memory_space<hbm>>) target(%dma_start3A_23 : memref<128x128xf32, #tpu.memory_space<vmem>>) offsets(%dma_start3A_26 : memref<128xi32, #tpu.memory_space<vmem>>) semaphore(%dma_start3A_31 : memref<!tpu.dma_semaphore, #tpu.memory_space<semaphore_mem>>)
    %scan3A = arith.constant 0 : i32
    %scan3A_32 = arith.constant 0 : i32
    %scan3A_33 = arith.constant 16 : i32
    %scan3A_34 = arith.addi %scan3A_32, %scan3A_33 : i32
    %scan3A_35 = arith.constant 1 : i32
    scf.for %scan3A_212 = %scan3A_32 to %scan3A_34 step %scan3A_35  : i32 {
      %mul3A_213 = arith.constant 3 : i32
      %mul3A_214 = arith.muli %mul3A_213, %scan3A_212 : i32
      %add3A_215 = arith.constant 0 : i32
      %add3A_216 = arith.addi %mul3A_214, %add3A_215 : i32
      %dma_wait3A_217 = arith.constant 0 : i32
      %dma_wait3A_218 = arith.constant 0 : i32
      %dma_wait3A_219 = arith.constant 0 : i32
      %dma_wait3A_220 = arith.constant 0 : i32
      %dma_wait3A_221 = tpu.memref_slice %arg6[%dma_wait3A_217, %dma_wait3A_219, %dma_wait3A_220] : memref<3x128x128xf32, #tpu.memory_space<vmem>> -> memref<1x128x128xf32, #tpu.memory_space<vmem>>
      %dma_wait3A_222 = tpu.memref_squeeze %dma_wait3A_221 : memref<1x128x128xf32, #tpu.memory_space<vmem>> -> memref<128x128xf32, #tpu.memory_space<vmem>>
      %dma_wait3A_223 = arith.constant 0 : i32
      %dma_wait3A_224 = tpu.memref_slice %arg5[%add3A_216, %dma_wait3A_223] : memref<50x128xi32, #tpu.memory_space<vmem>> -> memref<1x128xi32, #tpu.memory_space<vmem>>
      %dma_wait3A_225 = tpu.memref_squeeze %dma_wait3A_224 : memref<1x128xi32, #tpu.memory_space<vmem>> -> memref<128xi32, #tpu.memory_space<vmem>>
      %dma_wait3A_226 = arith.constant 0 : i32
      %dma_wait3A_227 = arith.constant 0 : i32
      %dma_wait3A_228 = tpu.memref_slice %arg3[%dma_wait3A_226, %dma_wait3A_227] : memref<100000x128xf32, #tpu.memory_space<hbm>> -> memref<100000x128xf32, #tpu.memory_space<hbm>>
      %dma_wait3A_229 = tpu.memref_slice %arg8[%dma_wait3A_218] : memref<3x!tpu.dma_semaphore, #tpu.memory_space<semaphore_mem>> -> memref<1x!tpu.dma_semaphore, #tpu.memory_space<semaphore_mem>>
      %dma_wait3A_230 = tpu.memref_squeeze %dma_wait3A_229 : memref<1x!tpu.dma_semaphore, #tpu.memory_space<semaphore_mem>> -> memref<!tpu.dma_semaphore, #tpu.memory_space<semaphore_mem>>
      tpu.wait_indirect_dma semaphore(%dma_wait3A_230 : memref<!tpu.dma_semaphore, #tpu.memory_space<semaphore_mem>>) src(%dma_wait3A_228 : memref<100000x128xf32, #tpu.memory_space<hbm>>) dst(%dma_wait3A_222 : memref<128x128xf32, #tpu.memory_space<vmem>>)
      %add3A_231 = arith.constant 2 : i32
      %add3A_232 = arith.addi %add3A_216, %add3A_231 : i32
      %dma_start3A_233 = arith.constant 2 : i32
      %dma_start3A_234 = arith.constant 2 : i32
      %dma_start3A_235 = arith.constant 0 : i32
      %dma_start3A_236 = arith.constant 0 : i32
      %dma_start3A_237 = tpu.memref_slice %arg6[%dma_start3A_233, %dma_start3A_235, %dma_start3A_236] : memref<3x128x128xf32, #tpu.memory_space<vmem>> -> memref<1x128x128xf32, #tpu.memory_space<vmem>>
      %dma_start3A_238 = tpu.memref_squeeze %dma_start3A_237 : memref<1x128x128xf32, #tpu.memory_space<vmem>> -> memref<128x128xf32, #tpu.memory_space<vmem>>
      %dma_start3A_239 = arith.constant 0 : i32
      %dma_start3A_240 = tpu.memref_slice %arg5[%add3A_232, %dma_start3A_239] : memref<50x128xi32, #tpu.memory_space<vmem>> -> memref<1x128xi32, #tpu.memory_space<vmem>>
      %dma_start3A_241 = tpu.memref_squeeze %dma_start3A_240 : memref<1x128xi32, #tpu.memory_space<vmem>> -> memref<128xi32, #tpu.memory_space<vmem>>
      %dma_start3A_242 = arith.constant 0 : i32
      %dma_start3A_243 = arith.constant 0 : i32
      %dma_start3A_244 = tpu.memref_slice %arg3[%dma_start3A_242, %dma_start3A_243] : memref<100000x128xf32, #tpu.memory_space<hbm>> -> memref<100000x128xf32, #tpu.memory_space<hbm>>
      %dma_start3A_245 = tpu.memref_slice %arg8[%dma_start3A_234] : memref<3x!tpu.dma_semaphore, #tpu.memory_space<semaphore_mem>> -> memref<1x!tpu.dma_semaphore, #tpu.memory_space<semaphore_mem>>
      %dma_start3A_246 = tpu.memref_squeeze %dma_start3A_245 : memref<1x!tpu.dma_semaphore, #tpu.memory_space<semaphore_mem>> -> memref<!tpu.dma_semaphore, #tpu.memory_space<semaphore_mem>>
      tpu.enqueue_indirect_dma source(%dma_start3A_244 : memref<100000x128xf32, #tpu.memory_space<hbm>>) target(%dma_start3A_238 : memref<128x128xf32, #tpu.memory_space<vmem>>) offsets(%dma_start3A_241 : memref<128xi32, #tpu.memory_space<vmem>>) semaphore(%dma_start3A_246 : memref<!tpu.dma_semaphore, #tpu.memory_space<semaphore_mem>>)
      %ge3A = arith.constant 3 : i32
      %ge3A_247 = arith.cmpi sge, %add3A_216, %ge3A : i32
      %convert_element_type3A = arith.extui %ge3A_247 : i1 to i32
      %cond3A = arith.constant 0 : i32
      %cond3A_248 = arith.cmpi ne, %convert_element_type3A, %cond3A : i32
      scf.if %cond3A_248 {
        %dma_wait3A_414 = arith.constant 0 : i32
        %dma_wait3A_415 = arith.constant 0 : i32
        %dma_wait3A_416 = arith.constant 0 : i32
        %dma_wait3A_417 = arith.constant 0 : i32
        %dma_wait3A_418 = tpu.memref_slice %arg7[%dma_wait3A_414, %dma_wait3A_416, %dma_wait3A_417] : memref<3x128x128xf32, #tpu.memory_space<vmem>> -> memref<1x128x128xf32, #tpu.memory_space<vmem>>
        %dma_wait3A_419 = tpu.memref_squeeze %dma_wait3A_418 : memref<1x128x128xf32, #tpu.memory_space<vmem>> -> memref<128x128xf32, #tpu.memory_space<vmem>>
        %dma_wait3A_420 = arith.constant 0 : i32
        %dma_wait3A_421 = arith.constant 0 : i32
        %dma_wait3A_422 = tpu.memref_slice %arg4[%dma_wait3A_420, %dma_wait3A_421] : memref<204800x128xf32, #tpu.memory_space<hbm>> -> memref<128x128xf32, #tpu.memory_space<hbm>>
        %dma_wait3A_423 = tpu.memref_slice %arg9[%dma_wait3A_415] : memref<3x!tpu.dma_semaphore, #tpu.memory_space<semaphore_mem>> -> memref<1x!tpu.dma_semaphore, #tpu.memory_space<semaphore_mem>>
        %dma_wait3A_424 = tpu.memref_squeeze %dma_wait3A_423 : memref<1x!tpu.dma_semaphore, #tpu.memory_space<semaphore_mem>> -> memref<!tpu.dma_semaphore, #tpu.memory_space<semaphore_mem>>
        %dma_wait3A_425 = arith.constant 0 : i32
        %dma_wait3A_426 = arith.constant 0 : i32
        %dma_wait3A_427 = tpu.memref_slice %arg4[%dma_wait3A_425, %dma_wait3A_426] : memref<204800x128xf32, #tpu.memory_space<hbm>> -> memref<128x128xf32, #tpu.memory_space<hbm>>
        %dma_wait3A_428 = arith.constant 0 : i32
        %dma_wait3A_429 = arith.constant 0 : i32
        %dma_wait3A_430 = tpu.memref_slice %arg7[%dma_wait3A_414, %dma_wait3A_428, %dma_wait3A_429] : memref<3x128x128xf32, #tpu.memory_space<vmem>> -> memref<1x128x128xf32, #tpu.memory_space<vmem>>
        %dma_wait3A_431 = tpu.memref_squeeze %dma_wait3A_430 : memref<1x128x128xf32, #tpu.memory_space<vmem>> -> memref<128x128xf32, #tpu.memory_space<vmem>>
        tpu.wait_dma2 semaphore(%dma_wait3A_424 : memref<!tpu.dma_semaphore, #tpu.memory_space<semaphore_mem>>) src(%dma_wait3A_431 : memref<128x128xf32, #tpu.memory_space<vmem>>) dst(%dma_wait3A_427 : memref<128x128xf32, #tpu.memory_space<hbm>>)
      } else {
      }
      %scan3A_249 = arith.constant 0 : i32
      %scan3A_250 = arith.constant 0 : i32
      %scan3A_251 = arith.constant 0 : i32
      %scan3A_252 = arith.constant 0 : i32
      %scan3A_253 = arith.constant 128 : i32
      %scan3A_254 = arith.addi %scan3A_252, %scan3A_253 : i32
      %scan3A_255 = arith.constant 2 : i32
      scf.for %scan3A_414 = %scan3A_252 to %scan3A_254 step %scan3A_255  : i32 {
        %get3A = arith.constant 0 : i32
        %get3A_415 = arith.constant 0 : i32
        %get3A_416 = tpu.memref_slice %arg6[%scan3A_250, %get3A, %get3A_415] : memref<3x128x128xf32, #tpu.memory_space<vmem>> -> memref<1x128x128xf32, #tpu.memory_space<vmem>>
        %get3A_417 = tpu.memref_squeeze %get3A_416 : memref<1x128x128xf32, #tpu.memory_space<vmem>> -> memref<128x128xf32, #tpu.memory_space<vmem>>
        %get3A_418 = arith.index_cast %scan3A_414 : i32 to index
        %get3A_419 = arith.constant 0 : index
        %get3A_420 = tpu.vector_load %get3A_417[%get3A_418, %get3A_419] {strides = array<i32>} : memref<128x128xf32, #tpu.memory_space<vmem>>, vector<1x16xf32>,
        %get3A_421 = vector.shape_cast %get3A_420 : vector<1x16xf32> to vector<16xf32>
        %get3A_422 = arith.constant 0 : i32
        %get3A_423 = arith.constant 0 : i32
        %get3A_424 = tpu.memref_slice %arg6[%scan3A_250, %get3A_422, %get3A_423] : memref<3x128x128xf32, #tpu.memory_space<vmem>> -> memref<1x128x128xf32, #tpu.memory_space<vmem>>
        %get3A_425 = tpu.memref_squeeze %get3A_424 : memref<1x128x128xf32, #tpu.memory_space<vmem>> -> memref<128x128xf32, #tpu.memory_space<vmem>>
        %get3A_426 = arith.index_cast %scan3A_414 : i32 to index
        %get3A_427 = arith.constant 16 : index
        %get3A_428 = tpu.vector_load %get3A_425[%get3A_426, %get3A_427] {strides = array<i32>} : memref<128x128xf32, #tpu.memory_space<vmem>>, vector<1x16xf32>,
        %get3A_429 = vector.shape_cast %get3A_428 : vector<1x16xf32> to vector<16xf32>
        %get3A_430 = arith.constant 0 : i32
        %get3A_431 = arith.constant 0 : i32
        %get3A_432 = tpu.memref_slice %arg6[%scan3A_250, %get3A_430, %get3A_431] : memref<3x128x128xf32, #tpu.memory_space<vmem>> -> memref<1x128x128xf32, #tpu.memory_space<vmem>>
        %get3A_433 = tpu.memref_squeeze %get3A_432 : memref<1x128x128xf32, #tpu.memory_space<vmem>> -> memref<128x128xf32, #tpu.memory_space<vmem>>
        %get3A_434 = arith.index_cast %scan3A_414 : i32 to index
        %get3A_435 = arith.constant 32 : index
        %get3A_436 = tpu.vector_load %get3A_433[%get3A_434, %get3A_435] {strides = array<i32>} : memref<128x128xf32, #tpu.memory_space<vmem>>, vector<1x16xf32>,
        %get3A_437 = vector.shape_cast %get3A_436 : vector<1x16xf32> to vector<16xf32>
        %get3A_438 = arith.constant 0 : i32
        %get3A_439 = arith.constant 0 : i32
        %get3A_440 = tpu.memref_slice %arg6[%scan3A_250, %get3A_438, %get3A_439] : memref<3x128x128xf32, #tpu.memory_space<vmem>> -> memref<1x128x128xf32, #tpu.memory_space<vmem>>
        %get3A_441 = tpu.memref_squeeze %get3A_440 : memref<1x128x128xf32, #tpu.memory_space<vmem>> -> memref<128x128xf32, #tpu.memory_space<vmem>>
        %get3A_442 = arith.index_cast %scan3A_414 : i32 to index
        %get3A_443 = arith.constant 48 : index
        %get3A_444 = tpu.vector_load %get3A_441[%get3A_442, %get3A_443] {strides = array<i32>} : memref<128x128xf32, #tpu.memory_space<vmem>>, vector<1x16xf32>,
        %get3A_445 = vector.shape_cast %get3A_444 : vector<1x16xf32> to vector<16xf32>
        %get3A_446 = arith.constant 0 : i32
        %get3A_447 = arith.constant 0 : i32
        %get3A_448 = tpu.memref_slice %arg6[%scan3A_250, %get3A_446, %get3A_447] : memref<3x128x128xf32, #tpu.memory_space<vmem>> -> memref<1x128x128xf32, #tpu.memory_space<vmem>>
        %get3A_449 = tpu.memref_squeeze %get3A_448 : memref<1x128x128xf32, #tpu.memory_space<vmem>> -> memref<128x128xf32, #tpu.memory_space<vmem>>
        %get3A_450 = arith.index_cast %scan3A_414 : i32 to index
        %get3A_451 = arith.constant 64 : index
        %get3A_452 = tpu.vector_load %get3A_449[%get3A_450, %get3A_451] {strides = array<i32>} : memref<128x128xf32, #tpu.memory_space<vmem>>, vector<1x16xf32>,
        %get3A_453 = vector.shape_cast %get3A_452 : vector<1x16xf32> to vector<16xf32>
        %get3A_454 = arith.constant 0 : i32
        %get3A_455 = arith.constant 0 : i32
        %get3A_456 = tpu.memref_slice %arg6[%scan3A_250, %get3A_454, %get3A_455] : memref<3x128x128xf32, #tpu.memory_space<vmem>> -> memref<1x128x128xf32, #tpu.memory_space<vmem>>
        %get3A_457 = tpu.memref_squeeze %get3A_456 : memref<1x128x128xf32, #tpu.memory_space<vmem>> -> memref<128x128xf32, #tpu.memory_space<vmem>>
        %get3A_458 = arith.index_cast %scan3A_414 : i32 to index
        %get3A_459 = arith.constant 80 : index
        %get3A_460 = tpu.vector_load %get3A_457[%get3A_458, %get3A_459] {strides = array<i32>} : memref<128x128xf32, #tpu.memory_space<vmem>>, vector<1x16xf32>,
        %get3A_461 = vector.shape_cast %get3A_460 : vector<1x16xf32> to vector<16xf32>
        %get3A_462 = arith.constant 0 : i32
        %get3A_463 = arith.constant 0 : i32
        %get3A_464 = tpu.memref_slice %arg6[%scan3A_250, %get3A_462, %get3A_463] : memref<3x128x128xf32, #tpu.memory_space<vmem>> -> memref<1x128x128xf32, #tpu.memory_space<vmem>>
        %get3A_465 = tpu.memref_squeeze %get3A_464 : memref<1x128x128xf32, #tpu.memory_space<vmem>> -> memref<128x128xf32, #tpu.memory_space<vmem>>
        %get3A_466 = arith.index_cast %scan3A_414 : i32 to index
        %get3A_467 = arith.constant 96 : index
        %get3A_468 = tpu.vector_load %get3A_465[%get3A_466, %get3A_467] {strides = array<i32>} : memref<128x128xf32, #tpu.memory_space<vmem>>, vector<1x16xf32>,
        %get3A_469 = vector.shape_cast %get3A_468 : vector<1x16xf32> to vector<16xf32>
        %get3A_470 = arith.constant 0 : i32
        %get3A_471 = arith.constant 0 : i32
        %get3A_472 = tpu.memref_slice %arg6[%scan3A_250, %get3A_470, %get3A_471] : memref<3x128x128xf32, #tpu.memory_space<vmem>> -> memref<1x128x128xf32, #tpu.memory_space<vmem>>
        %get3A_473 = tpu.memref_squeeze %get3A_472 : memref<1x128x128xf32, #tpu.memory_space<vmem>> -> memref<128x128xf32, #tpu.memory_space<vmem>>
        %get3A_474 = arith.index_cast %scan3A_414 : i32 to index
        %get3A_475 = arith.constant 112 : index
        %get3A_476 = tpu.vector_load %get3A_473[%get3A_474, %get3A_475] {strides = array<i32>} : memref<128x128xf32, #tpu.memory_space<vmem>>, vector<1x16xf32>,
        %get3A_477 = vector.shape_cast %get3A_476 : vector<1x16xf32> to vector<16xf32>
        %mul3A_478 = arith.constant 11.3137083 : f32
        %mul3A_479 = vector.broadcast %mul3A_478 : f32 to vector<16xf32>
        %mul3A_480 = arith.mulf %get3A_421, %mul3A_479 : vector<16xf32>
        %swap3A = arith.constant 0 : i32
        %swap3A_481 = arith.constant 0 : i32
        %swap3A_482 = tpu.memref_slice %arg7[%scan3A_251, %swap3A, %swap3A_481] : memref<3x128x128xf32, #tpu.memory_space<vmem>> -> memref<1x128x128xf32, #tpu.memory_space<vmem>>
        %swap3A_483 = tpu.memref_squeeze %swap3A_482 : memref<1x128x128xf32, #tpu.memory_space<vmem>> -> memref<128x128xf32, #tpu.memory_space<vmem>>
        %swap3A_484 = arith.index_cast %scan3A_414 : i32 to index
        %swap3A_485 = arith.constant 0 : index
        %swap3A_486 = tpu.vector_load %swap3A_483[%swap3A_484, %swap3A_485] {strides = array<i32>} : memref<128x128xf32, #tpu.memory_space<vmem>>, vector<1x16xf32>,
        %swap3A_487 = vector.shape_cast %swap3A_486 : vector<1x16xf32> to vector<16xf32>
        %swap3A_488 = vector.shape_cast %mul3A_480 : vector<16xf32> to vector<1x16xf32>
        tpu.vector_store %swap3A_483[%swap3A_484, %swap3A_485], %swap3A_488 {strides = array<i32>} : memref<128x128xf32, #tpu.memory_space<vmem>>, vector<1x16xf32>,
        %mul3A_489 = arith.constant 11.3137083 : f32
        %mul3A_490 = vector.broadcast %mul3A_489 : f32 to vector<16xf32>
        %mul3A_491 = arith.mulf %get3A_429, %mul3A_490 : vector<16xf32>
        %swap3A_492 = arith.constant 0 : i32
        %swap3A_493 = arith.constant 0 : i32
        %swap3A_494 = tpu.memref_slice %arg7[%scan3A_251, %swap3A_492, %swap3A_493] : memref<3x128x128xf32, #tpu.memory_space<vmem>> -> memref<1x128x128xf32, #tpu.memory_space<vmem>>
        %swap3A_495 = tpu.memref_squeeze %swap3A_494 : memref<1x128x128xf32, #tpu.memory_space<vmem>> -> memref<128x128xf32, #tpu.memory_space<vmem>>
        %swap3A_496 = arith.index_cast %scan3A_414 : i32 to index
        %swap3A_497 = arith.constant 16 : index
        %swap3A_498 = tpu.vector_load %swap3A_495[%swap3A_496, %swap3A_497] {strides = array<i32>} : memref<128x128xf32, #tpu.memory_space<vmem>>, vector<1x16xf32>,
        %swap3A_499 = vector.shape_cast %swap3A_498 : vector<1x16xf32> to vector<16xf32>
        %swap3A_500 = vector.shape_cast %mul3A_491 : vector<16xf32> to vector<1x16xf32>
        tpu.vector_store %swap3A_495[%swap3A_496, %swap3A_497], %swap3A_500 {strides = array<i32>} : memref<128x128xf32, #tpu.memory_space<vmem>>, vector<1x16xf32>,
        %mul3A_501 = arith.constant 11.3137083 : f32
        %mul3A_502 = vector.broadcast %mul3A_501 : f32 to vector<16xf32>
        %mul3A_503 = arith.mulf %get3A_437, %mul3A_502 : vector<16xf32>
        %swap3A_504 = arith.constant 0 : i32
        %swap3A_505 = arith.constant 0 : i32
        %swap3A_506 = tpu.memref_slice %arg7[%scan3A_251, %swap3A_504, %swap3A_505] : memref<3x128x128xf32, #tpu.memory_space<vmem>> -> memref<1x128x128xf32, #tpu.memory_space<vmem>>
        %swap3A_507 = tpu.memref_squeeze %swap3A_506 : memref<1x128x128xf32, #tpu.memory_space<vmem>> -> memref<128x128xf32, #tpu.memory_space<vmem>>
        %swap3A_508 = arith.index_cast %scan3A_414 : i32 to index
        %swap3A_509 = arith.constant 32 : index
        %swap3A_510 = tpu.vector_load %swap3A_507[%swap3A_508, %swap3A_509] {strides = array<i32>} : memref<128x128xf32, #tpu.memory_space<vmem>>, vector<1x16xf32>,
        %swap3A_511 = vector.shape_cast %swap3A_510 : vector<1x16xf32> to vector<16xf32>
        %swap3A_512 = vector.shape_cast %mul3A_503 : vector<16xf32> to vector<1x16xf32>
        tpu.vector_store %swap3A_507[%swap3A_508, %swap3A_509], %swap3A_512 {strides = array<i32>} : memref<128x128xf32, #tpu.memory_space<vmem>>, vector<1x16xf32>,
        %mul3A_513 = arith.constant 11.3137083 : f32
        %mul3A_514 = vector.broadcast %mul3A_513 : f32 to vector<16xf32>
        %mul3A_515 = arith.mulf %get3A_445, %mul3A_514 : vector<16xf32>
        %swap3A_516 = arith.constant 0 : i32
        %swap3A_517 = arith.constant 0 : i32
        %swap3A_518 = tpu.memref_slice %arg7[%scan3A_251, %swap3A_516, %swap3A_517] : memref<3x128x128xf32, #tpu.memory_space<vmem>> -> memref<1x128x128xf32, #tpu.memory_space<vmem>>
        %swap3A_519 = tpu.memref_squeeze %swap3A_518 : memref<1x128x128xf32, #tpu.memory_space<vmem>> -> memref<128x128xf32, #tpu.memory_space<vmem>>
        %swap3A_520 = arith.index_cast %scan3A_414 : i32 to index
        %swap3A_521 = arith.constant 48 : index
        %swap3A_522 = tpu.vector_load %swap3A_519[%swap3A_520, %swap3A_521] {strides = array<i32>} : memref<128x128xf32, #tpu.memory_space<vmem>>, vector<1x16xf32>,
        %swap3A_523 = vector.shape_cast %swap3A_522 : vector<1x16xf32> to vector<16xf32>
        %swap3A_524 = vector.shape_cast %mul3A_515 : vector<16xf32> to vector<1x16xf32>
        tpu.vector_store %swap3A_519[%swap3A_520, %swap3A_521], %swap3A_524 {strides = array<i32>} : memref<128x128xf32, #tpu.memory_space<vmem>>, vector<1x16xf32>,
        %mul3A_525 = arith.constant 11.3137083 : f32
        %mul3A_526 = vector.broadcast %mul3A_525 : f32 to vector<16xf32>
        %mul3A_527 = arith.mulf %get3A_453, %mul3A_526 : vector<16xf32>
        %swap3A_528 = arith.constant 0 : i32
        %swap3A_529 = arith.constant 0 : i32
        %swap3A_530 = tpu.memref_slice %arg7[%scan3A_251, %swap3A_528, %swap3A_529] : memref<3x128x128xf32, #tpu.memory_space<vmem>> -> memref<1x128x128xf32, #tpu.memory_space<vmem>>
        %swap3A_531 = tpu.memref_squeeze %swap3A_530 : memref<1x128x128xf32, #tpu.memory_space<vmem>> -> memref<128x128xf32, #tpu.memory_space<vmem>>
        %swap3A_532 = arith.index_cast %scan3A_414 : i32 to index
        %swap3A_533 = arith.constant 64 : index
        %swap3A_534 = tpu.vector_load %swap3A_531[%swap3A_532, %swap3A_533] {strides = array<i32>} : memref<128x128xf32, #tpu.memory_space<vmem>>, vector<1x16xf32>,
        %swap3A_535 = vector.shape_cast %swap3A_534 : vector<1x16xf32> to vector<16xf32>
        %swap3A_536 = vector.shape_cast %mul3A_527 : vector<16xf32> to vector<1x16xf32>
        tpu.vector_store %swap3A_531[%swap3A_532, %swap3A_533], %swap3A_536 {strides = array<i32>} : memref<128x128xf32, #tpu.memory_space<vmem>>, vector<1x16xf32>,
        %mul3A_537 = arith.constant 11.3137083 : f32
        %mul3A_538 = vector.broadcast %mul3A_537 : f32 to vector<16xf32>
        %mul3A_539 = arith.mulf %get3A_461, %mul3A_538 : vector<16xf32>
        %swap3A_540 = arith.constant 0 : i32
        %swap3A_541 = arith.constant 0 : i32
        %swap3A_542 = tpu.memref_slice %arg7[%scan3A_251, %swap3A_540, %swap3A_541] : memref<3x128x128xf32, #tpu.memory_space<vmem>> -> memref<1x128x128xf32, #tpu.memory_space<vmem>>
        %swap3A_543 = tpu.memref_squeeze %swap3A_542 : memref<1x128x128xf32, #tpu.memory_space<vmem>> -> memref<128x128xf32, #tpu.memory_space<vmem>>
        %swap3A_544 = arith.index_cast %scan3A_414 : i32 to index
        %swap3A_545 = arith.constant 80 : index
        %swap3A_546 = tpu.vector_load %swap3A_543[%swap3A_544, %swap3A_545] {strides = array<i32>} : memref<128x128xf32, #tpu.memory_space<vmem>>, vector<1x16xf32>,
        %swap3A_547 = vector.shape_cast %swap3A_546 : vector<1x16xf32> to vector<16xf32>
        %swap3A_548 = vector.shape_cast %mul3A_539 : vector<16xf32> to vector<1x16xf32>
        tpu.vector_store %swap3A_543[%swap3A_544, %swap3A_545], %swap3A_548 {strides = array<i32>} : memref<128x128xf32, #tpu.memory_space<vmem>>, vector<1x16xf32>,
        %mul3A_549 = arith.constant 11.3137083 : f32
        %mul3A_550 = vector.broadcast %mul3A_549 : f32 to vector<16xf32>
        %mul3A_551 = arith.mulf %get3A_469, %mul3A_550 : vector<16xf32>
        %swap3A_552 = arith.constant 0 : i32
        %swap3A_553 = arith.constant 0 : i32
        %swap3A_554 = tpu.memref_slice %arg7[%scan3A_251, %swap3A_552, %swap3A_553] : memref<3x128x128xf32, #tpu.memory_space<vmem>> -> memref<1x128x128xf32, #tpu.memory_space<vmem>>
        %swap3A_555 = tpu.memref_squeeze %swap3A_554 : memref<1x128x128xf32, #tpu.memory_space<vmem>> -> memref<128x128xf32, #tpu.memory_space<vmem>>
        %swap3A_556 = arith.index_cast %scan3A_414 : i32 to index
        %swap3A_557 = arith.constant 96 : index
        %swap3A_558 = tpu.vector_load %swap3A_555[%swap3A_556, %swap3A_557] {strides = array<i32>} : memref<128x128xf32, #tpu.memory_space<vmem>>, vector<1x16xf32>,
        %swap3A_559 = vector.shape_cast %swap3A_558 : vector<1x16xf32> to vector<16xf32>
        %swap3A_560 = vector.shape_cast %mul3A_551 : vector<16xf32> to vector<1x16xf32>
        tpu.vector_store %swap3A_555[%swap3A_556, %swap3A_557], %swap3A_560 {strides = array<i32>} : memref<128x128xf32, #tpu.memory_space<vmem>>, vector<1x16xf32>,
        %mul3A_561 = arith.constant 11.3137083 : f32
        %mul3A_562 = vector.broadcast %mul3A_561 : f32 to vector<16xf32>
        %mul3A_563 = arith.mulf %get3A_477, %mul3A_562 : vector<16xf32>
        %swap3A_564 = arith.constant 0 : i32
        %swap3A_565 = arith.constant 0 : i32
        %swap3A_566 = tpu.memref_slice %arg7[%scan3A_251, %swap3A_564, %swap3A_565] : memref<3x128x128xf32, #tpu.memory_space<vmem>> -> memref<1x128x128xf32, #tpu.memory_space<vmem>>
        %swap3A_567 = tpu.memref_squeeze %swap3A_566 : memref<1x128x128xf32, #tpu.memory_space<vmem>> -> memref<128x128xf32, #tpu.memory_space<vmem>>
        %swap3A_568 = arith.index_cast %scan3A_414 : i32 to index
        %swap3A_569 = arith.constant 112 : index
        %swap3A_570 = tpu.vector_load %swap3A_567[%swap3A_568, %swap3A_569] {strides = array<i32>} : memref<128x128xf32, #tpu.memory_space<vmem>>, vector<1x16xf32>,
        %swap3A_571 = vector.shape_cast %swap3A_570 : vector<1x16xf32> to vector<16xf32>
        %swap3A_572 = vector.shape_cast %mul3A_563 : vector<16xf32> to vector<1x16xf32>
        tpu.vector_store %swap3A_567[%swap3A_568, %swap3A_569], %swap3A_572 {strides = array<i32>} : memref<128x128xf32, #tpu.memory_space<vmem>>, vector<1x16xf32>,
        %scan3A_573 = arith.constant 1 : i32
        %scan3A_574 = arith.addi %scan3A_414, %scan3A_573 : i32
        %get3A_575 = arith.constant 0 : i32
        %get3A_576 = arith.constant 0 : i32
        %get3A_577 = tpu.memref_slice %arg6[%scan3A_250, %get3A_575, %get3A_576] : memref<3x128x128xf32, #tpu.memory_space<vmem>> -> memref<1x128x128xf32, #tpu.memory_space<vmem>>
        %get3A_578 = tpu.memref_squeeze %get3A_577 : memref<1x128x128xf32, #tpu.memory_space<vmem>> -> memref<128x128xf32, #tpu.memory_space<vmem>>
        %get3A_579 = arith.index_cast %scan3A_574 : i32 to index
        %get3A_580 = arith.constant 0 : index
        %get3A_581 = tpu.vector_load %get3A_578[%get3A_579, %get3A_580] {strides = array<i32>} : memref<128x128xf32, #tpu.memory_space<vmem>>, vector<1x16xf32>,
        %get3A_582 = vector.shape_cast %get3A_581 : vector<1x16xf32> to vector<16xf32>
        %get3A_583 = arith.constant 0 : i32
        %get3A_584 = arith.constant 0 : i32
        %get3A_585 = tpu.memref_slice %arg6[%scan3A_250, %get3A_583, %get3A_584] : memref<3x128x128xf32, #tpu.memory_space<vmem>> -> memref<1x128x128xf32, #tpu.memory_space<vmem>>
        %get3A_586 = tpu.memref_squeeze %get3A_585 : memref<1x128x128xf32, #tpu.memory_space<vmem>> -> memref<128x128xf32, #tpu.memory_space<vmem>>
        %get3A_587 = arith.index_cast %scan3A_574 : i32 to index
        %get3A_588 = arith.constant 16 : index
        %get3A_589 = tpu.vector_load %get3A_586[%get3A_587, %get3A_588] {strides = array<i32>} : memref<128x128xf32, #tpu.memory_space<vmem>>, vector<1x16xf32>,
        %get3A_590 = vector.shape_cast %get3A_589 : vector<1x16xf32> to vector<16xf32>
        %get3A_591 = arith.constant 0 : i32
        %get3A_592 = arith.constant 0 : i32
        %get3A_593 = tpu.memref_slice %arg6[%scan3A_250, %get3A_591, %get3A_592] : memref<3x128x128xf32, #tpu.memory_space<vmem>> -> memref<1x128x128xf32, #tpu.memory_space<vmem>>
        %get3A_594 = tpu.memref_squeeze %get3A_593 : memref<1x128x128xf32, #tpu.memory_space<vmem>> -> memref<128x128xf32, #tpu.memory_space<vmem>>
        %get3A_595 = arith.index_cast %scan3A_574 : i32 to index
        %get3A_596 = arith.constant 32 : index
        %get3A_597 = tpu.vector_load %get3A_594[%get3A_595, %get3A_596] {strides = array<i32>} : memref<128x128xf32, #tpu.memory_space<vmem>>, vector<1x16xf32>,
        %get3A_598 = vector.shape_cast %get3A_597 : vector<1x16xf32> to vector<16xf32>
        %get3A_599 = arith.constant 0 : i32
        %get3A_600 = arith.constant 0 : i32
        %get3A_601 = tpu.memref_slice %arg6[%scan3A_250, %get3A_599, %get3A_600] : memref<3x128x128xf32, #tpu.memory_space<vmem>> -> memref<1x128x128xf32, #tpu.memory_space<vmem>>
        %get3A_602 = tpu.memref_squeeze %get3A_601 : memref<1x128x128xf32, #tpu.memory_space<vmem>> -> memref<128x128xf32, #tpu.memory_space<vmem>>
        %get3A_603 = arith.index_cast %scan3A_574 : i32 to index
        %get3A_604 = arith.constant 48 : index
        %get3A_605 = tpu.vector_load %get3A_602[%get3A_603, %get3A_604] {strides = array<i32>} : memref<128x128xf32, #tpu.memory_space<vmem>>, vector<1x16xf32>,
        %get3A_606 = vector.shape_cast %get3A_605 : vector<1x16xf32> to vector<16xf32>
        %get3A_607 = arith.constant 0 : i32
        %get3A_608 = arith.constant 0 : i32
        %get3A_609 = tpu.memref_slice %arg6[%scan3A_250, %get3A_607, %get3A_608] : memref<3x128x128xf32, #tpu.memory_space<vmem>> -> memref<1x128x128xf32, #tpu.memory_space<vmem>>
        %get3A_610 = tpu.memref_squeeze %get3A_609 : memref<1x128x128xf32, #tpu.memory_space<vmem>> -> memref<128x128xf32, #tpu.memory_space<vmem>>
        %get3A_611 = arith.index_cast %scan3A_574 : i32 to index
        %get3A_612 = arith.constant 64 : index
        %get3A_613 = tpu.vector_load %get3A_610[%get3A_611, %get3A_612] {strides = array<i32>} : memref<128x128xf32, #tpu.memory_space<vmem>>, vector<1x16xf32>,
        %get3A_614 = vector.shape_cast %get3A_613 : vector<1x16xf32> to vector<16xf32>
        %get3A_615 = arith.constant 0 : i32
        %get3A_616 = arith.constant 0 : i32
        %get3A_617 = tpu.memref_slice %arg6[%scan3A_250, %get3A_615, %get3A_616] : memref<3x128x128xf32, #tpu.memory_space<vmem>> -> memref<1x128x128xf32, #tpu.memory_space<vmem>>
        %get3A_618 = tpu.memref_squeeze %get3A_617 : memref<1x128x128xf32, #tpu.memory_space<vmem>> -> memref<128x128xf32, #tpu.memory_space<vmem>>
        %get3A_619 = arith.index_cast %scan3A_574 : i32 to index
        %get3A_620 = arith.constant 80 : index
        %get3A_621 = tpu.vector_load %get3A_618[%get3A_619, %get3A_620] {strides = array<i32>} : memref<128x128xf32, #tpu.memory_space<vmem>>, vector<1x16xf32>,
        %get3A_622 = vector.shape_cast %get3A_621 : vector<1x16xf32> to vector<16xf32>
        %get3A_623 = arith.constant 0 : i32
        %get3A_624 = arith.constant 0 : i32
        %get3A_625 = tpu.memref_slice %arg6[%scan3A_250, %get3A_623, %get3A_624] : memref<3x128x128xf32, #tpu.memory_space<vmem>> -> memref<1x128x128xf32, #tpu.memory_space<vmem>>
        %get3A_626 = tpu.memref_squeeze %get3A_625 : memref<1x128x128xf32, #tpu.memory_space<vmem>> -> memref<128x128xf32, #tpu.memory_space<vmem>>
        %get3A_627 = arith.index_cast %scan3A_574 : i32 to index
        %get3A_628 = arith.constant 96 : index
        %get3A_629 = tpu.vector_load %get3A_626[%get3A_627, %get3A_628] {strides = array<i32>} : memref<128x128xf32, #tpu.memory_space<vmem>>, vector<1x16xf32>,
        %get3A_630 = vector.shape_cast %get3A_629 : vector<1x16xf32> to vector<16xf32>
        %get3A_631 = arith.constant 0 : i32
        %get3A_632 = arith.constant 0 : i32
        %get3A_633 = tpu.memref_slice %arg6[%scan3A_250, %get3A_631, %get3A_632] : memref<3x128x128xf32, #tpu.memory_space<vmem>> -> memref<1x128x128xf32, #tpu.memory_space<vmem>>
        %get3A_634 = tpu.memref_squeeze %get3A_633 : memref<1x128x128xf32, #tpu.memory_space<vmem>> -> memref<128x128xf32, #tpu.memory_space<vmem>>
        %get3A_635 = arith.index_cast %scan3A_574 : i32 to index
        %get3A_636 = arith.constant 112 : index
        %get3A_637 = tpu.vector_load %get3A_634[%get3A_635, %get3A_636] {strides = array<i32>} : memref<128x128xf32, #tpu.memory_space<vmem>>, vector<1x16xf32>,
        %get3A_638 = vector.shape_cast %get3A_637 : vector<1x16xf32> to vector<16xf32>
        %mul3A_639 = arith.constant 11.3137083 : f32
        %mul3A_640 = vector.broadcast %mul3A_639 : f32 to vector<16xf32>
        %mul3A_641 = arith.mulf %get3A_582, %mul3A_640 : vector<16xf32>
        %swap3A_642 = arith.constant 0 : i32
        %swap3A_643 = arith.constant 0 : i32
        %swap3A_644 = tpu.memref_slice %arg7[%scan3A_251, %swap3A_642, %swap3A_643] : memref<3x128x128xf32, #tpu.memory_space<vmem>> -> memref<1x128x128xf32, #tpu.memory_space<vmem>>
        %swap3A_645 = tpu.memref_squeeze %swap3A_644 : memref<1x128x128xf32, #tpu.memory_space<vmem>> -> memref<128x128xf32, #tpu.memory_space<vmem>>
        %swap3A_646 = arith.index_cast %scan3A_574 : i32 to index
        %swap3A_647 = arith.constant 0 : index
        %swap3A_648 = tpu.vector_load %swap3A_645[%swap3A_646, %swap3A_647] {strides = array<i32>} : memref<128x128xf32, #tpu.memory_space<vmem>>, vector<1x16xf32>,
        %swap3A_649 = vector.shape_cast %swap3A_648 : vector<1x16xf32> to vector<16xf32>
        %swap3A_650 = vector.shape_cast %mul3A_641 : vector<16xf32> to vector<1x16xf32>
        tpu.vector_store %swap3A_645[%swap3A_646, %swap3A_647], %swap3A_650 {strides = array<i32>} : memref<128x128xf32, #tpu.memory_space<vmem>>, vector<1x16xf32>,
        %mul3A_651 = arith.constant 11.3137083 : f32
        %mul3A_652 = vector.broadcast %mul3A_651 : f32 to vector<16xf32>
        %mul3A_653 = arith.mulf %get3A_590, %mul3A_652 : vector<16xf32>
        %swap3A_654 = arith.constant 0 : i32
        %swap3A_655 = arith.constant 0 : i32
        %swap3A_656 = tpu.memref_slice %arg7[%scan3A_251, %swap3A_654, %swap3A_655] : memref<3x128x128xf32, #tpu.memory_space<vmem>> -> memref<1x128x128xf32, #tpu.memory_space<vmem>>
        %swap3A_657 = tpu.memref_squeeze %swap3A_656 : memref<1x128x128xf32, #tpu.memory_space<vmem>> -> memref<128x128xf32, #tpu.memory_space<vmem>>
        %swap3A_658 = arith.index_cast %scan3A_574 : i32 to index
        %swap3A_659 = arith.constant 16 : index
        %swap3A_660 = tpu.vector_load %swap3A_657[%swap3A_658, %swap3A_659] {strides = array<i32>} : memref<128x128xf32, #tpu.memory_space<vmem>>, vector<1x16xf32>,
        %swap3A_661 = vector.shape_cast %swap3A_660 : vector<1x16xf32> to vector<16xf32>
        %swap3A_662 = vector.shape_cast %mul3A_653 : vector<16xf32> to vector<1x16xf32>
        tpu.vector_store %swap3A_657[%swap3A_658, %swap3A_659], %swap3A_662 {strides = array<i32>} : memref<128x128xf32, #tpu.memory_space<vmem>>, vector<1x16xf32>,
        %mul3A_663 = arith.constant 11.3137083 : f32
        %mul3A_664 = vector.broadcast %mul3A_663 : f32 to vector<16xf32>
        %mul3A_665 = arith.mulf %get3A_598, %mul3A_664 : vector<16xf32>
        %swap3A_666 = arith.constant 0 : i32
        %swap3A_667 = arith.constant 0 : i32
        %swap3A_668 = tpu.memref_slice %arg7[%scan3A_251, %swap3A_666, %swap3A_667] : memref<3x128x128xf32, #tpu.memory_space<vmem>> -> memref<1x128x128xf32, #tpu.memory_space<vmem>>
        %swap3A_669 = tpu.memref_squeeze %swap3A_668 : memref<1x128x128xf32, #tpu.memory_space<vmem>> -> memref<128x128xf32, #tpu.memory_space<vmem>>
        %swap3A_670 = arith.index_cast %scan3A_574 : i32 to index
        %swap3A_671 = arith.constant 32 : index
        %swap3A_672 = tpu.vector_load %swap3A_669[%swap3A_670, %swap3A_671] {strides = array<i32>} : memref<128x128xf32, #tpu.memory_space<vmem>>, vector<1x16xf32>,
        %swap3A_673 = vector.shape_cast %swap3A_672 : vector<1x16xf32> to vector<16xf32>
        %swap3A_674 = vector.shape_cast %mul3A_665 : vector<16xf32> to vector<1x16xf32>
        tpu.vector_store %swap3A_669[%swap3A_670, %swap3A_671], %swap3A_674 {strides = array<i32>} : memref<128x128xf32, #tpu.memory_space<vmem>>, vector<1x16xf32>,
        %mul3A_675 = arith.constant 11.3137083 : f32
        %mul3A_676 = vector.broadcast %mul3A_675 : f32 to vector<16xf32>
        %mul3A_677 = arith.mulf %get3A_606, %mul3A_676 : vector<16xf32>
        %swap3A_678 = arith.constant 0 : i32
        %swap3A_679 = arith.constant 0 : i32
        %swap3A_680 = tpu.memref_slice %arg7[%scan3A_251, %swap3A_678, %swap3A_679] : memref<3x128x128xf32, #tpu.memory_space<vmem>> -> memref<1x128x128xf32, #tpu.memory_space<vmem>>
        %swap3A_681 = tpu.memref_squeeze %swap3A_680 : memref<1x128x128xf32, #tpu.memory_space<vmem>> -> memref<128x128xf32, #tpu.memory_space<vmem>>
        %swap3A_682 = arith.index_cast %scan3A_574 : i32 to index
        %swap3A_683 = arith.constant 48 : index
        %swap3A_684 = tpu.vector_load %swap3A_681[%swap3A_682, %swap3A_683] {strides = array<i32>} : memref<128x128xf32, #tpu.memory_space<vmem>>, vector<1x16xf32>,
        %swap3A_685 = vector.shape_cast %swap3A_684 : vector<1x16xf32> to vector<16xf32>
        %swap3A_686 = vector.shape_cast %mul3A_677 : vector<16xf32> to vector<1x16xf32>
        tpu.vector_store %swap3A_681[%swap3A_682, %swap3A_683], %swap3A_686 {strides = array<i32>} : memref<128x128xf32, #tpu.memory_space<vmem>>, vector<1x16xf32>,
        %mul3A_687 = arith.constant 11.3137083 : f32
        %mul3A_688 = vector.broadcast %mul3A_687 : f32 to vector<16xf32>
        %mul3A_689 = arith.mulf %get3A_614, %mul3A_688 : vector<16xf32>
        %swap3A_690 = arith.constant 0 : i32
        %swap3A_691 = arith.constant 0 : i32
        %swap3A_692 = tpu.memref_slice %arg7[%scan3A_251, %swap3A_690, %swap3A_691] : memref<3x128x128xf32, #tpu.memory_space<vmem>> -> memref<1x128x128xf32, #tpu.memory_space<vmem>>
        %swap3A_693 = tpu.memref_squeeze %swap3A_692 : memref<1x128x128xf32, #tpu.memory_space<vmem>> -> memref<128x128xf32, #tpu.memory_space<vmem>>
        %swap3A_694 = arith.index_cast %scan3A_574 : i32 to index
        %swap3A_695 = arith.constant 64 : index
        %swap3A_696 = tpu.vector_load %swap3A_693[%swap3A_694, %swap3A_695] {strides = array<i32>} : memref<128x128xf32, #tpu.memory_space<vmem>>, vector<1x16xf32>,
        %swap3A_697 = vector.shape_cast %swap3A_696 : vector<1x16xf32> to vector<16xf32>
        %swap3A_698 = vector.shape_cast %mul3A_689 : vector<16xf32> to vector<1x16xf32>
        tpu.vector_store %swap3A_693[%swap3A_694, %swap3A_695], %swap3A_698 {strides = array<i32>} : memref<128x128xf32, #tpu.memory_space<vmem>>, vector<1x16xf32>,
        %mul3A_699 = arith.constant 11.3137083 : f32
        %mul3A_700 = vector.broadcast %mul3A_699 : f32 to vector<16xf32>
        %mul3A_701 = arith.mulf %get3A_622, %mul3A_700 : vector<16xf32>
        %swap3A_702 = arith.constant 0 : i32
        %swap3A_703 = arith.constant 0 : i32
        %swap3A_704 = tpu.memref_slice %arg7[%scan3A_251, %swap3A_702, %swap3A_703] : memref<3x128x128xf32, #tpu.memory_space<vmem>> -> memref<1x128x128xf32, #tpu.memory_space<vmem>>
        %swap3A_705 = tpu.memref_squeeze %swap3A_704 : memref<1x128x128xf32, #tpu.memory_space<vmem>> -> memref<128x128xf32, #tpu.memory_space<vmem>>
        %swap3A_706 = arith.index_cast %scan3A_574 : i32 to index
        %swap3A_707 = arith.constant 80 : index
        %swap3A_708 = tpu.vector_load %swap3A_705[%swap3A_706, %swap3A_707] {strides = array<i32>} : memref<128x128xf32, #tpu.memory_space<vmem>>, vector<1x16xf32>,
        %swap3A_709 = vector.shape_cast %swap3A_708 : vector<1x16xf32> to vector<16xf32>
        %swap3A_710 = vector.shape_cast %mul3A_701 : vector<16xf32> to vector<1x16xf32>
        tpu.vector_store %swap3A_705[%swap3A_706, %swap3A_707], %swap3A_710 {strides = array<i32>} : memref<128x128xf32, #tpu.memory_space<vmem>>, vector<1x16xf32>,
        %mul3A_711 = arith.constant 11.3137083 : f32
        %mul3A_712 = vector.broadcast %mul3A_711 : f32 to vector<16xf32>
        %mul3A_713 = arith.mulf %get3A_630, %mul3A_712 : vector<16xf32>
        %swap3A_714 = arith.constant 0 : i32
        %swap3A_715 = arith.constant 0 : i32
        %swap3A_716 = tpu.memref_slice %arg7[%scan3A_251, %swap3A_714, %swap3A_715] : memref<3x128x128xf32, #tpu.memory_space<vmem>> -> memref<1x128x128xf32, #tpu.memory_space<vmem>>
        %swap3A_717 = tpu.memref_squeeze %swap3A_716 : memref<1x128x128xf32, #tpu.memory_space<vmem>> -> memref<128x128xf32, #tpu.memory_space<vmem>>
        %swap3A_718 = arith.index_cast %scan3A_574 : i32 to index
        %swap3A_719 = arith.constant 96 : index
        %swap3A_720 = tpu.vector_load %swap3A_717[%swap3A_718, %swap3A_719] {strides = array<i32>} : memref<128x128xf32, #tpu.memory_space<vmem>>, vector<1x16xf32>,
        %swap3A_721 = vector.shape_cast %swap3A_720 : vector<1x16xf32> to vector<16xf32>
        %swap3A_722 = vector.shape_cast %mul3A_713 : vector<16xf32> to vector<1x16xf32>
        tpu.vector_store %swap3A_717[%swap3A_718, %swap3A_719], %swap3A_722 {strides = array<i32>} : memref<128x128xf32, #tpu.memory_space<vmem>>, vector<1x16xf32>,
        %mul3A_723 = arith.constant 11.3137083 : f32
        %mul3A_724 = vector.broadcast %mul3A_723 : f32 to vector<16xf32>
        %mul3A_725 = arith.mulf %get3A_638, %mul3A_724 : vector<16xf32>
        %swap3A_726 = arith.constant 0 : i32
        %swap3A_727 = arith.constant 0 : i32
        %swap3A_728 = tpu.memref_slice %arg7[%scan3A_251, %swap3A_726, %swap3A_727] : memref<3x128x128xf32, #tpu.memory_space<vmem>> -> memref<1x128x128xf32, #tpu.memory_space<vmem>>
        %swap3A_729 = tpu.memref_squeeze %swap3A_728 : memref<1x128x128xf32, #tpu.memory_space<vmem>> -> memref<128x128xf32, #tpu.memory_space<vmem>>
        %swap3A_730 = arith.index_cast %scan3A_574 : i32 to index
        %swap3A_731 = arith.constant 112 : index
        %swap3A_732 = tpu.vector_load %swap3A_729[%swap3A_730, %swap3A_731] {strides = array<i32>} : memref<128x128xf32, #tpu.memory_space<vmem>>, vector<1x16xf32>,
        %swap3A_733 = vector.shape_cast %swap3A_732 : vector<1x16xf32> to vector<16xf32>
        %swap3A_734 = vector.shape_cast %mul3A_725 : vector<16xf32> to vector<1x16xf32>
        tpu.vector_store %swap3A_729[%swap3A_730, %swap3A_731], %swap3A_734 {strides = array<i32>} : memref<128x128xf32, #tpu.memory_space<vmem>>, vector<1x16xf32>,
      }
      %scan3A_256 = arith.constant 128 : i32
      %mul3A_257 = arith.constant 4096 : i32
      %mul3A_258 = arith.muli %add3A_216, %mul3A_257 : i32
      %mul3A_259 = arith.constant 128 : i32
      %mul3A_260 = arith.muli %add3A, %mul3A_259 : i32
      %add3A_261 = arith.addi %mul3A_258, %mul3A_260 : i32
      %dma_start3A_262 = arith.constant 0 : i32
      %dma_start3A_263 = arith.constant 0 : i32
      %dma_start3A_264 = arith.constant 0 : i32
      %dma_start3A_265 = arith.constant 0 : i32
      %dma_start3A_266 = tpu.memref_slice %arg7[%dma_start3A_262, %dma_start3A_264, %dma_start3A_265] : memref<3x128x128xf32, #tpu.memory_space<vmem>> -> memref<1x128x128xf32, #tpu.memory_space<vmem>>
      %dma_start3A_267 = tpu.memref_squeeze %dma_start3A_266 : memref<1x128x128xf32, #tpu.memory_space<vmem>> -> memref<128x128xf32, #tpu.memory_space<vmem>>
      %dma_start3A_268 = arith.constant 0 : i32
      %dma_start3A_269 = tpu.memref_slice %arg4[%add3A_261, %dma_start3A_268] : memref<204800x128xf32, #tpu.memory_space<hbm>> -> memref<128x128xf32, #tpu.memory_space<hbm>>
      %dma_start3A_270 = tpu.memref_slice %arg9[%dma_start3A_263] : memref<3x!tpu.dma_semaphore, #tpu.memory_space<semaphore_mem>> -> memref<1x!tpu.dma_semaphore, #tpu.memory_space<semaphore_mem>>
      %dma_start3A_271 = tpu.memref_squeeze %dma_start3A_270 : memref<1x!tpu.dma_semaphore, #tpu.memory_space<semaphore_mem>> -> memref<!tpu.dma_semaphore, #tpu.memory_space<semaphore_mem>>
      %dma_start3A_272 = arith.constant 0 : i32
      %dma_start3A_273 = tpu.memref_slice %arg4[%add3A_261, %dma_start3A_272] : memref<204800x128xf32, #tpu.memory_space<hbm>> -> memref<128x128xf32, #tpu.memory_space<hbm>>
      %dma_start3A_274 = arith.constant 0 : i32
      %dma_start3A_275 = arith.constant 0 : i32
      %dma_start3A_276 = tpu.memref_slice %arg7[%dma_start3A_262, %dma_start3A_274, %dma_start3A_275] : memref<3x128x128xf32, #tpu.memory_space<vmem>> -> memref<1x128x128xf32, #tpu.memory_space<vmem>>
      %dma_start3A_277 = tpu.memref_squeeze %dma_start3A_276 : memref<1x128x128xf32, #tpu.memory_space<vmem>> -> memref<128x128xf32, #tpu.memory_space<vmem>>
      tpu.enqueue_dma source(%dma_start3A_277 : memref<128x128xf32, #tpu.memory_space<vmem>>) target(%dma_start3A_273 : memref<128x128xf32, #tpu.memory_space<hbm>>) target_semaphore(%dma_start3A_271 : memref<!tpu.dma_semaphore, #tpu.memory_space<semaphore_mem>>)
      %mul3A_278 = arith.constant 3 : i32
      %mul3A_279 = arith.muli %mul3A_278, %scan3A_212 : i32
      %add3A_280 = arith.constant 1 : i32
      %add3A_281 = arith.addi %mul3A_279, %add3A_280 : i32
      %dma_wait3A_282 = arith.constant 1 : i32
      %dma_wait3A_283 = arith.constant 1 : i32
      %dma_wait3A_284 = arith.constant 0 : i32
      %dma_wait3A_285 = arith.constant 0 : i32
      %dma_wait3A_286 = tpu.memref_slice %arg6[%dma_wait3A_282, %dma_wait3A_284, %dma_wait3A_285] : memref<3x128x128xf32, #tpu.memory_space<vmem>> -> memref<1x128x128xf32, #tpu.memory_space<vmem>>
      %dma_wait3A_287 = tpu.memref_squeeze %dma_wait3A_286 : memref<1x128x128xf32, #tpu.memory_space<vmem>> -> memref<128x128xf32, #tpu.memory_space<vmem>>
      %dma_wait3A_288 = arith.constant 0 : i32
      %dma_wait3A_289 = tpu.memref_slice %arg5[%add3A_281, %dma_wait3A_288] : memref<50x128xi32, #tpu.memory_space<vmem>> -> memref<1x128xi32, #tpu.memory_space<vmem>>
      %dma_wait3A_290 = tpu.memref_squeeze %dma_wait3A_289 : memref<1x128xi32, #tpu.memory_space<vmem>> -> memref<128xi32, #tpu.memory_space<vmem>>
      %dma_wait3A_291 = arith.constant 0 : i32
      %dma_wait3A_292 = arith.constant 0 : i32
      %dma_wait3A_293 = tpu.memref_slice %arg3[%dma_wait3A_291, %dma_wait3A_292] : memref<100000x128xf32, #tpu.memory_space<hbm>> -> memref<100000x128xf32, #tpu.memory_space<hbm>>
      %dma_wait3A_294 = tpu.memref_slice %arg8[%dma_wait3A_283] : memref<3x!tpu.dma_semaphore, #tpu.memory_space<semaphore_mem>> -> memref<1x!tpu.dma_semaphore, #tpu.memory_space<semaphore_mem>>
      %dma_wait3A_295 = tpu.memref_squeeze %dma_wait3A_294 : memref<1x!tpu.dma_semaphore, #tpu.memory_space<semaphore_mem>> -> memref<!tpu.dma_semaphore, #tpu.memory_space<semaphore_mem>>
      tpu.wait_indirect_dma semaphore(%dma_wait3A_295 : memref<!tpu.dma_semaphore, #tpu.memory_space<semaphore_mem>>) src(%dma_wait3A_293 : memref<100000x128xf32, #tpu.memory_space<hbm>>) dst(%dma_wait3A_287 : memref<128x128xf32, #tpu.memory_space<vmem>>)
      %add3A_296 = arith.constant 2 : i32
      %add3A_297 = arith.addi %add3A_281, %add3A_296 : i32
      %dma_start3A_298 = arith.constant 0 : i32
      %dma_start3A_299 = arith.constant 0 : i32
      %dma_start3A_300 = arith.constant 0 : i32
      %dma_start3A_301 = arith.constant 0 : i32
      %dma_start3A_302 = tpu.memref_slice %arg6[%dma_start3A_298, %dma_start3A_300, %dma_start3A_301] : memref<3x128x128xf32, #tpu.memory_space<vmem>> -> memref<1x128x128xf32, #tpu.memory_space<vmem>>
      %dma_start3A_303 = tpu.memref_squeeze %dma_start3A_302 : memref<1x128x128xf32, #tpu.memory_space<vmem>> -> memref<128x128xf32, #tpu.memory_space<vmem>>
      %dma_start3A_304 = arith.constant 0 : i32
      %dma_start3A_305 = tpu.memref_slice %arg5[%add3A_297, %dma_start3A_304] : memref<50x128xi32, #tpu.memory_space<vmem>> -> memref<1x128xi32, #tpu.memory_space<vmem>>
      %dma_start3A_306 = tpu.memref_squeeze %dma_start3A_305 : memref<1x128xi32, #tpu.memory_space<vmem>> -> memref<128xi32, #tpu.memory_space<vmem>>
      %dma_start3A_307 = arith.constant 0 : i32
      %dma_start3A_308 = arith.constant 0 : i32
      %dma_start3A_309 = tpu.memref_slice %arg3[%dma_start3A_307, %dma_start3A_308] : memref<100000x128xf32, #tpu.memory_space<hbm>> -> memref<100000x128xf32, #tpu.memory_space<hbm>>
      %dma_start3A_310 = tpu.memref_slice %arg8[%dma_start3A_299] : memref<3x!tpu.dma_semaphore, #tpu.memory_space<semaphore_mem>> -> memref<1x!tpu.dma_semaphore, #tpu.memory_space<semaphore_mem>>
      %dma_start3A_311 = tpu.memref_squeeze %dma_start3A_310 : memref<1x!tpu.dma_semaphore, #tpu.memory_space<semaphore_mem>> -> memref<!tpu.dma_semaphore, #tpu.memory_space<semaphore_mem>>
      tpu.enqueue_indirect_dma source(%dma_start3A_309 : memref<100000x128xf32, #tpu.memory_space<hbm>>) target(%dma_start3A_303 : memref<128x128xf32, #tpu.memory_space<vmem>>) offsets(%dma_start3A_306 : memref<128xi32, #tpu.memory_space<vmem>>) semaphore(%dma_start3A_311 : memref<!tpu.dma_semaphore, #tpu.memory_space<semaphore_mem>>)
      %ge3A_312 = arith.constant 3 : i32
      %ge3A_313 = arith.cmpi sge, %add3A_281, %ge3A_312 : i32
      %convert_element_type3A_314 = arith.extui %ge3A_313 : i1 to i32
      %cond3A_315 = arith.constant 0 : i32
      %cond3A_316 = arith.cmpi ne, %convert_element_type3A_314, %cond3A_315 : i32
      scf.if %cond3A_316 {
        %dma_wait3A_414 = arith.constant 1 : i32
        %dma_wait3A_415 = arith.constant 1 : i32
        %dma_wait3A_416 = arith.constant 0 : i32
        %dma_wait3A_417 = arith.constant 0 : i32
        %dma_wait3A_418 = tpu.memref_slice %arg7[%dma_wait3A_414, %dma_wait3A_416, %dma_wait3A_417] : memref<3x128x128xf32, #tpu.memory_space<vmem>> -> memref<1x128x128xf32, #tpu.memory_space<vmem>>
        %dma_wait3A_419 = tpu.memref_squeeze %dma_wait3A_418 : memref<1x128x128xf32, #tpu.memory_space<vmem>> -> memref<128x128xf32, #tpu.memory_space<vmem>>
        %dma_wait3A_420 = arith.constant 0 : i32
        %dma_wait3A_421 = arith.constant 0 : i32
        %dma_wait3A_422 = tpu.memref_slice %arg4[%dma_wait3A_420, %dma_wait3A_421] : memref<204800x128xf32, #tpu.memory_space<hbm>> -> memref<128x128xf32, #tpu.memory_space<hbm>>
        %dma_wait3A_423 = tpu.memref_slice %arg9[%dma_wait3A_415] : memref<3x!tpu.dma_semaphore, #tpu.memory_space<semaphore_mem>> -> memref<1x!tpu.dma_semaphore, #tpu.memory_space<semaphore_mem>>
        %dma_wait3A_424 = tpu.memref_squeeze %dma_wait3A_423 : memref<1x!tpu.dma_semaphore, #tpu.memory_space<semaphore_mem>> -> memref<!tpu.dma_semaphore, #tpu.memory_space<semaphore_mem>>
        %dma_wait3A_425 = arith.constant 0 : i32
        %dma_wait3A_426 = arith.constant 0 : i32
        %dma_wait3A_427 = tpu.memref_slice %arg4[%dma_wait3A_425, %dma_wait3A_426] : memref<204800x128xf32, #tpu.memory_space<hbm>> -> memref<128x128xf32, #tpu.memory_space<hbm>>
        %dma_wait3A_428 = arith.constant 0 : i32
        %dma_wait3A_429 = arith.constant 0 : i32
        %dma_wait3A_430 = tpu.memref_slice %arg7[%dma_wait3A_414, %dma_wait3A_428, %dma_wait3A_429] : memref<3x128x128xf32, #tpu.memory_space<vmem>> -> memref<1x128x128xf32, #tpu.memory_space<vmem>>
        %dma_wait3A_431 = tpu.memref_squeeze %dma_wait3A_430 : memref<1x128x128xf32, #tpu.memory_space<vmem>> -> memref<128x128xf32, #tpu.memory_space<vmem>>
        tpu.wait_dma2 semaphore(%dma_wait3A_424 : memref<!tpu.dma_semaphore, #tpu.memory_space<semaphore_mem>>) src(%dma_wait3A_431 : memref<128x128xf32, #tpu.memory_space<vmem>>) dst(%dma_wait3A_427 : memref<128x128xf32, #tpu.memory_space<hbm>>)
      } else {
      }
      %scan3A_317 = arith.constant 0 : i32
      %scan3A_318 = arith.constant 1 : i32
      %scan3A_319 = arith.constant 1 : i32
      %scan3A_320 = arith.constant 0 : i32
      %scan3A_321 = arith.constant 128 : i32
      %scan3A_322 = arith.addi %scan3A_320, %scan3A_321 : i32
      %scan3A_323 = arith.constant 2 : i32
      scf.for %scan3A_414 = %scan3A_320 to %scan3A_322 step %scan3A_323  : i32 {
        %get3A = arith.constant 0 : i32
        %get3A_415 = arith.constant 0 : i32
        %get3A_416 = tpu.memref_slice %arg6[%scan3A_318, %get3A, %get3A_415] : memref<3x128x128xf32, #tpu.memory_space<vmem>> -> memref<1x128x128xf32, #tpu.memory_space<vmem>>
        %get3A_417 = tpu.memref_squeeze %get3A_416 : memref<1x128x128xf32, #tpu.memory_space<vmem>> -> memref<128x128xf32, #tpu.memory_space<vmem>>
        %get3A_418 = arith.index_cast %scan3A_414 : i32 to index
        %get3A_419 = arith.constant 0 : index
        %get3A_420 = tpu.vector_load %get3A_417[%get3A_418, %get3A_419] {strides = array<i32>} : memref<128x128xf32, #tpu.memory_space<vmem>>, vector<1x16xf32>,
        %get3A_421 = vector.shape_cast %get3A_420 : vector<1x16xf32> to vector<16xf32>
        %get3A_422 = arith.constant 0 : i32
        %get3A_423 = arith.constant 0 : i32
        %get3A_424 = tpu.memref_slice %arg6[%scan3A_318, %get3A_422, %get3A_423] : memref<3x128x128xf32, #tpu.memory_space<vmem>> -> memref<1x128x128xf32, #tpu.memory_space<vmem>>
        %get3A_425 = tpu.memref_squeeze %get3A_424 : memref<1x128x128xf32, #tpu.memory_space<vmem>> -> memref<128x128xf32, #tpu.memory_space<vmem>>
        %get3A_426 = arith.index_cast %scan3A_414 : i32 to index
        %get3A_427 = arith.constant 16 : index
        %get3A_428 = tpu.vector_load %get3A_425[%get3A_426, %get3A_427] {strides = array<i32>} : memref<128x128xf32, #tpu.memory_space<vmem>>, vector<1x16xf32>,
        %get3A_429 = vector.shape_cast %get3A_428 : vector<1x16xf32> to vector<16xf32>
        %get3A_430 = arith.constant 0 : i32
        %get3A_431 = arith.constant 0 : i32
        %get3A_432 = tpu.memref_slice %arg6[%scan3A_318, %get3A_430, %get3A_431] : memref<3x128x128xf32, #tpu.memory_space<vmem>> -> memref<1x128x128xf32, #tpu.memory_space<vmem>>
        %get3A_433 = tpu.memref_squeeze %get3A_432 : memref<1x128x128xf32, #tpu.memory_space<vmem>> -> memref<128x128xf32, #tpu.memory_space<vmem>>
        %get3A_434 = arith.index_cast %scan3A_414 : i32 to index
        %get3A_435 = arith.constant 32 : index
        %get3A_436 = tpu.vector_load %get3A_433[%get3A_434, %get3A_435] {strides = array<i32>} : memref<128x128xf32, #tpu.memory_space<vmem>>, vector<1x16xf32>,
        %get3A_437 = vector.shape_cast %get3A_436 : vector<1x16xf32> to vector<16xf32>
        %get3A_438 = arith.constant 0 : i32
        %get3A_439 = arith.constant 0 : i32
        %get3A_440 = tpu.memref_slice %arg6[%scan3A_318, %get3A_438, %get3A_439] : memref<3x128x128xf32, #tpu.memory_space<vmem>> -> memref<1x128x128xf32, #tpu.memory_space<vmem>>
        %get3A_441 = tpu.memref_squeeze %get3A_440 : memref<1x128x128xf32, #tpu.memory_space<vmem>> -> memref<128x128xf32, #tpu.memory_space<vmem>>
        %get3A_442 = arith.index_cast %scan3A_414 : i32 to index
        %get3A_443 = arith.constant 48 : index
        %get3A_444 = tpu.vector_load %get3A_441[%get3A_442, %get3A_443] {strides = array<i32>} : memref<128x128xf32, #tpu.memory_space<vmem>>, vector<1x16xf32>,
        %get3A_445 = vector.shape_cast %get3A_444 : vector<1x16xf32> to vector<16xf32>
        %get3A_446 = arith.constant 0 : i32
        %get3A_447 = arith.constant 0 : i32
        %get3A_448 = tpu.memref_slice %arg6[%scan3A_318, %get3A_446, %get3A_447] : memref<3x128x128xf32, #tpu.memory_space<vmem>> -> memref<1x128x128xf32, #tpu.memory_space<vmem>>
        %get3A_449 = tpu.memref_squeeze %get3A_448 : memref<1x128x128xf32, #tpu.memory_space<vmem>> -> memref<128x128xf32, #tpu.memory_space<vmem>>
        %get3A_450 = arith.index_cast %scan3A_414 : i32 to index
        %get3A_451 = arith.constant 64 : index
        %get3A_452 = tpu.vector_load %get3A_449[%get3A_450, %get3A_451] {strides = array<i32>} : memref<128x128xf32, #tpu.memory_space<vmem>>, vector<1x16xf32>,
        %get3A_453 = vector.shape_cast %get3A_452 : vector<1x16xf32> to vector<16xf32>
        %get3A_454 = arith.constant 0 : i32
        %get3A_455 = arith.constant 0 : i32
        %get3A_456 = tpu.memref_slice %arg6[%scan3A_318, %get3A_454, %get3A_455] : memref<3x128x128xf32, #tpu.memory_space<vmem>> -> memref<1x128x128xf32, #tpu.memory_space<vmem>>
        %get3A_457 = tpu.memref_squeeze %get3A_456 : memref<1x128x128xf32, #tpu.memory_space<vmem>> -> memref<128x128xf32, #tpu.memory_space<vmem>>
        %get3A_458 = arith.index_cast %scan3A_414 : i32 to index
        %get3A_459 = arith.constant 80 : index
        %get3A_460 = tpu.vector_load %get3A_457[%get3A_458, %get3A_459] {strides = array<i32>} : memref<128x128xf32, #tpu.memory_space<vmem>>, vector<1x16xf32>,
        %get3A_461 = vector.shape_cast %get3A_460 : vector<1x16xf32> to vector<16xf32>
        %get3A_462 = arith.constant 0 : i32
        %get3A_463 = arith.constant 0 : i32
        %get3A_464 = tpu.memref_slice %arg6[%scan3A_318, %get3A_462, %get3A_463] : memref<3x128x128xf32, #tpu.memory_space<vmem>> -> memref<1x128x128xf32, #tpu.memory_space<vmem>>
        %get3A_465 = tpu.memref_squeeze %get3A_464 : memref<1x128x128xf32, #tpu.memory_space<vmem>> -> memref<128x128xf32, #tpu.memory_space<vmem>>
        %get3A_466 = arith.index_cast %scan3A_414 : i32 to index
        %get3A_467 = arith.constant 96 : index
        %get3A_468 = tpu.vector_load %get3A_465[%get3A_466, %get3A_467] {strides = array<i32>} : memref<128x128xf32, #tpu.memory_space<vmem>>, vector<1x16xf32>,
        %get3A_469 = vector.shape_cast %get3A_468 : vector<1x16xf32> to vector<16xf32>
        %get3A_470 = arith.constant 0 : i32
        %get3A_471 = arith.constant 0 : i32
        %get3A_472 = tpu.memref_slice %arg6[%scan3A_318, %get3A_470, %get3A_471] : memref<3x128x128xf32, #tpu.memory_space<vmem>> -> memref<1x128x128xf32, #tpu.memory_space<vmem>>
        %get3A_473 = tpu.memref_squeeze %get3A_472 : memref<1x128x128xf32, #tpu.memory_space<vmem>> -> memref<128x128xf32, #tpu.memory_space<vmem>>
        %get3A_474 = arith.index_cast %scan3A_414 : i32 to index
        %get3A_475 = arith.constant 112 : index
        %get3A_476 = tpu.vector_load %get3A_473[%get3A_474, %get3A_475] {strides = array<i32>} : memref<128x128xf32, #tpu.memory_space<vmem>>, vector<1x16xf32>,
        %get3A_477 = vector.shape_cast %get3A_476 : vector<1x16xf32> to vector<16xf32>
        %mul3A_478 = arith.constant 11.3137083 : f32
        %mul3A_479 = vector.broadcast %mul3A_478 : f32 to vector<16xf32>
        %mul3A_480 = arith.mulf %get3A_421, %mul3A_479 : vector<16xf32>
        %swap3A = arith.constant 0 : i32
        %swap3A_481 = arith.constant 0 : i32
        %swap3A_482 = tpu.memref_slice %arg7[%scan3A_319, %swap3A, %swap3A_481] : memref<3x128x128xf32, #tpu.memory_space<vmem>> -> memref<1x128x128xf32, #tpu.memory_space<vmem>>
        %swap3A_483 = tpu.memref_squeeze %swap3A_482 : memref<1x128x128xf32, #tpu.memory_space<vmem>> -> memref<128x128xf32, #tpu.memory_space<vmem>>
        %swap3A_484 = arith.index_cast %scan3A_414 : i32 to index
        %swap3A_485 = arith.constant 0 : index
        %swap3A_486 = tpu.vector_load %swap3A_483[%swap3A_484, %swap3A_485] {strides = array<i32>} : memref<128x128xf32, #tpu.memory_space<vmem>>, vector<1x16xf32>,
        %swap3A_487 = vector.shape_cast %swap3A_486 : vector<1x16xf32> to vector<16xf32>
        %swap3A_488 = vector.shape_cast %mul3A_480 : vector<16xf32> to vector<1x16xf32>
        tpu.vector_store %swap3A_483[%swap3A_484, %swap3A_485], %swap3A_488 {strides = array<i32>} : memref<128x128xf32, #tpu.memory_space<vmem>>, vector<1x16xf32>,
        %mul3A_489 = arith.constant 11.3137083 : f32
        %mul3A_490 = vector.broadcast %mul3A_489 : f32 to vector<16xf32>
        %mul3A_491 = arith.mulf %get3A_429, %mul3A_490 : vector<16xf32>
        %swap3A_492 = arith.constant 0 : i32
        %swap3A_493 = arith.constant 0 : i32
        %swap3A_494 = tpu.memref_slice %arg7[%scan3A_319, %swap3A_492, %swap3A_493] : memref<3x128x128xf32, #tpu.memory_space<vmem>> -> memref<1x128x128xf32, #tpu.memory_space<vmem>>
        %swap3A_495 = tpu.memref_squeeze %swap3A_494 : memref<1x128x128xf32, #tpu.memory_space<vmem>> -> memref<128x128xf32, #tpu.memory_space<vmem>>
        %swap3A_496 = arith.index_cast %scan3A_414 : i32 to index
        %swap3A_497 = arith.constant 16 : index
        %swap3A_498 = tpu.vector_load %swap3A_495[%swap3A_496, %swap3A_497] {strides = array<i32>} : memref<128x128xf32, #tpu.memory_space<vmem>>, vector<1x16xf32>,
        %swap3A_499 = vector.shape_cast %swap3A_498 : vector<1x16xf32> to vector<16xf32>
        %swap3A_500 = vector.shape_cast %mul3A_491 : vector<16xf32> to vector<1x16xf32>
        tpu.vector_store %swap3A_495[%swap3A_496, %swap3A_497], %swap3A_500 {strides = array<i32>} : memref<128x128xf32, #tpu.memory_space<vmem>>, vector<1x16xf32>,
        %mul3A_501 = arith.constant 11.3137083 : f32
        %mul3A_502 = vector.broadcast %mul3A_501 : f32 to vector<16xf32>
        %mul3A_503 = arith.mulf %get3A_437, %mul3A_502 : vector<16xf32>
        %swap3A_504 = arith.constant 0 : i32
        %swap3A_505 = arith.constant 0 : i32
        %swap3A_506 = tpu.memref_slice %arg7[%scan3A_319, %swap3A_504, %swap3A_505] : memref<3x128x128xf32, #tpu.memory_space<vmem>> -> memref<1x128x128xf32, #tpu.memory_space<vmem>>
        %swap3A_507 = tpu.memref_squeeze %swap3A_506 : memref<1x128x128xf32, #tpu.memory_space<vmem>> -> memref<128x128xf32, #tpu.memory_space<vmem>>
        %swap3A_508 = arith.index_cast %scan3A_414 : i32 to index
        %swap3A_509 = arith.constant 32 : index
        %swap3A_510 = tpu.vector_load %swap3A_507[%swap3A_508, %swap3A_509] {strides = array<i32>} : memref<128x128xf32, #tpu.memory_space<vmem>>, vector<1x16xf32>,
        %swap3A_511 = vector.shape_cast %swap3A_510 : vector<1x16xf32> to vector<16xf32>
        %swap3A_512 = vector.shape_cast %mul3A_503 : vector<16xf32> to vector<1x16xf32>
        tpu.vector_store %swap3A_507[%swap3A_508, %swap3A_509], %swap3A_512 {strides = array<i32>} : memref<128x128xf32, #tpu.memory_space<vmem>>, vector<1x16xf32>,
        %mul3A_513 = arith.constant 11.3137083 : f32
        %mul3A_514 = vector.broadcast %mul3A_513 : f32 to vector<16xf32>
        %mul3A_515 = arith.mulf %get3A_445, %mul3A_514 : vector<16xf32>
        %swap3A_516 = arith.constant 0 : i32
        %swap3A_517 = arith.constant 0 : i32
        %swap3A_518 = tpu.memref_slice %arg7[%scan3A_319, %swap3A_516, %swap3A_517] : memref<3x128x128xf32, #tpu.memory_space<vmem>> -> memref<1x128x128xf32, #tpu.memory_space<vmem>>
        %swap3A_519 = tpu.memref_squeeze %swap3A_518 : memref<1x128x128xf32, #tpu.memory_space<vmem>> -> memref<128x128xf32, #tpu.memory_space<vmem>>
        %swap3A_520 = arith.index_cast %scan3A_414 : i32 to index
        %swap3A_521 = arith.constant 48 : index
        %swap3A_522 = tpu.vector_load %swap3A_519[%swap3A_520, %swap3A_521] {strides = array<i32>} : memref<128x128xf32, #tpu.memory_space<vmem>>, vector<1x16xf32>,
        %swap3A_523 = vector.shape_cast %swap3A_522 : vector<1x16xf32> to vector<16xf32>
        %swap3A_524 = vector.shape_cast %mul3A_515 : vector<16xf32> to vector<1x16xf32>
        tpu.vector_store %swap3A_519[%swap3A_520, %swap3A_521], %swap3A_524 {strides = array<i32>} : memref<128x128xf32, #tpu.memory_space<vmem>>, vector<1x16xf32>,
        %mul3A_525 = arith.constant 11.3137083 : f32
        %mul3A_526 = vector.broadcast %mul3A_525 : f32 to vector<16xf32>
        %mul3A_527 = arith.mulf %get3A_453, %mul3A_526 : vector<16xf32>
        %swap3A_528 = arith.constant 0 : i32
        %swap3A_529 = arith.constant 0 : i32
        %swap3A_530 = tpu.memref_slice %arg7[%scan3A_319, %swap3A_528, %swap3A_529] : memref<3x128x128xf32, #tpu.memory_space<vmem>> -> memref<1x128x128xf32, #tpu.memory_space<vmem>>
        %swap3A_531 = tpu.memref_squeeze %swap3A_530 : memref<1x128x128xf32, #tpu.memory_space<vmem>> -> memref<128x128xf32, #tpu.memory_space<vmem>>
        %swap3A_532 = arith.index_cast %scan3A_414 : i32 to index
        %swap3A_533 = arith.constant 64 : index
        %swap3A_534 = tpu.vector_load %swap3A_531[%swap3A_532, %swap3A_533] {strides = array<i32>} : memref<128x128xf32, #tpu.memory_space<vmem>>, vector<1x16xf32>,
        %swap3A_535 = vector.shape_cast %swap3A_534 : vector<1x16xf32> to vector<16xf32>
        %swap3A_536 = vector.shape_cast %mul3A_527 : vector<16xf32> to vector<1x16xf32>
        tpu.vector_store %swap3A_531[%swap3A_532, %swap3A_533], %swap3A_536 {strides = array<i32>} : memref<128x128xf32, #tpu.memory_space<vmem>>, vector<1x16xf32>,
        %mul3A_537 = arith.constant 11.3137083 : f32
        %mul3A_538 = vector.broadcast %mul3A_537 : f32 to vector<16xf32>
        %mul3A_539 = arith.mulf %get3A_461, %mul3A_538 : vector<16xf32>
        %swap3A_540 = arith.constant 0 : i32
        %swap3A_541 = arith.constant 0 : i32
        %swap3A_542 = tpu.memref_slice %arg7[%scan3A_319, %swap3A_540, %swap3A_541] : memref<3x128x128xf32, #tpu.memory_space<vmem>> -> memref<1x128x128xf32, #tpu.memory_space<vmem>>
        %swap3A_543 = tpu.memref_squeeze %swap3A_542 : memref<1x128x128xf32, #tpu.memory_space<vmem>> -> memref<128x128xf32, #tpu.memory_space<vmem>>
        %swap3A_544 = arith.index_cast %scan3A_414 : i32 to index
        %swap3A_545 = arith.constant 80 : index
        %swap3A_546 = tpu.vector_load %swap3A_543[%swap3A_544, %swap3A_545] {strides = array<i32>} : memref<128x128xf32, #tpu.memory_space<vmem>>, vector<1x16xf32>,
        %swap3A_547 = vector.shape_cast %swap3A_546 : vector<1x16xf32> to vector<16xf32>
        %swap3A_548 = vector.shape_cast %mul3A_539 : vector<16xf32> to vector<1x16xf32>
        tpu.vector_store %swap3A_543[%swap3A_544, %swap3A_545], %swap3A_548 {strides = array<i32>} : memref<128x128xf32, #tpu.memory_space<vmem>>, vector<1x16xf32>,
        %mul3A_549 = arith.constant 11.3137083 : f32
        %mul3A_550 = vector.broadcast %mul3A_549 : f32 to vector<16xf32>
        %mul3A_551 = arith.mulf %get3A_469, %mul3A_550 : vector<16xf32>
        %swap3A_552 = arith.constant 0 : i32
        %swap3A_553 = arith.constant 0 : i32
        %swap3A_554 = tpu.memref_slice %arg7[%scan3A_319, %swap3A_552, %swap3A_553] : memref<3x128x128xf32, #tpu.memory_space<vmem>> -> memref<1x128x128xf32, #tpu.memory_space<vmem>>
        %swap3A_555 = tpu.memref_squeeze %swap3A_554 : memref<1x128x128xf32, #tpu.memory_space<vmem>> -> memref<128x128xf32, #tpu.memory_space<vmem>>
        %swap3A_556 = arith.index_cast %scan3A_414 : i32 to index
        %swap3A_557 = arith.constant 96 : index
        %swap3A_558 = tpu.vector_load %swap3A_555[%swap3A_556, %swap3A_557] {strides = array<i32>} : memref<128x128xf32, #tpu.memory_space<vmem>>, vector<1x16xf32>,
        %swap3A_559 = vector.shape_cast %swap3A_558 : vector<1x16xf32> to vector<16xf32>
        %swap3A_560 = vector.shape_cast %mul3A_551 : vector<16xf32> to vector<1x16xf32>
        tpu.vector_store %swap3A_555[%swap3A_556, %swap3A_557], %swap3A_560 {strides = array<i32>} : memref<128x128xf32, #tpu.memory_space<vmem>>, vector<1x16xf32>,
        %mul3A_561 = arith.constant 11.3137083 : f32
        %mul3A_562 = vector.broadcast %mul3A_561 : f32 to vector<16xf32>
        %mul3A_563 = arith.mulf %get3A_477, %mul3A_562 : vector<16xf32>
        %swap3A_564 = arith.constant 0 : i32
        %swap3A_565 = arith.constant 0 : i32
        %swap3A_566 = tpu.memref_slice %arg7[%scan3A_319, %swap3A_564, %swap3A_565] : memref<3x128x128xf32, #tpu.memory_space<vmem>> -> memref<1x128x128xf32, #tpu.memory_space<vmem>>
        %swap3A_567 = tpu.memref_squeeze %swap3A_566 : memref<1x128x128xf32, #tpu.memory_space<vmem>> -> memref<128x128xf32, #tpu.memory_space<vmem>>
        %swap3A_568 = arith.index_cast %scan3A_414 : i32 to index
        %swap3A_569 = arith.constant 112 : index
        %swap3A_570 = tpu.vector_load %swap3A_567[%swap3A_568, %swap3A_569] {strides = array<i32>} : memref<128x128xf32, #tpu.memory_space<vmem>>, vector<1x16xf32>,
        %swap3A_571 = vector.shape_cast %swap3A_570 : vector<1x16xf32> to vector<16xf32>
        %swap3A_572 = vector.shape_cast %mul3A_563 : vector<16xf32> to vector<1x16xf32>
        tpu.vector_store %swap3A_567[%swap3A_568, %swap3A_569], %swap3A_572 {strides = array<i32>} : memref<128x128xf32, #tpu.memory_space<vmem>>, vector<1x16xf32>,
        %scan3A_573 = arith.constant 1 : i32
        %scan3A_574 = arith.addi %scan3A_414, %scan3A_573 : i32
        %get3A_575 = arith.constant 0 : i32
        %get3A_576 = arith.constant 0 : i32
        %get3A_577 = tpu.memref_slice %arg6[%scan3A_318, %get3A_575, %get3A_576] : memref<3x128x128xf32, #tpu.memory_space<vmem>> -> memref<1x128x128xf32, #tpu.memory_space<vmem>>
        %get3A_578 = tpu.memref_squeeze %get3A_577 : memref<1x128x128xf32, #tpu.memory_space<vmem>> -> memref<128x128xf32, #tpu.memory_space<vmem>>
        %get3A_579 = arith.index_cast %scan3A_574 : i32 to index
        %get3A_580 = arith.constant 0 : index
        %get3A_581 = tpu.vector_load %get3A_578[%get3A_579, %get3A_580] {strides = array<i32>} : memref<128x128xf32, #tpu.memory_space<vmem>>, vector<1x16xf32>,
        %get3A_582 = vector.shape_cast %get3A_581 : vector<1x16xf32> to vector<16xf32>
        %get3A_583 = arith.constant 0 : i32
        %get3A_584 = arith.constant 0 : i32
        %get3A_585 = tpu.memref_slice %arg6[%scan3A_318, %get3A_583, %get3A_584] : memref<3x128x128xf32, #tpu.memory_space<vmem>> -> memref<1x128x128xf32, #tpu.memory_space<vmem>>
        %get3A_586 = tpu.memref_squeeze %get3A_585 : memref<1x128x128xf32, #tpu.memory_space<vmem>> -> memref<128x128xf32, #tpu.memory_space<vmem>>
        %get3A_587 = arith.index_cast %scan3A_574 : i32 to index
        %get3A_588 = arith.constant 16 : index
        %get3A_589 = tpu.vector_load %get3A_586[%get3A_587, %get3A_588] {strides = array<i32>} : memref<128x128xf32, #tpu.memory_space<vmem>>, vector<1x16xf32>,
        %get3A_590 = vector.shape_cast %get3A_589 : vector<1x16xf32> to vector<16xf32>
        %get3A_591 = arith.constant 0 : i32
        %get3A_592 = arith.constant 0 : i32
        %get3A_593 = tpu.memref_slice %arg6[%scan3A_318, %get3A_591, %get3A_592] : memref<3x128x128xf32, #tpu.memory_space<vmem>> -> memref<1x128x128xf32, #tpu.memory_space<vmem>>
        %get3A_594 = tpu.memref_squeeze %get3A_593 : memref<1x128x128xf32, #tpu.memory_space<vmem>> -> memref<128x128xf32, #tpu.memory_space<vmem>>
        %get3A_595 = arith.index_cast %scan3A_574 : i32 to index
        %get3A_596 = arith.constant 32 : index
        %get3A_597 = tpu.vector_load %get3A_594[%get3A_595, %get3A_596] {strides = array<i32>} : memref<128x128xf32, #tpu.memory_space<vmem>>, vector<1x16xf32>,
        %get3A_598 = vector.shape_cast %get3A_597 : vector<1x16xf32> to vector<16xf32>
        %get3A_599 = arith.constant 0 : i32
        %get3A_600 = arith.constant 0 : i32
        %get3A_601 = tpu.memref_slice %arg6[%scan3A_318, %get3A_599, %get3A_600] : memref<3x128x128xf32, #tpu.memory_space<vmem>> -> memref<1x128x128xf32, #tpu.memory_space<vmem>>
        %get3A_602 = tpu.memref_squeeze %get3A_601 : memref<1x128x128xf32, #tpu.memory_space<vmem>> -> memref<128x128xf32, #tpu.memory_space<vmem>>
        %get3A_603 = arith.index_cast %scan3A_574 : i32 to index
        %get3A_604 = arith.constant 48 : index
        %get3A_605 = tpu.vector_load %get3A_602[%get3A_603, %get3A_604] {strides = array<i32>} : memref<128x128xf32, #tpu.memory_space<vmem>>, vector<1x16xf32>,
        %get3A_606 = vector.shape_cast %get3A_605 : vector<1x16xf32> to vector<16xf32>
        %get3A_607 = arith.constant 0 : i32
        %get3A_608 = arith.constant 0 : i32
        %get3A_609 = tpu.memref_slice %arg6[%scan3A_318, %get3A_607, %get3A_608] : memref<3x128x128xf32, #tpu.memory_space<vmem>> -> memref<1x128x128xf32, #tpu.memory_space<vmem>>
        %get3A_610 = tpu.memref_squeeze %get3A_609 : memref<1x128x128xf32, #tpu.memory_space<vmem>> -> memref<128x128xf32, #tpu.memory_space<vmem>>
        %get3A_611 = arith.index_cast %scan3A_574 : i32 to index
        %get3A_612 = arith.constant 64 : index
        %get3A_613 = tpu.vector_load %get3A_610[%get3A_611, %get3A_612] {strides = array<i32>} : memref<128x128xf32, #tpu.memory_space<vmem>>, vector<1x16xf32>,
        %get3A_614 = vector.shape_cast %get3A_613 : vector<1x16xf32> to vector<16xf32>
        %get3A_615 = arith.constant 0 : i32
        %get3A_616 = arith.constant 0 : i32
        %get3A_617 = tpu.memref_slice %arg6[%scan3A_318, %get3A_615, %get3A_616] : memref<3x128x128xf32, #tpu.memory_space<vmem>> -> memref<1x128x128xf32, #tpu.memory_space<vmem>>
        %get3A_618 = tpu.memref_squeeze %get3A_617 : memref<1x128x128xf32, #tpu.memory_space<vmem>> -> memref<128x128xf32, #tpu.memory_space<vmem>>
        %get3A_619 = arith.index_cast %scan3A_574 : i32 to index
        %get3A_620 = arith.constant 80 : index
        %get3A_621 = tpu.vector_load %get3A_618[%get3A_619, %get3A_620] {strides = array<i32>} : memref<128x128xf32, #tpu.memory_space<vmem>>, vector<1x16xf32>,
        %get3A_622 = vector.shape_cast %get3A_621 : vector<1x16xf32> to vector<16xf32>
        %get3A_623 = arith.constant 0 : i32
        %get3A_624 = arith.constant 0 : i32
        %get3A_625 = tpu.memref_slice %arg6[%scan3A_318, %get3A_623, %get3A_624] : memref<3x128x128xf32, #tpu.memory_space<vmem>> -> memref<1x128x128xf32, #tpu.memory_space<vmem>>
        %get3A_626 = tpu.memref_squeeze %get3A_625 : memref<1x128x128xf32, #tpu.memory_space<vmem>> -> memref<128x128xf32, #tpu.memory_space<vmem>>
        %get3A_627 = arith.index_cast %scan3A_574 : i32 to index
        %get3A_628 = arith.constant 96 : index
        %get3A_629 = tpu.vector_load %get3A_626[%get3A_627, %get3A_628] {strides = array<i32>} : memref<128x128xf32, #tpu.memory_space<vmem>>, vector<1x16xf32>,
        %get3A_630 = vector.shape_cast %get3A_629 : vector<1x16xf32> to vector<16xf32>
        %get3A_631 = arith.constant 0 : i32
        %get3A_632 = arith.constant 0 : i32
        %get3A_633 = tpu.memref_slice %arg6[%scan3A_318, %get3A_631, %get3A_632] : memref<3x128x128xf32, #tpu.memory_space<vmem>> -> memref<1x128x128xf32, #tpu.memory_space<vmem>>
        %get3A_634 = tpu.memref_squeeze %get3A_633 : memref<1x128x128xf32, #tpu.memory_space<vmem>> -> memref<128x128xf32, #tpu.memory_space<vmem>>
        %get3A_635 = arith.index_cast %scan3A_574 : i32 to index
        %get3A_636 = arith.constant 112 : index
        %get3A_637 = tpu.vector_load %get3A_634[%get3A_635, %get3A_636] {strides = array<i32>} : memref<128x128xf32, #tpu.memory_space<vmem>>, vector<1x16xf32>,
        %get3A_638 = vector.shape_cast %get3A_637 : vector<1x16xf32> to vector<16xf32>
        %mul3A_639 = arith.constant 11.3137083 : f32
        %mul3A_640 = vector.broadcast %mul3A_639 : f32 to vector<16xf32>
        %mul3A_641 = arith.mulf %get3A_582, %mul3A_640 : vector<16xf32>
        %swap3A_642 = arith.constant 0 : i32
        %swap3A_643 = arith.constant 0 : i32
        %swap3A_644 = tpu.memref_slice %arg7[%scan3A_319, %swap3A_642, %swap3A_643] : memref<3x128x128xf32, #tpu.memory_space<vmem>> -> memref<1x128x128xf32, #tpu.memory_space<vmem>>
        %swap3A_645 = tpu.memref_squeeze %swap3A_644 : memref<1x128x128xf32, #tpu.memory_space<vmem>> -> memref<128x128xf32, #tpu.memory_space<vmem>>
        %swap3A_646 = arith.index_cast %scan3A_574 : i32 to index
        %swap3A_647 = arith.constant 0 : index
        %swap3A_648 = tpu.vector_load %swap3A_645[%swap3A_646, %swap3A_647] {strides = array<i32>} : memref<128x128xf32, #tpu.memory_space<vmem>>, vector<1x16xf32>,
        %swap3A_649 = vector.shape_cast %swap3A_648 : vector<1x16xf32> to vector<16xf32>
        %swap3A_650 = vector.shape_cast %mul3A_641 : vector<16xf32> to vector<1x16xf32>
        tpu.vector_store %swap3A_645[%swap3A_646, %swap3A_647], %swap3A_650 {strides = array<i32>} : memref<128x128xf32, #tpu.memory_space<vmem>>, vector<1x16xf32>,
        %mul3A_651 = arith.constant 11.3137083 : f32
        %mul3A_652 = vector.broadcast %mul3A_651 : f32 to vector<16xf32>
        %mul3A_653 = arith.mulf %get3A_590, %mul3A_652 : vector<16xf32>
        %swap3A_654 = arith.constant 0 : i32
        %swap3A_655 = arith.constant 0 : i32
        %swap3A_656 = tpu.memref_slice %arg7[%scan3A_319, %swap3A_654, %swap3A_655] : memref<3x128x128xf32, #tpu.memory_space<vmem>> -> memref<1x128x128xf32, #tpu.memory_space<vmem>>
        %swap3A_657 = tpu.memref_squeeze %swap3A_656 : memref<1x128x128xf32, #tpu.memory_space<vmem>> -> memref<128x128xf32, #tpu.memory_space<vmem>>
        %swap3A_658 = arith.index_cast %scan3A_574 : i32 to index
        %swap3A_659 = arith.constant 16 : index
        %swap3A_660 = tpu.vector_load %swap3A_657[%swap3A_658, %swap3A_659] {strides = array<i32>} : memref<128x128xf32, #tpu.memory_space<vmem>>, vector<1x16xf32>,
        %swap3A_661 = vector.shape_cast %swap3A_660 : vector<1x16xf32> to vector<16xf32>
        %swap3A_662 = vector.shape_cast %mul3A_653 : vector<16xf32> to vector<1x16xf32>
        tpu.vector_store %swap3A_657[%swap3A_658, %swap3A_659], %swap3A_662 {strides = array<i32>} : memref<128x128xf32, #tpu.memory_space<vmem>>, vector<1x16xf32>,
        %mul3A_663 = arith.constant 11.3137083 : f32
        %mul3A_664 = vector.broadcast %mul3A_663 : f32 to vector<16xf32>
        %mul3A_665 = arith.mulf %get3A_598, %mul3A_664 : vector<16xf32>
        %swap3A_666 = arith.constant 0 : i32
        %swap3A_667 = arith.constant 0 : i32
        %swap3A_668 = tpu.memref_slice %arg7[%scan3A_319, %swap3A_666, %swap3A_667] : memref<3x128x128xf32, #tpu.memory_space<vmem>> -> memref<1x128x128xf32, #tpu.memory_space<vmem>>
        %swap3A_669 = tpu.memref_squeeze %swap3A_668 : memref<1x128x128xf32, #tpu.memory_space<vmem>> -> memref<128x128xf32, #tpu.memory_space<vmem>>
        %swap3A_670 = arith.index_cast %scan3A_574 : i32 to index
        %swap3A_671 = arith.constant 32 : index
        %swap3A_672 = tpu.vector_load %swap3A_669[%swap3A_670, %swap3A_671] {strides = array<i32>} : memref<128x128xf32, #tpu.memory_space<vmem>>, vector<1x16xf32>,
        %swap3A_673 = vector.shape_cast %swap3A_672 : vector<1x16xf32> to vector<16xf32>
        %swap3A_674 = vector.shape_cast %mul3A_665 : vector<16xf32> to vector<1x16xf32>
        tpu.vector_store %swap3A_669[%swap3A_670, %swap3A_671], %swap3A_674 {strides = array<i32>} : memref<128x128xf32, #tpu.memory_space<vmem>>, vector<1x16xf32>,
        %mul3A_675 = arith.constant 11.3137083 : f32
        %mul3A_676 = vector.broadcast %mul3A_675 : f32 to vector<16xf32>
        %mul3A_677 = arith.mulf %get3A_606, %mul3A_676 : vector<16xf32>
        %swap3A_678 = arith.constant 0 : i32
        %swap3A_679 = arith.constant 0 : i32
        %swap3A_680 = tpu.memref_slice %arg7[%scan3A_319, %swap3A_678, %swap3A_679] : memref<3x128x128xf32, #tpu.memory_space<vmem>> -> memref<1x128x128xf32, #tpu.memory_space<vmem>>
        %swap3A_681 = tpu.memref_squeeze %swap3A_680 : memref<1x128x128xf32, #tpu.memory_space<vmem>> -> memref<128x128xf32, #tpu.memory_space<vmem>>
        %swap3A_682 = arith.index_cast %scan3A_574 : i32 to index
        %swap3A_683 = arith.constant 48 : index
        %swap3A_684 = tpu.vector_load %swap3A_681[%swap3A_682, %swap3A_683] {strides = array<i32>} : memref<128x128xf32, #tpu.memory_space<vmem>>, vector<1x16xf32>,
        %swap3A_685 = vector.shape_cast %swap3A_684 : vector<1x16xf32> to vector<16xf32>
        %swap3A_686 = vector.shape_cast %mul3A_677 : vector<16xf32> to vector<1x16xf32>
        tpu.vector_store %swap3A_681[%swap3A_682, %swap3A_683], %swap3A_686 {strides = array<i32>} : memref<128x128xf32, #tpu.memory_space<vmem>>, vector<1x16xf32>,
        %mul3A_687 = arith.constant 11.3137083 : f32
        %mul3A_688 = vector.broadcast %mul3A_687 : f32 to vector<16xf32>
        %mul3A_689 = arith.mulf %get3A_614, %mul3A_688 : vector<16xf32>
        %swap3A_690 = arith.constant 0 : i32
        %swap3A_691 = arith.constant 0 : i32
        %swap3A_692 = tpu.memref_slice %arg7[%scan3A_319, %swap3A_690, %swap3A_691] : memref<3x128x128xf32, #tpu.memory_space<vmem>> -> memref<1x128x128xf32, #tpu.memory_space<vmem>>
        %swap3A_693 = tpu.memref_squeeze %swap3A_692 : memref<1x128x128xf32, #tpu.memory_space<vmem>> -> memref<128x128xf32, #tpu.memory_space<vmem>>
        %swap3A_694 = arith.index_cast %scan3A_574 : i32 to index
        %swap3A_695 = arith.constant 64 : index
        %swap3A_696 = tpu.vector_load %swap3A_693[%swap3A_694, %swap3A_695] {strides = array<i32>} : memref<128x128xf32, #tpu.memory_space<vmem>>, vector<1x16xf32>,
        %swap3A_697 = vector.shape_cast %swap3A_696 : vector<1x16xf32> to vector<16xf32>
        %swap3A_698 = vector.shape_cast %mul3A_689 : vector<16xf32> to vector<1x16xf32>
        tpu.vector_store %swap3A_693[%swap3A_694, %swap3A_695], %swap3A_698 {strides = array<i32>} : memref<128x128xf32, #tpu.memory_space<vmem>>, vector<1x16xf32>,
        %mul3A_699 = arith.constant 11.3137083 : f32
        %mul3A_700 = vector.broadcast %mul3A_699 : f32 to vector<16xf32>
        %mul3A_701 = arith.mulf %get3A_622, %mul3A_700 : vector<16xf32>
        %swap3A_702 = arith.constant 0 : i32
        %swap3A_703 = arith.constant 0 : i32
        %swap3A_704 = tpu.memref_slice %arg7[%scan3A_319, %swap3A_702, %swap3A_703] : memref<3x128x128xf32, #tpu.memory_space<vmem>> -> memref<1x128x128xf32, #tpu.memory_space<vmem>>
        %swap3A_705 = tpu.memref_squeeze %swap3A_704 : memref<1x128x128xf32, #tpu.memory_space<vmem>> -> memref<128x128xf32, #tpu.memory_space<vmem>>
        %swap3A_706 = arith.index_cast %scan3A_574 : i32 to index
        %swap3A_707 = arith.constant 80 : index
        %swap3A_708 = tpu.vector_load %swap3A_705[%swap3A_706, %swap3A_707] {strides = array<i32>} : memref<128x128xf32, #tpu.memory_space<vmem>>, vector<1x16xf32>,
        %swap3A_709 = vector.shape_cast %swap3A_708 : vector<1x16xf32> to vector<16xf32>
        %swap3A_710 = vector.shape_cast %mul3A_701 : vector<16xf32> to vector<1x16xf32>
        tpu.vector_store %swap3A_705[%swap3A_706, %swap3A_707], %swap3A_710 {strides = array<i32>} : memref<128x128xf32, #tpu.memory_space<vmem>>, vector<1x16xf32>,
        %mul3A_711 = arith.constant 11.3137083 : f32
        %mul3A_712 = vector.broadcast %mul3A_711 : f32 to vector<16xf32>
        %mul3A_713 = arith.mulf %get3A_630, %mul3A_712 : vector<16xf32>
        %swap3A_714 = arith.constant 0 : i32
        %swap3A_715 = arith.constant 0 : i32
        %swap3A_716 = tpu.memref_slice %arg7[%scan3A_319, %swap3A_714, %swap3A_715] : memref<3x128x128xf32, #tpu.memory_space<vmem>> -> memref<1x128x128xf32, #tpu.memory_space<vmem>>
        %swap3A_717 = tpu.memref_squeeze %swap3A_716 : memref<1x128x128xf32, #tpu.memory_space<vmem>> -> memref<128x128xf32, #tpu.memory_space<vmem>>
        %swap3A_718 = arith.index_cast %scan3A_574 : i32 to index
        %swap3A_719 = arith.constant 96 : index
        %swap3A_720 = tpu.vector_load %swap3A_717[%swap3A_718, %swap3A_719] {strides = array<i32>} : memref<128x128xf32, #tpu.memory_space<vmem>>, vector<1x16xf32>,
        %swap3A_721 = vector.shape_cast %swap3A_720 : vector<1x16xf32> to vector<16xf32>
        %swap3A_722 = vector.shape_cast %mul3A_713 : vector<16xf32> to vector<1x16xf32>
        tpu.vector_store %swap3A_717[%swap3A_718, %swap3A_719], %swap3A_722 {strides = array<i32>} : memref<128x128xf32, #tpu.memory_space<vmem>>, vector<1x16xf32>,
        %mul3A_723 = arith.constant 11.3137083 : f32
        %mul3A_724 = vector.broadcast %mul3A_723 : f32 to vector<16xf32>
        %mul3A_725 = arith.mulf %get3A_638, %mul3A_724 : vector<16xf32>
        %swap3A_726 = arith.constant 0 : i32
        %swap3A_727 = arith.constant 0 : i32
        %swap3A_728 = tpu.memref_slice %arg7[%scan3A_319, %swap3A_726, %swap3A_727] : memref<3x128x128xf32, #tpu.memory_space<vmem>> -> memref<1x128x128xf32, #tpu.memory_space<vmem>>
        %swap3A_729 = tpu.memref_squeeze %swap3A_728 : memref<1x128x128xf32, #tpu.memory_space<vmem>> -> memref<128x128xf32, #tpu.memory_space<vmem>>
        %swap3A_730 = arith.index_cast %scan3A_574 : i32 to index
        %swap3A_731 = arith.constant 112 : index
        %swap3A_732 = tpu.vector_load %swap3A_729[%swap3A_730, %swap3A_731] {strides = array<i32>} : memref<128x128xf32, #tpu.memory_space<vmem>>, vector<1x16xf32>,
        %swap3A_733 = vector.shape_cast %swap3A_732 : vector<1x16xf32> to vector<16xf32>
        %swap3A_734 = vector.shape_cast %mul3A_725 : vector<16xf32> to vector<1x16xf32>
        tpu.vector_store %swap3A_729[%swap3A_730, %swap3A_731], %swap3A_734 {strides = array<i32>} : memref<128x128xf32, #tpu.memory_space<vmem>>, vector<1x16xf32>,
      }
      %scan3A_324 = arith.constant 128 : i32
      %mul3A_325 = arith.constant 4096 : i32
      %mul3A_326 = arith.muli %add3A_281, %mul3A_325 : i32
      %mul3A_327 = arith.constant 128 : i32
      %mul3A_328 = arith.muli %add3A, %mul3A_327 : i32
      %add3A_329 = arith.addi %mul3A_326, %mul3A_328 : i32
      %dma_start3A_330 = arith.constant 1 : i32
      %dma_start3A_331 = arith.constant 1 : i32
      %dma_start3A_332 = arith.constant 0 : i32
      %dma_start3A_333 = arith.constant 0 : i32
      %dma_start3A_334 = tpu.memref_slice %arg7[%dma_start3A_330, %dma_start3A_332, %dma_start3A_333] : memref<3x128x128xf32, #tpu.memory_space<vmem>> -> memref<1x128x128xf32, #tpu.memory_space<vmem>>
      %dma_start3A_335 = tpu.memref_squeeze %dma_start3A_334 : memref<1x128x128xf32, #tpu.memory_space<vmem>> -> memref<128x128xf32, #tpu.memory_space<vmem>>
      %dma_start3A_336 = arith.constant 0 : i32
      %dma_start3A_337 = tpu.memref_slice %arg4[%add3A_329, %dma_start3A_336] : memref<204800x128xf32, #tpu.memory_space<hbm>> -> memref<128x128xf32, #tpu.memory_space<hbm>>
      %dma_start3A_338 = tpu.memref_slice %arg9[%dma_start3A_331] : memref<3x!tpu.dma_semaphore, #tpu.memory_space<semaphore_mem>> -> memref<1x!tpu.dma_semaphore, #tpu.memory_space<semaphore_mem>>
      %dma_start3A_339 = tpu.memref_squeeze %dma_start3A_338 : memref<1x!tpu.dma_semaphore, #tpu.memory_space<semaphore_mem>> -> memref<!tpu.dma_semaphore, #tpu.memory_space<semaphore_mem>>
      %dma_start3A_340 = arith.constant 0 : i32
      %dma_start3A_341 = tpu.memref_slice %arg4[%add3A_329, %dma_start3A_340] : memref<204800x128xf32, #tpu.memory_space<hbm>> -> memref<128x128xf32, #tpu.memory_space<hbm>>
      %dma_start3A_342 = arith.constant 0 : i32
      %dma_start3A_343 = arith.constant 0 : i32
      %dma_start3A_344 = tpu.memref_slice %arg7[%dma_start3A_330, %dma_start3A_342, %dma_start3A_343] : memref<3x128x128xf32, #tpu.memory_space<vmem>> -> memref<1x128x128xf32, #tpu.memory_space<vmem>>
      %dma_start3A_345 = tpu.memref_squeeze %dma_start3A_344 : memref<1x128x128xf32, #tpu.memory_space<vmem>> -> memref<128x128xf32, #tpu.memory_space<vmem>>
      tpu.enqueue_dma source(%dma_start3A_345 : memref<128x128xf32, #tpu.memory_space<vmem>>) target(%dma_start3A_341 : memref<128x128xf32, #tpu.memory_space<hbm>>) target_semaphore(%dma_start3A_339 : memref<!tpu.dma_semaphore, #tpu.memory_space<semaphore_mem>>)
      %mul3A_346 = arith.constant 3 : i32
      %mul3A_347 = arith.muli %mul3A_346, %scan3A_212 : i32
      %add3A_348 = arith.constant 2 : i32
      %add3A_349 = arith.addi %mul3A_347, %add3A_348 : i32
      %dma_wait3A_350 = arith.constant 2 : i32
      %dma_wait3A_351 = arith.constant 2 : i32
      %dma_wait3A_352 = arith.constant 0 : i32
      %dma_wait3A_353 = arith.constant 0 : i32
      %dma_wait3A_354 = tpu.memref_slice %arg6[%dma_wait3A_350, %dma_wait3A_352, %dma_wait3A_353] : memref<3x128x128xf32, #tpu.memory_space<vmem>> -> memref<1x128x128xf32, #tpu.memory_space<vmem>>
      %dma_wait3A_355 = tpu.memref_squeeze %dma_wait3A_354 : memref<1x128x128xf32, #tpu.memory_space<vmem>> -> memref<128x128xf32, #tpu.memory_space<vmem>>
      %dma_wait3A_356 = arith.constant 0 : i32
      %dma_wait3A_357 = tpu.memref_slice %arg5[%add3A_349, %dma_wait3A_356] : memref<50x128xi32, #tpu.memory_space<vmem>> -> memref<1x128xi32, #tpu.memory_space<vmem>>
      %dma_wait3A_358 = tpu.memref_squeeze %dma_wait3A_357 : memref<1x128xi32, #tpu.memory_space<vmem>> -> memref<128xi32, #tpu.memory_space<vmem>>
      %dma_wait3A_359 = arith.constant 0 : i32
      %dma_wait3A_360 = arith.constant 0 : i32
      %dma_wait3A_361 = tpu.memref_slice %arg3[%dma_wait3A_359, %dma_wait3A_360] : memref<100000x128xf32, #tpu.memory_space<hbm>> -> memref<100000x128xf32, #tpu.memory_space<hbm>>
      %dma_wait3A_362 = tpu.memref_slice %arg8[%dma_wait3A_351] : memref<3x!tpu.dma_semaphore, #tpu.memory_space<semaphore_mem>> -> memref<1x!tpu.dma_semaphore, #tpu.memory_space<semaphore_mem>>
      %dma_wait3A_363 = tpu.memref_squeeze %dma_wait3A_362 : memref<1x!tpu.dma_semaphore, #tpu.memory_space<semaphore_mem>> -> memref<!tpu.dma_semaphore, #tpu.memory_space<semaphore_mem>>
      tpu.wait_indirect_dma semaphore(%dma_wait3A_363 : memref<!tpu.dma_semaphore, #tpu.memory_space<semaphore_mem>>) src(%dma_wait3A_361 : memref<100000x128xf32, #tpu.memory_space<hbm>>) dst(%dma_wait3A_355 : memref<128x128xf32, #tpu.memory_space<vmem>>)
      %add3A_364 = arith.constant 2 : i32
      %add3A_365 = arith.addi %add3A_349, %add3A_364 : i32
      %dma_start3A_366 = arith.constant 1 : i32
      %dma_start3A_367 = arith.constant 1 : i32
      %dma_start3A_368 = arith.constant 0 : i32
      %dma_start3A_369 = arith.constant 0 : i32
      %dma_start3A_370 = tpu.memref_slice %arg6[%dma_start3A_366, %dma_start3A_368, %dma_start3A_369] : memref<3x128x128xf32, #tpu.memory_space<vmem>> -> memref<1x128x128xf32, #tpu.memory_space<vmem>>
      %dma_start3A_371 = tpu.memref_squeeze %dma_start3A_370 : memref<1x128x128xf32, #tpu.memory_space<vmem>> -> memref<128x128xf32, #tpu.memory_space<vmem>>
      %dma_start3A_372 = arith.constant 0 : i32
      %dma_start3A_373 = tpu.memref_slice %arg5[%add3A_365, %dma_start3A_372] : memref<50x128xi32, #tpu.memory_space<vmem>> -> memref<1x128xi32, #tpu.memory_space<vmem>>
      %dma_start3A_374 = tpu.memref_squeeze %dma_start3A_373 : memref<1x128xi32, #tpu.memory_space<vmem>> -> memref<128xi32, #tpu.memory_space<vmem>>
      %dma_start3A_375 = arith.constant 0 : i32
      %dma_start3A_376 = arith.constant 0 : i32
      %dma_start3A_377 = tpu.memref_slice %arg3[%dma_start3A_375, %dma_start3A_376] : memref<100000x128xf32, #tpu.memory_space<hbm>> -> memref<100000x128xf32, #tpu.memory_space<hbm>>
      %dma_start3A_378 = tpu.memref_slice %arg8[%dma_start3A_367] : memref<3x!tpu.dma_semaphore, #tpu.memory_space<semaphore_mem>> -> memref<1x!tpu.dma_semaphore, #tpu.memory_space<semaphore_mem>>
      %dma_start3A_379 = tpu.memref_squeeze %dma_start3A_378 : memref<1x!tpu.dma_semaphore, #tpu.memory_space<semaphore_mem>> -> memref<!tpu.dma_semaphore, #tpu.memory_space<semaphore_mem>>
      tpu.enqueue_indirect_dma source(%dma_start3A_377 : memref<100000x128xf32, #tpu.memory_space<hbm>>) target(%dma_start3A_371 : memref<128x128xf32, #tpu.memory_space<vmem>>) offsets(%dma_start3A_374 : memref<128xi32, #tpu.memory_space<vmem>>) semaphore(%dma_start3A_379 : memref<!tpu.dma_semaphore, #tpu.memory_space<semaphore_mem>>)
      %ge3A_380 = arith.constant 3 : i32
      %ge3A_381 = arith.cmpi sge, %add3A_349, %ge3A_380 : i32
      %convert_element_type3A_382 = arith.extui %ge3A_381 : i1 to i32
      %cond3A_383 = arith.constant 0 : i32
      %cond3A_384 = arith.cmpi ne, %convert_element_type3A_382, %cond3A_383 : i32
      scf.if %cond3A_384 {
        %dma_wait3A_414 = arith.constant 2 : i32
        %dma_wait3A_415 = arith.constant 2 : i32
        %dma_wait3A_416 = arith.constant 0 : i32
        %dma_wait3A_417 = arith.constant 0 : i32
        %dma_wait3A_418 = tpu.memref_slice %arg7[%dma_wait3A_414, %dma_wait3A_416, %dma_wait3A_417] : memref<3x128x128xf32, #tpu.memory_space<vmem>> -> memref<1x128x128xf32, #tpu.memory_space<vmem>>
        %dma_wait3A_419 = tpu.memref_squeeze %dma_wait3A_418 : memref<1x128x128xf32, #tpu.memory_space<vmem>> -> memref<128x128xf32, #tpu.memory_space<vmem>>
        %dma_wait3A_420 = arith.constant 0 : i32
        %dma_wait3A_421 = arith.constant 0 : i32
        %dma_wait3A_422 = tpu.memref_slice %arg4[%dma_wait3A_420, %dma_wait3A_421] : memref<204800x128xf32, #tpu.memory_space<hbm>> -> memref<128x128xf32, #tpu.memory_space<hbm>>
        %dma_wait3A_423 = tpu.memref_slice %arg9[%dma_wait3A_415] : memref<3x!tpu.dma_semaphore, #tpu.memory_space<semaphore_mem>> -> memref<1x!tpu.dma_semaphore, #tpu.memory_space<semaphore_mem>>
        %dma_wait3A_424 = tpu.memref_squeeze %dma_wait3A_423 : memref<1x!tpu.dma_semaphore, #tpu.memory_space<semaphore_mem>> -> memref<!tpu.dma_semaphore, #tpu.memory_space<semaphore_mem>>
        %dma_wait3A_425 = arith.constant 0 : i32
        %dma_wait3A_426 = arith.constant 0 : i32
        %dma_wait3A_427 = tpu.memref_slice %arg4[%dma_wait3A_425, %dma_wait3A_426] : memref<204800x128xf32, #tpu.memory_space<hbm>> -> memref<128x128xf32, #tpu.memory_space<hbm>>
        %dma_wait3A_428 = arith.constant 0 : i32
        %dma_wait3A_429 = arith.constant 0 : i32
        %dma_wait3A_430 = tpu.memref_slice %arg7[%dma_wait3A_414, %dma_wait3A_428, %dma_wait3A_429] : memref<3x128x128xf32, #tpu.memory_space<vmem>> -> memref<1x128x128xf32, #tpu.memory_space<vmem>>
        %dma_wait3A_431 = tpu.memref_squeeze %dma_wait3A_430 : memref<1x128x128xf32, #tpu.memory_space<vmem>> -> memref<128x128xf32, #tpu.memory_space<vmem>>
        tpu.wait_dma2 semaphore(%dma_wait3A_424 : memref<!tpu.dma_semaphore, #tpu.memory_space<semaphore_mem>>) src(%dma_wait3A_431 : memref<128x128xf32, #tpu.memory_space<vmem>>) dst(%dma_wait3A_427 : memref<128x128xf32, #tpu.memory_space<hbm>>)
      } else {
      }
      %scan3A_385 = arith.constant 0 : i32
      %scan3A_386 = arith.constant 2 : i32
      %scan3A_387 = arith.constant 2 : i32
      %scan3A_388 = arith.constant 0 : i32
      %scan3A_389 = arith.constant 128 : i32
      %scan3A_390 = arith.addi %scan3A_388, %scan3A_389 : i32
      %scan3A_391 = arith.constant 2 : i32
      scf.for %scan3A_414 = %scan3A_388 to %scan3A_390 step %scan3A_391  : i32 {
        %get3A = arith.constant 0 : i32
        %get3A_415 = arith.constant 0 : i32
        %get3A_416 = tpu.memref_slice %arg6[%scan3A_386, %get3A, %get3A_415] : memref<3x128x128xf32, #tpu.memory_space<vmem>> -> memref<1x128x128xf32, #tpu.memory_space<vmem>>
        %get3A_417 = tpu.memref_squeeze %get3A_416 : memref<1x128x128xf32, #tpu.memory_space<vmem>> -> memref<128x128xf32, #tpu.memory_space<vmem>>
        %get3A_418 = arith.index_cast %scan3A_414 : i32 to index
        %get3A_419 = arith.constant 0 : index
        %get3A_420 = tpu.vector_load %get3A_417[%get3A_418, %get3A_419] {strides = array<i32>} : memref<128x128xf32, #tpu.memory_space<vmem>>, vector<1x16xf32>,
        %get3A_421 = vector.shape_cast %get3A_420 : vector<1x16xf32> to vector<16xf32>
        %get3A_422 = arith.constant 0 : i32
        %get3A_423 = arith.constant 0 : i32
        %get3A_424 = tpu.memref_slice %arg6[%scan3A_386, %get3A_422, %get3A_423] : memref<3x128x128xf32, #tpu.memory_space<vmem>> -> memref<1x128x128xf32, #tpu.memory_space<vmem>>
        %get3A_425 = tpu.memref_squeeze %get3A_424 : memref<1x128x128xf32, #tpu.memory_space<vmem>> -> memref<128x128xf32, #tpu.memory_space<vmem>>
        %get3A_426 = arith.index_cast %scan3A_414 : i32 to index
        %get3A_427 = arith.constant 16 : index
        %get3A_428 = tpu.vector_load %get3A_425[%get3A_426, %get3A_427] {strides = array<i32>} : memref<128x128xf32, #tpu.memory_space<vmem>>, vector<1x16xf32>,
        %get3A_429 = vector.shape_cast %get3A_428 : vector<1x16xf32> to vector<16xf32>
        %get3A_430 = arith.constant 0 : i32
        %get3A_431 = arith.constant 0 : i32
        %get3A_432 = tpu.memref_slice %arg6[%scan3A_386, %get3A_430, %get3A_431] : memref<3x128x128xf32, #tpu.memory_space<vmem>> -> memref<1x128x128xf32, #tpu.memory_space<vmem>>
        %get3A_433 = tpu.memref_squeeze %get3A_432 : memref<1x128x128xf32, #tpu.memory_space<vmem>> -> memref<128x128xf32, #tpu.memory_space<vmem>>
        %get3A_434 = arith.index_cast %scan3A_414 : i32 to index
        %get3A_435 = arith.constant 32 : index
        %get3A_436 = tpu.vector_load %get3A_433[%get3A_434, %get3A_435] {strides = array<i32>} : memref<128x128xf32, #tpu.memory_space<vmem>>, vector<1x16xf32>,
        %get3A_437 = vector.shape_cast %get3A_436 : vector<1x16xf32> to vector<16xf32>
        %get3A_438 = arith.constant 0 : i32
        %get3A_439 = arith.constant 0 : i32
        %get3A_440 = tpu.memref_slice %arg6[%scan3A_386, %get3A_438, %get3A_439] : memref<3x128x128xf32, #tpu.memory_space<vmem>> -> memref<1x128x128xf32, #tpu.memory_space<vmem>>
        %get3A_441 = tpu.memref_squeeze %get3A_440 : memref<1x128x128xf32, #tpu.memory_space<vmem>> -> memref<128x128xf32, #tpu.memory_space<vmem>>
        %get3A_442 = arith.index_cast %scan3A_414 : i32 to index
        %get3A_443 = arith.constant 48 : index
        %get3A_444 = tpu.vector_load %get3A_441[%get3A_442, %get3A_443] {strides = array<i32>} : memref<128x128xf32, #tpu.memory_space<vmem>>, vector<1x16xf32>,
        %get3A_445 = vector.shape_cast %get3A_444 : vector<1x16xf32> to vector<16xf32>
        %get3A_446 = arith.constant 0 : i32
        %get3A_447 = arith.constant 0 : i32
        %get3A_448 = tpu.memref_slice %arg6[%scan3A_386, %get3A_446, %get3A_447] : memref<3x128x128xf32, #tpu.memory_space<vmem>> -> memref<1x128x128xf32, #tpu.memory_space<vmem>>
        %get3A_449 = tpu.memref_squeeze %get3A_448 : memref<1x128x128xf32, #tpu.memory_space<vmem>> -> memref<128x128xf32, #tpu.memory_space<vmem>>
        %get3A_450 = arith.index_cast %scan3A_414 : i32 to index
        %get3A_451 = arith.constant 64 : index
        %get3A_452 = tpu.vector_load %get3A_449[%get3A_450, %get3A_451] {strides = array<i32>} : memref<128x128xf32, #tpu.memory_space<vmem>>, vector<1x16xf32>,
        %get3A_453 = vector.shape_cast %get3A_452 : vector<1x16xf32> to vector<16xf32>
        %get3A_454 = arith.constant 0 : i32
        %get3A_455 = arith.constant 0 : i32
        %get3A_456 = tpu.memref_slice %arg6[%scan3A_386, %get3A_454, %get3A_455] : memref<3x128x128xf32, #tpu.memory_space<vmem>> -> memref<1x128x128xf32, #tpu.memory_space<vmem>>
        %get3A_457 = tpu.memref_squeeze %get3A_456 : memref<1x128x128xf32, #tpu.memory_space<vmem>> -> memref<128x128xf32, #tpu.memory_space<vmem>>
        %get3A_458 = arith.index_cast %scan3A_414 : i32 to index
        %get3A_459 = arith.constant 80 : index
        %get3A_460 = tpu.vector_load %get3A_457[%get3A_458, %get3A_459] {strides = array<i32>} : memref<128x128xf32, #tpu.memory_space<vmem>>, vector<1x16xf32>,
        %get3A_461 = vector.shape_cast %get3A_460 : vector<1x16xf32> to vector<16xf32>
        %get3A_462 = arith.constant 0 : i32
        %get3A_463 = arith.constant 0 : i32
        %get3A_464 = tpu.memref_slice %arg6[%scan3A_386, %get3A_462, %get3A_463] : memref<3x128x128xf32, #tpu.memory_space<vmem>> -> memref<1x128x128xf32, #tpu.memory_space<vmem>>
        %get3A_465 = tpu.memref_squeeze %get3A_464 : memref<1x128x128xf32, #tpu.memory_space<vmem>> -> memref<128x128xf32, #tpu.memory_space<vmem>>
        %get3A_466 = arith.index_cast %scan3A_414 : i32 to index
        %get3A_467 = arith.constant 96 : index
        %get3A_468 = tpu.vector_load %get3A_465[%get3A_466, %get3A_467] {strides = array<i32>} : memref<128x128xf32, #tpu.memory_space<vmem>>, vector<1x16xf32>,
        %get3A_469 = vector.shape_cast %get3A_468 : vector<1x16xf32> to vector<16xf32>
        %get3A_470 = arith.constant 0 : i32
        %get3A_471 = arith.constant 0 : i32
        %get3A_472 = tpu.memref_slice %arg6[%scan3A_386, %get3A_470, %get3A_471] : memref<3x128x128xf32, #tpu.memory_space<vmem>> -> memref<1x128x128xf32, #tpu.memory_space<vmem>>
        %get3A_473 = tpu.memref_squeeze %get3A_472 : memref<1x128x128xf32, #tpu.memory_space<vmem>> -> memref<128x128xf32, #tpu.memory_space<vmem>>
        %get3A_474 = arith.index_cast %scan3A_414 : i32 to index
        %get3A_475 = arith.constant 112 : index
        %get3A_476 = tpu.vector_load %get3A_473[%get3A_474, %get3A_475] {strides = array<i32>} : memref<128x128xf32, #tpu.memory_space<vmem>>, vector<1x16xf32>,
        %get3A_477 = vector.shape_cast %get3A_476 : vector<1x16xf32> to vector<16xf32>
        %mul3A_478 = arith.constant 11.3137083 : f32
        %mul3A_479 = vector.broadcast %mul3A_478 : f32 to vector<16xf32>
        %mul3A_480 = arith.mulf %get3A_421, %mul3A_479 : vector<16xf32>
        %swap3A = arith.constant 0 : i32
        %swap3A_481 = arith.constant 0 : i32
        %swap3A_482 = tpu.memref_slice %arg7[%scan3A_387, %swap3A, %swap3A_481] : memref<3x128x128xf32, #tpu.memory_space<vmem>> -> memref<1x128x128xf32, #tpu.memory_space<vmem>>
        %swap3A_483 = tpu.memref_squeeze %swap3A_482 : memref<1x128x128xf32, #tpu.memory_space<vmem>> -> memref<128x128xf32, #tpu.memory_space<vmem>>
        %swap3A_484 = arith.index_cast %scan3A_414 : i32 to index
        %swap3A_485 = arith.constant 0 : index
        %swap3A_486 = tpu.vector_load %swap3A_483[%swap3A_484, %swap3A_485] {strides = array<i32>} : memref<128x128xf32, #tpu.memory_space<vmem>>, vector<1x16xf32>,
        %swap3A_487 = vector.shape_cast %swap3A_486 : vector<1x16xf32> to vector<16xf32>
        %swap3A_488 = vector.shape_cast %mul3A_480 : vector<16xf32> to vector<1x16xf32>
        tpu.vector_store %swap3A_483[%swap3A_484, %swap3A_485], %swap3A_488 {strides = array<i32>} : memref<128x128xf32, #tpu.memory_space<vmem>>, vector<1x16xf32>,
        %mul3A_489 = arith.constant 11.3137083 : f32
        %mul3A_490 = vector.broadcast %mul3A_489 : f32 to vector<16xf32>
        %mul3A_491 = arith.mulf %get3A_429, %mul3A_490 : vector<16xf32>
        %swap3A_492 = arith.constant 0 : i32
        %swap3A_493 = arith.constant 0 : i32
        %swap3A_494 = tpu.memref_slice %arg7[%scan3A_387, %swap3A_492, %swap3A_493] : memref<3x128x128xf32, #tpu.memory_space<vmem>> -> memref<1x128x128xf32, #tpu.memory_space<vmem>>
        %swap3A_495 = tpu.memref_squeeze %swap3A_494 : memref<1x128x128xf32, #tpu.memory_space<vmem>> -> memref<128x128xf32, #tpu.memory_space<vmem>>
        %swap3A_496 = arith.index_cast %scan3A_414 : i32 to index
        %swap3A_497 = arith.constant 16 : index
        %swap3A_498 = tpu.vector_load %swap3A_495[%swap3A_496, %swap3A_497] {strides = array<i32>} : memref<128x128xf32, #tpu.memory_space<vmem>>, vector<1x16xf32>,
        %swap3A_499 = vector.shape_cast %swap3A_498 : vector<1x16xf32> to vector<16xf32>
        %swap3A_500 = vector.shape_cast %mul3A_491 : vector<16xf32> to vector<1x16xf32>
        tpu.vector_store %swap3A_495[%swap3A_496, %swap3A_497], %swap3A_500 {strides = array<i32>} : memref<128x128xf32, #tpu.memory_space<vmem>>, vector<1x16xf32>,
        %mul3A_501 = arith.constant 11.3137083 : f32
        %mul3A_502 = vector.broadcast %mul3A_501 : f32 to vector<16xf32>
        %mul3A_503 = arith.mulf %get3A_437, %mul3A_502 : vector<16xf32>
        %swap3A_504 = arith.constant 0 : i32
        %swap3A_505 = arith.constant 0 : i32
        %swap3A_506 = tpu.memref_slice %arg7[%scan3A_387, %swap3A_504, %swap3A_505] : memref<3x128x128xf32, #tpu.memory_space<vmem>> -> memref<1x128x128xf32, #tpu.memory_space<vmem>>
        %swap3A_507 = tpu.memref_squeeze %swap3A_506 : memref<1x128x128xf32, #tpu.memory_space<vmem>> -> memref<128x128xf32, #tpu.memory_space<vmem>>
        %swap3A_508 = arith.index_cast %scan3A_414 : i32 to index
        %swap3A_509 = arith.constant 32 : index
        %swap3A_510 = tpu.vector_load %swap3A_507[%swap3A_508, %swap3A_509] {strides = array<i32>} : memref<128x128xf32, #tpu.memory_space<vmem>>, vector<1x16xf32>,
        %swap3A_511 = vector.shape_cast %swap3A_510 : vector<1x16xf32> to vector<16xf32>
        %swap3A_512 = vector.shape_cast %mul3A_503 : vector<16xf32> to vector<1x16xf32>
        tpu.vector_store %swap3A_507[%swap3A_508, %swap3A_509], %swap3A_512 {strides = array<i32>} : memref<128x128xf32, #tpu.memory_space<vmem>>, vector<1x16xf32>,
        %mul3A_513 = arith.constant 11.3137083 : f32
        %mul3A_514 = vector.broadcast %mul3A_513 : f32 to vector<16xf32>
        %mul3A_515 = arith.mulf %get3A_445, %mul3A_514 : vector<16xf32>
        %swap3A_516 = arith.constant 0 : i32
        %swap3A_517 = arith.constant 0 : i32
        %swap3A_518 = tpu.memref_slice %arg7[%scan3A_387, %swap3A_516, %swap3A_517] : memref<3x128x128xf32, #tpu.memory_space<vmem>> -> memref<1x128x128xf32, #tpu.memory_space<vmem>>
        %swap3A_519 = tpu.memref_squeeze %swap3A_518 : memref<1x128x128xf32, #tpu.memory_space<vmem>> -> memref<128x128xf32, #tpu.memory_space<vmem>>
        %swap3A_520 = arith.index_cast %scan3A_414 : i32 to index
        %swap3A_521 = arith.constant 48 : index
        %swap3A_522 = tpu.vector_load %swap3A_519[%swap3A_520, %swap3A_521] {strides = array<i32>} : memref<128x128xf32, #tpu.memory_space<vmem>>, vector<1x16xf32>,
        %swap3A_523 = vector.shape_cast %swap3A_522 : vector<1x16xf32> to vector<16xf32>
        %swap3A_524 = vector.shape_cast %mul3A_515 : vector<16xf32> to vector<1x16xf32>
        tpu.vector_store %swap3A_519[%swap3A_520, %swap3A_521], %swap3A_524 {strides = array<i32>} : memref<128x128xf32, #tpu.memory_space<vmem>>, vector<1x16xf32>,
        %mul3A_525 = arith.constant 11.3137083 : f32
        %mul3A_526 = vector.broadcast %mul3A_525 : f32 to vector<16xf32>
        %mul3A_527 = arith.mulf %get3A_453, %mul3A_526 : vector<16xf32>
        %swap3A_528 = arith.constant 0 : i32
        %swap3A_529 = arith.constant 0 : i32
        %swap3A_530 = tpu.memref_slice %arg7[%scan3A_387, %swap3A_528, %swap3A_529] : memref<3x128x128xf32, #tpu.memory_space<vmem>> -> memref<1x128x128xf32, #tpu.memory_space<vmem>>
        %swap3A_531 = tpu.memref_squeeze %swap3A_530 : memref<1x128x128xf32, #tpu.memory_space<vmem>> -> memref<128x128xf32, #tpu.memory_space<vmem>>
        %swap3A_532 = arith.index_cast %scan3A_414 : i32 to index
        %swap3A_533 = arith.constant 64 : index
        %swap3A_534 = tpu.vector_load %swap3A_531[%swap3A_532, %swap3A_533] {strides = array<i32>} : memref<128x128xf32, #tpu.memory_space<vmem>>, vector<1x16xf32>,
        %swap3A_535 = vector.shape_cast %swap3A_534 : vector<1x16xf32> to vector<16xf32>
        %swap3A_536 = vector.shape_cast %mul3A_527 : vector<16xf32> to vector<1x16xf32>
        tpu.vector_store %swap3A_531[%swap3A_532, %swap3A_533], %swap3A_536 {strides = array<i32>} : memref<128x128xf32, #tpu.memory_space<vmem>>, vector<1x16xf32>,
        %mul3A_537 = arith.constant 11.3137083 : f32
        %mul3A_538 = vector.broadcast %mul3A_537 : f32 to vector<16xf32>
        %mul3A_539 = arith.mulf %get3A_461, %mul3A_538 : vector<16xf32>
        %swap3A_540 = arith.constant 0 : i32
        %swap3A_541 = arith.constant 0 : i32
        %swap3A_542 = tpu.memref_slice %arg7[%scan3A_387, %swap3A_540, %swap3A_541] : memref<3x128x128xf32, #tpu.memory_space<vmem>> -> memref<1x128x128xf32, #tpu.memory_space<vmem>>
        %swap3A_543 = tpu.memref_squeeze %swap3A_542 : memref<1x128x128xf32, #tpu.memory_space<vmem>> -> memref<128x128xf32, #tpu.memory_space<vmem>>
        %swap3A_544 = arith.index_cast %scan3A_414 : i32 to index
        %swap3A_545 = arith.constant 80 : index
        %swap3A_546 = tpu.vector_load %swap3A_543[%swap3A_544, %swap3A_545] {strides = array<i32>} : memref<128x128xf32, #tpu.memory_space<vmem>>, vector<1x16xf32>,
        %swap3A_547 = vector.shape_cast %swap3A_546 : vector<1x16xf32> to vector<16xf32>
        %swap3A_548 = vector.shape_cast %mul3A_539 : vector<16xf32> to vector<1x16xf32>
        tpu.vector_store %swap3A_543[%swap3A_544, %swap3A_545], %swap3A_548 {strides = array<i32>} : memref<128x128xf32, #tpu.memory_space<vmem>>, vector<1x16xf32>,
        %mul3A_549 = arith.constant 11.3137083 : f32
        %mul3A_550 = vector.broadcast %mul3A_549 : f32 to vector<16xf32>
        %mul3A_551 = arith.mulf %get3A_469, %mul3A_550 : vector<16xf32>
        %swap3A_552 = arith.constant 0 : i32
        %swap3A_553 = arith.constant 0 : i32
        %swap3A_554 = tpu.memref_slice %arg7[%scan3A_387, %swap3A_552, %swap3A_553] : memref<3x128x128xf32, #tpu.memory_space<vmem>> -> memref<1x128x128xf32, #tpu.memory_space<vmem>>
        %swap3A_555 = tpu.memref_squeeze %swap3A_554 : memref<1x128x128xf32, #tpu.memory_space<vmem>> -> memref<128x128xf32, #tpu.memory_space<vmem>>
        %swap3A_556 = arith.index_cast %scan3A_414 : i32 to index
        %swap3A_557 = arith.constant 96 : index
        %swap3A_558 = tpu.vector_load %swap3A_555[%swap3A_556, %swap3A_557] {strides = array<i32>} : memref<128x128xf32, #tpu.memory_space<vmem>>, vector<1x16xf32>,
        %swap3A_559 = vector.shape_cast %swap3A_558 : vector<1x16xf32> to vector<16xf32>
        %swap3A_560 = vector.shape_cast %mul3A_551 : vector<16xf32> to vector<1x16xf32>
        tpu.vector_store %swap3A_555[%swap3A_556, %swap3A_557], %swap3A_560 {strides = array<i32>} : memref<128x128xf32, #tpu.memory_space<vmem>>, vector<1x16xf32>,
        %mul3A_561 = arith.constant 11.3137083 : f32
        %mul3A_562 = vector.broadcast %mul3A_561 : f32 to vector<16xf32>
        %mul3A_563 = arith.mulf %get3A_477, %mul3A_562 : vector<16xf32>
        %swap3A_564 = arith.constant 0 : i32
        %swap3A_565 = arith.constant 0 : i32
        %swap3A_566 = tpu.memref_slice %arg7[%scan3A_387, %swap3A_564, %swap3A_565] : memref<3x128x128xf32, #tpu.memory_space<vmem>> -> memref<1x128x128xf32, #tpu.memory_space<vmem>>
        %swap3A_567 = tpu.memref_squeeze %swap3A_566 : memref<1x128x128xf32, #tpu.memory_space<vmem>> -> memref<128x128xf32, #tpu.memory_space<vmem>>
        %swap3A_568 = arith.index_cast %scan3A_414 : i32 to index
        %swap3A_569 = arith.constant 112 : index
        %swap3A_570 = tpu.vector_load %swap3A_567[%swap3A_568, %swap3A_569] {strides = array<i32>} : memref<128x128xf32, #tpu.memory_space<vmem>>, vector<1x16xf32>,
        %swap3A_571 = vector.shape_cast %swap3A_570 : vector<1x16xf32> to vector<16xf32>
        %swap3A_572 = vector.shape_cast %mul3A_563 : vector<16xf32> to vector<1x16xf32>
        tpu.vector_store %swap3A_567[%swap3A_568, %swap3A_569], %swap3A_572 {strides = array<i32>} : memref<128x128xf32, #tpu.memory_space<vmem>>, vector<1x16xf32>,
        %scan3A_573 = arith.constant 1 : i32
        %scan3A_574 = arith.addi %scan3A_414, %scan3A_573 : i32
        %get3A_575 = arith.constant 0 : i32
        %get3A_576 = arith.constant 0 : i32
        %get3A_577 = tpu.memref_slice %arg6[%scan3A_386, %get3A_575, %get3A_576] : memref<3x128x128xf32, #tpu.memory_space<vmem>> -> memref<1x128x128xf32, #tpu.memory_space<vmem>>
        %get3A_578 = tpu.memref_squeeze %get3A_577 : memref<1x128x128xf32, #tpu.memory_space<vmem>> -> memref<128x128xf32, #tpu.memory_space<vmem>>
        %get3A_579 = arith.index_cast %scan3A_574 : i32 to index
        %get3A_580 = arith.constant 0 : index
        %get3A_581 = tpu.vector_load %get3A_578[%get3A_579, %get3A_580] {strides = array<i32>} : memref<128x128xf32, #tpu.memory_space<vmem>>, vector<1x16xf32>,
        %get3A_582 = vector.shape_cast %get3A_581 : vector<1x16xf32> to vector<16xf32>
        %get3A_583 = arith.constant 0 : i32
        %get3A_584 = arith.constant 0 : i32
        %get3A_585 = tpu.memref_slice %arg6[%scan3A_386, %get3A_583, %get3A_584] : memref<3x128x128xf32, #tpu.memory_space<vmem>> -> memref<1x128x128xf32, #tpu.memory_space<vmem>>
        %get3A_586 = tpu.memref_squeeze %get3A_585 : memref<1x128x128xf32, #tpu.memory_space<vmem>> -> memref<128x128xf32, #tpu.memory_space<vmem>>
        %get3A_587 = arith.index_cast %scan3A_574 : i32 to index
        %get3A_588 = arith.constant 16 : index
        %get3A_589 = tpu.vector_load %get3A_586[%get3A_587, %get3A_588] {strides = array<i32>} : memref<128x128xf32, #tpu.memory_space<vmem>>, vector<1x16xf32>,
        %get3A_590 = vector.shape_cast %get3A_589 : vector<1x16xf32> to vector<16xf32>
        %get3A_591 = arith.constant 0 : i32
        %get3A_592 = arith.constant 0 : i32
        %get3A_593 = tpu.memref_slice %arg6[%scan3A_386, %get3A_591, %get3A_592] : memref<3x128x128xf32, #tpu.memory_space<vmem>> -> memref<1x128x128xf32, #tpu.memory_space<vmem>>
        %get3A_594 = tpu.memref_squeeze %get3A_593 : memref<1x128x128xf32, #tpu.memory_space<vmem>> -> memref<128x128xf32, #tpu.memory_space<vmem>>
        %get3A_595 = arith.index_cast %scan3A_574 : i32 to index
        %get3A_596 = arith.constant 32 : index
        %get3A_597 = tpu.vector_load %get3A_594[%get3A_595, %get3A_596] {strides = array<i32>} : memref<128x128xf32, #tpu.memory_space<vmem>>, vector<1x16xf32>,
        %get3A_598 = vector.shape_cast %get3A_597 : vector<1x16xf32> to vector<16xf32>
        %get3A_599 = arith.constant 0 : i32
        %get3A_600 = arith.constant 0 : i32
        %get3A_601 = tpu.memref_slice %arg6[%scan3A_386, %get3A_599, %get3A_600] : memref<3x128x128xf32, #tpu.memory_space<vmem>> -> memref<1x128x128xf32, #tpu.memory_space<vmem>>
        %get3A_602 = tpu.memref_squeeze %get3A_601 : memref<1x128x128xf32, #tpu.memory_space<vmem>> -> memref<128x128xf32, #tpu.memory_space<vmem>>
        %get3A_603 = arith.index_cast %scan3A_574 : i32 to index
        %get3A_604 = arith.constant 48 : index
        %get3A_605 = tpu.vector_load %get3A_602[%get3A_603, %get3A_604] {strides = array<i32>} : memref<128x128xf32, #tpu.memory_space<vmem>>, vector<1x16xf32>,
        %get3A_606 = vector.shape_cast %get3A_605 : vector<1x16xf32> to vector<16xf32>
        %get3A_607 = arith.constant 0 : i32
        %get3A_608 = arith.constant 0 : i32
        %get3A_609 = tpu.memref_slice %arg6[%scan3A_386, %get3A_607, %get3A_608] : memref<3x128x128xf32, #tpu.memory_space<vmem>> -> memref<1x128x128xf32, #tpu.memory_space<vmem>>
        %get3A_610 = tpu.memref_squeeze %get3A_609 : memref<1x128x128xf32, #tpu.memory_space<vmem>> -> memref<128x128xf32, #tpu.memory_space<vmem>>
        %get3A_611 = arith.index_cast %scan3A_574 : i32 to index
        %get3A_612 = arith.constant 64 : index
        %get3A_613 = tpu.vector_load %get3A_610[%get3A_611, %get3A_612] {strides = array<i32>} : memref<128x128xf32, #tpu.memory_space<vmem>>, vector<1x16xf32>,
        %get3A_614 = vector.shape_cast %get3A_613 : vector<1x16xf32> to vector<16xf32>
        %get3A_615 = arith.constant 0 : i32
        %get3A_616 = arith.constant 0 : i32
        %get3A_617 = tpu.memref_slice %arg6[%scan3A_386, %get3A_615, %get3A_616] : memref<3x128x128xf32, #tpu.memory_space<vmem>> -> memref<1x128x128xf32, #tpu.memory_space<vmem>>
        %get3A_618 = tpu.memref_squeeze %get3A_617 : memref<1x128x128xf32, #tpu.memory_space<vmem>> -> memref<128x128xf32, #tpu.memory_space<vmem>>
        %get3A_619 = arith.index_cast %scan3A_574 : i32 to index
        %get3A_620 = arith.constant 80 : index
        %get3A_621 = tpu.vector_load %get3A_618[%get3A_619, %get3A_620] {strides = array<i32>} : memref<128x128xf32, #tpu.memory_space<vmem>>, vector<1x16xf32>,
        %get3A_622 = vector.shape_cast %get3A_621 : vector<1x16xf32> to vector<16xf32>
        %get3A_623 = arith.constant 0 : i32
        %get3A_624 = arith.constant 0 : i32
        %get3A_625 = tpu.memref_slice %arg6[%scan3A_386, %get3A_623, %get3A_624] : memref<3x128x128xf32, #tpu.memory_space<vmem>> -> memref<1x128x128xf32, #tpu.memory_space<vmem>>
        %get3A_626 = tpu.memref_squeeze %get3A_625 : memref<1x128x128xf32, #tpu.memory_space<vmem>> -> memref<128x128xf32, #tpu.memory_space<vmem>>
        %get3A_627 = arith.index_cast %scan3A_574 : i32 to index
        %get3A_628 = arith.constant 96 : index
        %get3A_629 = tpu.vector_load %get3A_626[%get3A_627, %get3A_628] {strides = array<i32>} : memref<128x128xf32, #tpu.memory_space<vmem>>, vector<1x16xf32>,
        %get3A_630 = vector.shape_cast %get3A_629 : vector<1x16xf32> to vector<16xf32>
        %get3A_631 = arith.constant 0 : i32
        %get3A_632 = arith.constant 0 : i32
        %get3A_633 = tpu.memref_slice %arg6[%scan3A_386, %get3A_631, %get3A_632] : memref<3x128x128xf32, #tpu.memory_space<vmem>> -> memref<1x128x128xf32, #tpu.memory_space<vmem>>
        %get3A_634 = tpu.memref_squeeze %get3A_633 : memref<1x128x128xf32, #tpu.memory_space<vmem>> -> memref<128x128xf32, #tpu.memory_space<vmem>>
        %get3A_635 = arith.index_cast %scan3A_574 : i32 to index
        %get3A_636 = arith.constant 112 : index
        %get3A_637 = tpu.vector_load %get3A_634[%get3A_635, %get3A_636] {strides = array<i32>} : memref<128x128xf32, #tpu.memory_space<vmem>>, vector<1x16xf32>,
        %get3A_638 = vector.shape_cast %get3A_637 : vector<1x16xf32> to vector<16xf32>
        %mul3A_639 = arith.constant 11.3137083 : f32
        %mul3A_640 = vector.broadcast %mul3A_639 : f32 to vector<16xf32>
        %mul3A_641 = arith.mulf %get3A_582, %mul3A_640 : vector<16xf32>
        %swap3A_642 = arith.constant 0 : i32
        %swap3A_643 = arith.constant 0 : i32
        %swap3A_644 = tpu.memref_slice %arg7[%scan3A_387, %swap3A_642, %swap3A_643] : memref<3x128x128xf32, #tpu.memory_space<vmem>> -> memref<1x128x128xf32, #tpu.memory_space<vmem>>
        %swap3A_645 = tpu.memref_squeeze %swap3A_644 : memref<1x128x128xf32, #tpu.memory_space<vmem>> -> memref<128x128xf32, #tpu.memory_space<vmem>>
        %swap3A_646 = arith.index_cast %scan3A_574 : i32 to index
        %swap3A_647 = arith.constant 0 : index
        %swap3A_648 = tpu.vector_load %swap3A_645[%swap3A_646, %swap3A_647] {strides = array<i32>} : memref<128x128xf32, #tpu.memory_space<vmem>>, vector<1x16xf32>,
        %swap3A_649 = vector.shape_cast %swap3A_648 : vector<1x16xf32> to vector<16xf32>
        %swap3A_650 = vector.shape_cast %mul3A_641 : vector<16xf32> to vector<1x16xf32>
        tpu.vector_store %swap3A_645[%swap3A_646, %swap3A_647], %swap3A_650 {strides = array<i32>} : memref<128x128xf32, #tpu.memory_space<vmem>>, vector<1x16xf32>,
        %mul3A_651 = arith.constant 11.3137083 : f32
        %mul3A_652 = vector.broadcast %mul3A_651 : f32 to vector<16xf32>
        %mul3A_653 = arith.mulf %get3A_590, %mul3A_652 : vector<16xf32>
        %swap3A_654 = arith.constant 0 : i32
        %swap3A_655 = arith.constant 0 : i32
        %swap3A_656 = tpu.memref_slice %arg7[%scan3A_387, %swap3A_654, %swap3A_655] : memref<3x128x128xf32, #tpu.memory_space<vmem>> -> memref<1x128x128xf32, #tpu.memory_space<vmem>>
        %swap3A_657 = tpu.memref_squeeze %swap3A_656 : memref<1x128x128xf32, #tpu.memory_space<vmem>> -> memref<128x128xf32, #tpu.memory_space<vmem>>
        %swap3A_658 = arith.index_cast %scan3A_574 : i32 to index
        %swap3A_659 = arith.constant 16 : index
        %swap3A_660 = tpu.vector_load %swap3A_657[%swap3A_658, %swap3A_659] {strides = array<i32>} : memref<128x128xf32, #tpu.memory_space<vmem>>, vector<1x16xf32>,
        %swap3A_661 = vector.shape_cast %swap3A_660 : vector<1x16xf32> to vector<16xf32>
        %swap3A_662 = vector.shape_cast %mul3A_653 : vector<16xf32> to vector<1x16xf32>
        tpu.vector_store %swap3A_657[%swap3A_658, %swap3A_659], %swap3A_662 {strides = array<i32>} : memref<128x128xf32, #tpu.memory_space<vmem>>, vector<1x16xf32>,
        %mul3A_663 = arith.constant 11.3137083 : f32
        %mul3A_664 = vector.broadcast %mul3A_663 : f32 to vector<16xf32>
        %mul3A_665 = arith.mulf %get3A_598, %mul3A_664 : vector<16xf32>
        %swap3A_666 = arith.constant 0 : i32
        %swap3A_667 = arith.constant 0 : i32
        %swap3A_668 = tpu.memref_slice %arg7[%scan3A_387, %swap3A_666, %swap3A_667] : memref<3x128x128xf32, #tpu.memory_space<vmem>> -> memref<1x128x128xf32, #tpu.memory_space<vmem>>
        %swap3A_669 = tpu.memref_squeeze %swap3A_668 : memref<1x128x128xf32, #tpu.memory_space<vmem>> -> memref<128x128xf32, #tpu.memory_space<vmem>>
        %swap3A_670 = arith.index_cast %scan3A_574 : i32 to index
        %swap3A_671 = arith.constant 32 : index
        %swap3A_672 = tpu.vector_load %swap3A_669[%swap3A_670, %swap3A_671] {strides = array<i32>} : memref<128x128xf32, #tpu.memory_space<vmem>>, vector<1x16xf32>,
        %swap3A_673 = vector.shape_cast %swap3A_672 : vector<1x16xf32> to vector<16xf32>
        %swap3A_674 = vector.shape_cast %mul3A_665 : vector<16xf32> to vector<1x16xf32>
        tpu.vector_store %swap3A_669[%swap3A_670, %swap3A_671], %swap3A_674 {strides = array<i32>} : memref<128x128xf32, #tpu.memory_space<vmem>>, vector<1x16xf32>,
        %mul3A_675 = arith.constant 11.3137083 : f32
        %mul3A_676 = vector.broadcast %mul3A_675 : f32 to vector<16xf32>
        %mul3A_677 = arith.mulf %get3A_606, %mul3A_676 : vector<16xf32>
        %swap3A_678 = arith.constant 0 : i32
        %swap3A_679 = arith.constant 0 : i32
        %swap3A_680 = tpu.memref_slice %arg7[%scan3A_387, %swap3A_678, %swap3A_679] : memref<3x128x128xf32, #tpu.memory_space<vmem>> -> memref<1x128x128xf32, #tpu.memory_space<vmem>>
        %swap3A_681 = tpu.memref_squeeze %swap3A_680 : memref<1x128x128xf32, #tpu.memory_space<vmem>> -> memref<128x128xf32, #tpu.memory_space<vmem>>
        %swap3A_682 = arith.index_cast %scan3A_574 : i32 to index
        %swap3A_683 = arith.constant 48 : index
        %swap3A_684 = tpu.vector_load %swap3A_681[%swap3A_682, %swap3A_683] {strides = array<i32>} : memref<128x128xf32, #tpu.memory_space<vmem>>, vector<1x16xf32>,
        %swap3A_685 = vector.shape_cast %swap3A_684 : vector<1x16xf32> to vector<16xf32>
        %swap3A_686 = vector.shape_cast %mul3A_677 : vector<16xf32> to vector<1x16xf32>
        tpu.vector_store %swap3A_681[%swap3A_682, %swap3A_683], %swap3A_686 {strides = array<i32>} : memref<128x128xf32, #tpu.memory_space<vmem>>, vector<1x16xf32>,
        %mul3A_687 = arith.constant 11.3137083 : f32
        %mul3A_688 = vector.broadcast %mul3A_687 : f32 to vector<16xf32>
        %mul3A_689 = arith.mulf %get3A_614, %mul3A_688 : vector<16xf32>
        %swap3A_690 = arith.constant 0 : i32
        %swap3A_691 = arith.constant 0 : i32
        %swap3A_692 = tpu.memref_slice %arg7[%scan3A_387, %swap3A_690, %swap3A_691] : memref<3x128x128xf32, #tpu.memory_space<vmem>> -> memref<1x128x128xf32, #tpu.memory_space<vmem>>
        %swap3A_693 = tpu.memref_squeeze %swap3A_692 : memref<1x128x128xf32, #tpu.memory_space<vmem>> -> memref<128x128xf32, #tpu.memory_space<vmem>>
        %swap3A_694 = arith.index_cast %scan3A_574 : i32 to index
        %swap3A_695 = arith.constant 64 : index
        %swap3A_696 = tpu.vector_load %swap3A_693[%swap3A_694, %swap3A_695] {strides = array<i32>} : memref<128x128xf32, #tpu.memory_space<vmem>>, vector<1x16xf32>,
        %swap3A_697 = vector.shape_cast %swap3A_696 : vector<1x16xf32> to vector<16xf32>
        %swap3A_698 = vector.shape_cast %mul3A_689 : vector<16xf32> to vector<1x16xf32>
        tpu.vector_store %swap3A_693[%swap3A_694, %swap3A_695], %swap3A_698 {strides = array<i32>} : memref<128x128xf32, #tpu.memory_space<vmem>>, vector<1x16xf32>,
        %mul3A_699 = arith.constant 11.3137083 : f32
        %mul3A_700 = vector.broadcast %mul3A_699 : f32 to vector<16xf32>
        %mul3A_701 = arith.mulf %get3A_622, %mul3A_700 : vector<16xf32>
        %swap3A_702 = arith.constant 0 : i32
        %swap3A_703 = arith.constant 0 : i32
        %swap3A_704 = tpu.memref_slice %arg7[%scan3A_387, %swap3A_702, %swap3A_703] : memref<3x128x128xf32, #tpu.memory_space<vmem>> -> memref<1x128x128xf32, #tpu.memory_space<vmem>>
        %swap3A_705 = tpu.memref_squeeze %swap3A_704 : memref<1x128x128xf32, #tpu.memory_space<vmem>> -> memref<128x128xf32, #tpu.memory_space<vmem>>
        %swap3A_706 = arith.index_cast %scan3A_574 : i32 to index
        %swap3A_707 = arith.constant 80 : index
        %swap3A_708 = tpu.vector_load %swap3A_705[%swap3A_706, %swap3A_707] {strides = array<i32>} : memref<128x128xf32, #tpu.memory_space<vmem>>, vector<1x16xf32>,
        %swap3A_709 = vector.shape_cast %swap3A_708 : vector<1x16xf32> to vector<16xf32>
        %swap3A_710 = vector.shape_cast %mul3A_701 : vector<16xf32> to vector<1x16xf32>
        tpu.vector_store %swap3A_705[%swap3A_706, %swap3A_707], %swap3A_710 {strides = array<i32>} : memref<128x128xf32, #tpu.memory_space<vmem>>, vector<1x16xf32>,
        %mul3A_711 = arith.constant 11.3137083 : f32
        %mul3A_712 = vector.broadcast %mul3A_711 : f32 to vector<16xf32>
        %mul3A_713 = arith.mulf %get3A_630, %mul3A_712 : vector<16xf32>
        %swap3A_714 = arith.constant 0 : i32
        %swap3A_715 = arith.constant 0 : i32
        %swap3A_716 = tpu.memref_slice %arg7[%scan3A_387, %swap3A_714, %swap3A_715] : memref<3x128x128xf32, #tpu.memory_space<vmem>> -> memref<1x128x128xf32, #tpu.memory_space<vmem>>
        %swap3A_717 = tpu.memref_squeeze %swap3A_716 : memref<1x128x128xf32, #tpu.memory_space<vmem>> -> memref<128x128xf32, #tpu.memory_space<vmem>>
        %swap3A_718 = arith.index_cast %scan3A_574 : i32 to index
        %swap3A_719 = arith.constant 96 : index
        %swap3A_720 = tpu.vector_load %swap3A_717[%swap3A_718, %swap3A_719] {strides = array<i32>} : memref<128x128xf32, #tpu.memory_space<vmem>>, vector<1x16xf32>,
        %swap3A_721 = vector.shape_cast %swap3A_720 : vector<1x16xf32> to vector<16xf32>
        %swap3A_722 = vector.shape_cast %mul3A_713 : vector<16xf32> to vector<1x16xf32>
        tpu.vector_store %swap3A_717[%swap3A_718, %swap3A_719], %swap3A_722 {strides = array<i32>} : memref<128x128xf32, #tpu.memory_space<vmem>>, vector<1x16xf32>,
        %mul3A_723 = arith.constant 11.3137083 : f32
        %mul3A_724 = vector.broadcast %mul3A_723 : f32 to vector<16xf32>
        %mul3A_725 = arith.mulf %get3A_638, %mul3A_724 : vector<16xf32>
        %swap3A_726 = arith.constant 0 : i32
        %swap3A_727 = arith.constant 0 : i32
        %swap3A_728 = tpu.memref_slice %arg7[%scan3A_387, %swap3A_726, %swap3A_727] : memref<3x128x128xf32, #tpu.memory_space<vmem>> -> memref<1x128x128xf32, #tpu.memory_space<vmem>>
        %swap3A_729 = tpu.memref_squeeze %swap3A_728 : memref<1x128x128xf32, #tpu.memory_space<vmem>> -> memref<128x128xf32, #tpu.memory_space<vmem>>
        %swap3A_730 = arith.index_cast %scan3A_574 : i32 to index
        %swap3A_731 = arith.constant 112 : index
        %swap3A_732 = tpu.vector_load %swap3A_729[%swap3A_730, %swap3A_731] {strides = array<i32>} : memref<128x128xf32, #tpu.memory_space<vmem>>, vector<1x16xf32>,
        %swap3A_733 = vector.shape_cast %swap3A_732 : vector<1x16xf32> to vector<16xf32>
        %swap3A_734 = vector.shape_cast %mul3A_725 : vector<16xf32> to vector<1x16xf32>
        tpu.vector_store %swap3A_729[%swap3A_730, %swap3A_731], %swap3A_734 {strides = array<i32>} : memref<128x128xf32, #tpu.memory_space<vmem>>, vector<1x16xf32>,
      }
      %scan3A_392 = arith.constant 128 : i32
      %mul3A_393 = arith.constant 4096 : i32
      %mul3A_394 = arith.muli %add3A_349, %mul3A_393 : i32
      %mul3A_395 = arith.constant 128 : i32
      %mul3A_396 = arith.muli %add3A, %mul3A_395 : i32
      %add3A_397 = arith.addi %mul3A_394, %mul3A_396 : i32
      %dma_start3A_398 = arith.constant 2 : i32
      %dma_start3A_399 = arith.constant 2 : i32
      %dma_start3A_400 = arith.constant 0 : i32
      %dma_start3A_401 = arith.constant 0 : i32
      %dma_start3A_402 = tpu.memref_slice %arg7[%dma_start3A_398, %dma_start3A_400, %dma_start3A_401] : memref<3x128x128xf32, #tpu.memory_space<vmem>> -> memref<1x128x128xf32, #tpu.memory_space<vmem>>
      %dma_start3A_403 = tpu.memref_squeeze %dma_start3A_402 : memref<1x128x128xf32, #tpu.memory_space<vmem>> -> memref<128x128xf32, #tpu.memory_space<vmem>>
      %dma_start3A_404 = arith.constant 0 : i32
      %dma_start3A_405 = tpu.memref_slice %arg4[%add3A_397, %dma_start3A_404] : memref<204800x128xf32, #tpu.memory_space<hbm>> -> memref<128x128xf32, #tpu.memory_space<hbm>>
      %dma_start3A_406 = tpu.memref_slice %arg9[%dma_start3A_399] : memref<3x!tpu.dma_semaphore, #tpu.memory_space<semaphore_mem>> -> memref<1x!tpu.dma_semaphore, #tpu.memory_space<semaphore_mem>>
      %dma_start3A_407 = tpu.memref_squeeze %dma_start3A_406 : memref<1x!tpu.dma_semaphore, #tpu.memory_space<semaphore_mem>> -> memref<!tpu.dma_semaphore, #tpu.memory_space<semaphore_mem>>
      %dma_start3A_408 = arith.constant 0 : i32
      %dma_start3A_409 = tpu.memref_slice %arg4[%add3A_397, %dma_start3A_408] : memref<204800x128xf32, #tpu.memory_space<hbm>> -> memref<128x128xf32, #tpu.memory_space<hbm>>
      %dma_start3A_410 = arith.constant 0 : i32
      %dma_start3A_411 = arith.constant 0 : i32
      %dma_start3A_412 = tpu.memref_slice %arg7[%dma_start3A_398, %dma_start3A_410, %dma_start3A_411] : memref<3x128x128xf32, #tpu.memory_space<vmem>> -> memref<1x128x128xf32, #tpu.memory_space<vmem>>
      %dma_start3A_413 = tpu.memref_squeeze %dma_start3A_412 : memref<1x128x128xf32, #tpu.memory_space<vmem>> -> memref<128x128xf32, #tpu.memory_space<vmem>>
      tpu.enqueue_dma source(%dma_start3A_413 : memref<128x128xf32, #tpu.memory_space<vmem>>) target(%dma_start3A_409 : memref<128x128xf32, #tpu.memory_space<hbm>>) target_semaphore(%dma_start3A_407 : memref<!tpu.dma_semaphore, #tpu.memory_space<semaphore_mem>>)
    }
    %scan3A_36 = arith.constant 16 : i32
    %dma_wait3A = arith.constant 48 : i32
    %dma_wait3A_37 = arith.constant 0 : i32
    %dma_wait3A_38 = arith.constant 0 : i32
    %dma_wait3A_39 = arith.constant 0 : i32
    %dma_wait3A_40 = arith.constant 0 : i32
    %dma_wait3A_41 = tpu.memref_slice %arg6[%dma_wait3A_37, %dma_wait3A_39, %dma_wait3A_40] : memref<3x128x128xf32, #tpu.memory_space<vmem>> -> memref<1x128x128xf32, #tpu.memory_space<vmem>>
    %dma_wait3A_42 = tpu.memref_squeeze %dma_wait3A_41 : memref<1x128x128xf32, #tpu.memory_space<vmem>> -> memref<128x128xf32, #tpu.memory_space<vmem>>
    %dma_wait3A_43 = arith.constant 0 : i32
    %dma_wait3A_44 = tpu.memref_slice %arg5[%dma_wait3A, %dma_wait3A_43] : memref<50x128xi32, #tpu.memory_space<vmem>> -> memref<1x128xi32, #tpu.memory_space<vmem>>
    %dma_wait3A_45 = tpu.memref_squeeze %dma_wait3A_44 : memref<1x128xi32, #tpu.memory_space<vmem>> -> memref<128xi32, #tpu.memory_space<vmem>>
    %dma_wait3A_46 = arith.constant 0 : i32
    %dma_wait3A_47 = arith.constant 0 : i32
    %dma_wait3A_48 = tpu.memref_slice %arg3[%dma_wait3A_46, %dma_wait3A_47] : memref<100000x128xf32, #tpu.memory_space<hbm>> -> memref<100000x128xf32, #tpu.memory_space<hbm>>
    %dma_wait3A_49 = tpu.memref_slice %arg8[%dma_wait3A_38] : memref<3x!tpu.dma_semaphore, #tpu.memory_space<semaphore_mem>> -> memref<1x!tpu.dma_semaphore, #tpu.memory_space<semaphore_mem>>
    %dma_wait3A_50 = tpu.memref_squeeze %dma_wait3A_49 : memref<1x!tpu.dma_semaphore, #tpu.memory_space<semaphore_mem>> -> memref<!tpu.dma_semaphore, #tpu.memory_space<semaphore_mem>>
    tpu.wait_indirect_dma semaphore(%dma_wait3A_50 : memref<!tpu.dma_semaphore, #tpu.memory_space<semaphore_mem>>) src(%dma_wait3A_48 : memref<100000x128xf32, #tpu.memory_space<hbm>>) dst(%dma_wait3A_42 : memref<128x128xf32, #tpu.memory_space<vmem>>)
    %dma_wait3A_51 = arith.constant 0 : i32
    %dma_wait3A_52 = arith.constant 0 : i32
    %dma_wait3A_53 = arith.constant 0 : i32
    %dma_wait3A_54 = arith.constant 0 : i32
    %dma_wait3A_55 = tpu.memref_slice %arg7[%dma_wait3A_51, %dma_wait3A_53, %dma_wait3A_54] : memref<3x128x128xf32, #tpu.memory_space<vmem>> -> memref<1x128x128xf32, #tpu.memory_space<vmem>>
    %dma_wait3A_56 = tpu.memref_squeeze %dma_wait3A_55 : memref<1x128x128xf32, #tpu.memory_space<vmem>> -> memref<128x128xf32, #tpu.memory_space<vmem>>
    %dma_wait3A_57 = arith.constant 0 : i32
    %dma_wait3A_58 = arith.constant 0 : i32
    %dma_wait3A_59 = tpu.memref_slice %arg4[%dma_wait3A_57, %dma_wait3A_58] : memref<204800x128xf32, #tpu.memory_space<hbm>> -> memref<128x128xf32, #tpu.memory_space<hbm>>
    %dma_wait3A_60 = tpu.memref_slice %arg9[%dma_wait3A_52] : memref<3x!tpu.dma_semaphore, #tpu.memory_space<semaphore_mem>> -> memref<1x!tpu.dma_semaphore, #tpu.memory_space<semaphore_mem>>
    %dma_wait3A_61 = tpu.memref_squeeze %dma_wait3A_60 : memref<1x!tpu.dma_semaphore, #tpu.memory_space<semaphore_mem>> -> memref<!tpu.dma_semaphore, #tpu.memory_space<semaphore_mem>>
    %dma_wait3A_62 = arith.constant 0 : i32
    %dma_wait3A_63 = arith.constant 0 : i32
    %dma_wait3A_64 = tpu.memref_slice %arg4[%dma_wait3A_62, %dma_wait3A_63] : memref<204800x128xf32, #tpu.memory_space<hbm>> -> memref<128x128xf32, #tpu.memory_space<hbm>>
    %dma_wait3A_65 = arith.constant 0 : i32
    %dma_wait3A_66 = arith.constant 0 : i32
    %dma_wait3A_67 = tpu.memref_slice %arg7[%dma_wait3A_51, %dma_wait3A_65, %dma_wait3A_66] : memref<3x128x128xf32, #tpu.memory_space<vmem>> -> memref<1x128x128xf32, #tpu.memory_space<vmem>>
    %dma_wait3A_68 = tpu.memref_squeeze %dma_wait3A_67 : memref<1x128x128xf32, #tpu.memory_space<vmem>> -> memref<128x128xf32, #tpu.memory_space<vmem>>
    tpu.wait_dma2 semaphore(%dma_wait3A_61 : memref<!tpu.dma_semaphore, #tpu.memory_space<semaphore_mem>>) src(%dma_wait3A_68 : memref<128x128xf32, #tpu.memory_space<vmem>>) dst(%dma_wait3A_64 : memref<128x128xf32, #tpu.memory_space<hbm>>)
    %scan3A_69 = arith.constant 0 : i32
    %scan3A_70 = arith.constant 0 : i32
    %scan3A_71 = arith.constant 0 : i32
    %scan3A_72 = arith.constant 0 : i32
    %scan3A_73 = arith.constant 128 : i32
    %scan3A_74 = arith.addi %scan3A_72, %scan3A_73 : i32
    %scan3A_75 = arith.constant 2 : i32
    scf.for %scan3A_212 = %scan3A_72 to %scan3A_74 step %scan3A_75  : i32 {
      %get3A = arith.constant 0 : i32
      %get3A_213 = arith.constant 0 : i32
      %get3A_214 = tpu.memref_slice %arg6[%scan3A_70, %get3A, %get3A_213] : memref<3x128x128xf32, #tpu.memory_space<vmem>> -> memref<1x128x128xf32, #tpu.memory_space<vmem>>
      %get3A_215 = tpu.memref_squeeze %get3A_214 : memref<1x128x128xf32, #tpu.memory_space<vmem>> -> memref<128x128xf32, #tpu.memory_space<vmem>>
      %get3A_216 = arith.index_cast %scan3A_212 : i32 to index
      %get3A_217 = arith.constant 0 : index
      %get3A_218 = tpu.vector_load %get3A_215[%get3A_216, %get3A_217] {strides = array<i32>} : memref<128x128xf32, #tpu.memory_space<vmem>>, vector<1x16xf32>,
      %get3A_219 = vector.shape_cast %get3A_218 : vector<1x16xf32> to vector<16xf32>
      %get3A_220 = arith.constant 0 : i32
      %get3A_221 = arith.constant 0 : i32
      %get3A_222 = tpu.memref_slice %arg6[%scan3A_70, %get3A_220, %get3A_221] : memref<3x128x128xf32, #tpu.memory_space<vmem>> -> memref<1x128x128xf32, #tpu.memory_space<vmem>>
      %get3A_223 = tpu.memref_squeeze %get3A_222 : memref<1x128x128xf32, #tpu.memory_space<vmem>> -> memref<128x128xf32, #tpu.memory_space<vmem>>
      %get3A_224 = arith.index_cast %scan3A_212 : i32 to index
      %get3A_225 = arith.constant 16 : index
      %get3A_226 = tpu.vector_load %get3A_223[%get3A_224, %get3A_225] {strides = array<i32>} : memref<128x128xf32, #tpu.memory_space<vmem>>, vector<1x16xf32>,
      %get3A_227 = vector.shape_cast %get3A_226 : vector<1x16xf32> to vector<16xf32>
      %get3A_228 = arith.constant 0 : i32
      %get3A_229 = arith.constant 0 : i32
      %get3A_230 = tpu.memref_slice %arg6[%scan3A_70, %get3A_228, %get3A_229] : memref<3x128x128xf32, #tpu.memory_space<vmem>> -> memref<1x128x128xf32, #tpu.memory_space<vmem>>
      %get3A_231 = tpu.memref_squeeze %get3A_230 : memref<1x128x128xf32, #tpu.memory_space<vmem>> -> memref<128x128xf32, #tpu.memory_space<vmem>>
      %get3A_232 = arith.index_cast %scan3A_212 : i32 to index
      %get3A_233 = arith.constant 32 : index
      %get3A_234 = tpu.vector_load %get3A_231[%get3A_232, %get3A_233] {strides = array<i32>} : memref<128x128xf32, #tpu.memory_space<vmem>>, vector<1x16xf32>,
      %get3A_235 = vector.shape_cast %get3A_234 : vector<1x16xf32> to vector<16xf32>
      %get3A_236 = arith.constant 0 : i32
      %get3A_237 = arith.constant 0 : i32
      %get3A_238 = tpu.memref_slice %arg6[%scan3A_70, %get3A_236, %get3A_237] : memref<3x128x128xf32, #tpu.memory_space<vmem>> -> memref<1x128x128xf32, #tpu.memory_space<vmem>>
      %get3A_239 = tpu.memref_squeeze %get3A_238 : memref<1x128x128xf32, #tpu.memory_space<vmem>> -> memref<128x128xf32, #tpu.memory_space<vmem>>
      %get3A_240 = arith.index_cast %scan3A_212 : i32 to index
      %get3A_241 = arith.constant 48 : index
      %get3A_242 = tpu.vector_load %get3A_239[%get3A_240, %get3A_241] {strides = array<i32>} : memref<128x128xf32, #tpu.memory_space<vmem>>, vector<1x16xf32>,
      %get3A_243 = vector.shape_cast %get3A_242 : vector<1x16xf32> to vector<16xf32>
      %get3A_244 = arith.constant 0 : i32
      %get3A_245 = arith.constant 0 : i32
      %get3A_246 = tpu.memref_slice %arg6[%scan3A_70, %get3A_244, %get3A_245] : memref<3x128x128xf32, #tpu.memory_space<vmem>> -> memref<1x128x128xf32, #tpu.memory_space<vmem>>
      %get3A_247 = tpu.memref_squeeze %get3A_246 : memref<1x128x128xf32, #tpu.memory_space<vmem>> -> memref<128x128xf32, #tpu.memory_space<vmem>>
      %get3A_248 = arith.index_cast %scan3A_212 : i32 to index
      %get3A_249 = arith.constant 64 : index
      %get3A_250 = tpu.vector_load %get3A_247[%get3A_248, %get3A_249] {strides = array<i32>} : memref<128x128xf32, #tpu.memory_space<vmem>>, vector<1x16xf32>,
      %get3A_251 = vector.shape_cast %get3A_250 : vector<1x16xf32> to vector<16xf32>
      %get3A_252 = arith.constant 0 : i32
      %get3A_253 = arith.constant 0 : i32
      %get3A_254 = tpu.memref_slice %arg6[%scan3A_70, %get3A_252, %get3A_253] : memref<3x128x128xf32, #tpu.memory_space<vmem>> -> memref<1x128x128xf32, #tpu.memory_space<vmem>>
      %get3A_255 = tpu.memref_squeeze %get3A_254 : memref<1x128x128xf32, #tpu.memory_space<vmem>> -> memref<128x128xf32, #tpu.memory_space<vmem>>
      %get3A_256 = arith.index_cast %scan3A_212 : i32 to index
      %get3A_257 = arith.constant 80 : index
      %get3A_258 = tpu.vector_load %get3A_255[%get3A_256, %get3A_257] {strides = array<i32>} : memref<128x128xf32, #tpu.memory_space<vmem>>, vector<1x16xf32>,
      %get3A_259 = vector.shape_cast %get3A_258 : vector<1x16xf32> to vector<16xf32>
      %get3A_260 = arith.constant 0 : i32
      %get3A_261 = arith.constant 0 : i32
      %get3A_262 = tpu.memref_slice %arg6[%scan3A_70, %get3A_260, %get3A_261] : memref<3x128x128xf32, #tpu.memory_space<vmem>> -> memref<1x128x128xf32, #tpu.memory_space<vmem>>
      %get3A_263 = tpu.memref_squeeze %get3A_262 : memref<1x128x128xf32, #tpu.memory_space<vmem>> -> memref<128x128xf32, #tpu.memory_space<vmem>>
      %get3A_264 = arith.index_cast %scan3A_212 : i32 to index
      %get3A_265 = arith.constant 96 : index
      %get3A_266 = tpu.vector_load %get3A_263[%get3A_264, %get3A_265] {strides = array<i32>} : memref<128x128xf32, #tpu.memory_space<vmem>>, vector<1x16xf32>,
      %get3A_267 = vector.shape_cast %get3A_266 : vector<1x16xf32> to vector<16xf32>
      %get3A_268 = arith.constant 0 : i32
      %get3A_269 = arith.constant 0 : i32
      %get3A_270 = tpu.memref_slice %arg6[%scan3A_70, %get3A_268, %get3A_269] : memref<3x128x128xf32, #tpu.memory_space<vmem>> -> memref<1x128x128xf32, #tpu.memory_space<vmem>>
      %get3A_271 = tpu.memref_squeeze %get3A_270 : memref<1x128x128xf32, #tpu.memory_space<vmem>> -> memref<128x128xf32, #tpu.memory_space<vmem>>
      %get3A_272 = arith.index_cast %scan3A_212 : i32 to index
      %get3A_273 = arith.constant 112 : index
      %get3A_274 = tpu.vector_load %get3A_271[%get3A_272, %get3A_273] {strides = array<i32>} : memref<128x128xf32, #tpu.memory_space<vmem>>, vector<1x16xf32>,
      %get3A_275 = vector.shape_cast %get3A_274 : vector<1x16xf32> to vector<16xf32>
      %mul3A_276 = arith.constant 11.3137083 : f32
      %mul3A_277 = vector.broadcast %mul3A_276 : f32 to vector<16xf32>
      %mul3A_278 = arith.mulf %get3A_219, %mul3A_277 : vector<16xf32>
      %swap3A = arith.constant 0 : i32
      %swap3A_279 = arith.constant 0 : i32
      %swap3A_280 = tpu.memref_slice %arg7[%scan3A_71, %swap3A, %swap3A_279] : memref<3x128x128xf32, #tpu.memory_space<vmem>> -> memref<1x128x128xf32, #tpu.memory_space<vmem>>
      %swap3A_281 = tpu.memref_squeeze %swap3A_280 : memref<1x128x128xf32, #tpu.memory_space<vmem>> -> memref<128x128xf32, #tpu.memory_space<vmem>>
      %swap3A_282 = arith.index_cast %scan3A_212 : i32 to index
      %swap3A_283 = arith.constant 0 : index
      %swap3A_284 = tpu.vector_load %swap3A_281[%swap3A_282, %swap3A_283] {strides = array<i32>} : memref<128x128xf32, #tpu.memory_space<vmem>>, vector<1x16xf32>,
      %swap3A_285 = vector.shape_cast %swap3A_284 : vector<1x16xf32> to vector<16xf32>
      %swap3A_286 = vector.shape_cast %mul3A_278 : vector<16xf32> to vector<1x16xf32>
      tpu.vector_store %swap3A_281[%swap3A_282, %swap3A_283], %swap3A_286 {strides = array<i32>} : memref<128x128xf32, #tpu.memory_space<vmem>>, vector<1x16xf32>,
      %mul3A_287 = arith.constant 11.3137083 : f32
      %mul3A_288 = vector.broadcast %mul3A_287 : f32 to vector<16xf32>
      %mul3A_289 = arith.mulf %get3A_227, %mul3A_288 : vector<16xf32>
      %swap3A_290 = arith.constant 0 : i32
      %swap3A_291 = arith.constant 0 : i32
      %swap3A_292 = tpu.memref_slice %arg7[%scan3A_71, %swap3A_290, %swap3A_291] : memref<3x128x128xf32, #tpu.memory_space<vmem>> -> memref<1x128x128xf32, #tpu.memory_space<vmem>>
      %swap3A_293 = tpu.memref_squeeze %swap3A_292 : memref<1x128x128xf32, #tpu.memory_space<vmem>> -> memref<128x128xf32, #tpu.memory_space<vmem>>
      %swap3A_294 = arith.index_cast %scan3A_212 : i32 to index
      %swap3A_295 = arith.constant 16 : index
      %swap3A_296 = tpu.vector_load %swap3A_293[%swap3A_294, %swap3A_295] {strides = array<i32>} : memref<128x128xf32, #tpu.memory_space<vmem>>, vector<1x16xf32>,
      %swap3A_297 = vector.shape_cast %swap3A_296 : vector<1x16xf32> to vector<16xf32>
      %swap3A_298 = vector.shape_cast %mul3A_289 : vector<16xf32> to vector<1x16xf32>
      tpu.vector_store %swap3A_293[%swap3A_294, %swap3A_295], %swap3A_298 {strides = array<i32>} : memref<128x128xf32, #tpu.memory_space<vmem>>, vector<1x16xf32>,
      %mul3A_299 = arith.constant 11.3137083 : f32
      %mul3A_300 = vector.broadcast %mul3A_299 : f32 to vector<16xf32>
      %mul3A_301 = arith.mulf %get3A_235, %mul3A_300 : vector<16xf32>
      %swap3A_302 = arith.constant 0 : i32
      %swap3A_303 = arith.constant 0 : i32
      %swap3A_304 = tpu.memref_slice %arg7[%scan3A_71, %swap3A_302, %swap3A_303] : memref<3x128x128xf32, #tpu.memory_space<vmem>> -> memref<1x128x128xf32, #tpu.memory_space<vmem>>
      %swap3A_305 = tpu.memref_squeeze %swap3A_304 : memref<1x128x128xf32, #tpu.memory_space<vmem>> -> memref<128x128xf32, #tpu.memory_space<vmem>>
      %swap3A_306 = arith.index_cast %scan3A_212 : i32 to index
      %swap3A_307 = arith.constant 32 : index
      %swap3A_308 = tpu.vector_load %swap3A_305[%swap3A_306, %swap3A_307] {strides = array<i32>} : memref<128x128xf32, #tpu.memory_space<vmem>>, vector<1x16xf32>,
      %swap3A_309 = vector.shape_cast %swap3A_308 : vector<1x16xf32> to vector<16xf32>
      %swap3A_310 = vector.shape_cast %mul3A_301 : vector<16xf32> to vector<1x16xf32>
      tpu.vector_store %swap3A_305[%swap3A_306, %swap3A_307], %swap3A_310 {strides = array<i32>} : memref<128x128xf32, #tpu.memory_space<vmem>>, vector<1x16xf32>,
      %mul3A_311 = arith.constant 11.3137083 : f32
      %mul3A_312 = vector.broadcast %mul3A_311 : f32 to vector<16xf32>
      %mul3A_313 = arith.mulf %get3A_243, %mul3A_312 : vector<16xf32>
      %swap3A_314 = arith.constant 0 : i32
      %swap3A_315 = arith.constant 0 : i32
      %swap3A_316 = tpu.memref_slice %arg7[%scan3A_71, %swap3A_314, %swap3A_315] : memref<3x128x128xf32, #tpu.memory_space<vmem>> -> memref<1x128x128xf32, #tpu.memory_space<vmem>>
      %swap3A_317 = tpu.memref_squeeze %swap3A_316 : memref<1x128x128xf32, #tpu.memory_space<vmem>> -> memref<128x128xf32, #tpu.memory_space<vmem>>
      %swap3A_318 = arith.index_cast %scan3A_212 : i32 to index
      %swap3A_319 = arith.constant 48 : index
      %swap3A_320 = tpu.vector_load %swap3A_317[%swap3A_318, %swap3A_319] {strides = array<i32>} : memref<128x128xf32, #tpu.memory_space<vmem>>, vector<1x16xf32>,
      %swap3A_321 = vector.shape_cast %swap3A_320 : vector<1x16xf32> to vector<16xf32>
      %swap3A_322 = vector.shape_cast %mul3A_313 : vector<16xf32> to vector<1x16xf32>
      tpu.vector_store %swap3A_317[%swap3A_318, %swap3A_319], %swap3A_322 {strides = array<i32>} : memref<128x128xf32, #tpu.memory_space<vmem>>, vector<1x16xf32>,
      %mul3A_323 = arith.constant 11.3137083 : f32
      %mul3A_324 = vector.broadcast %mul3A_323 : f32 to vector<16xf32>
      %mul3A_325 = arith.mulf %get3A_251, %mul3A_324 : vector<16xf32>
      %swap3A_326 = arith.constant 0 : i32
      %swap3A_327 = arith.constant 0 : i32
      %swap3A_328 = tpu.memref_slice %arg7[%scan3A_71, %swap3A_326, %swap3A_327] : memref<3x128x128xf32, #tpu.memory_space<vmem>> -> memref<1x128x128xf32, #tpu.memory_space<vmem>>
      %swap3A_329 = tpu.memref_squeeze %swap3A_328 : memref<1x128x128xf32, #tpu.memory_space<vmem>> -> memref<128x128xf32, #tpu.memory_space<vmem>>
      %swap3A_330 = arith.index_cast %scan3A_212 : i32 to index
      %swap3A_331 = arith.constant 64 : index
      %swap3A_332 = tpu.vector_load %swap3A_329[%swap3A_330, %swap3A_331] {strides = array<i32>} : memref<128x128xf32, #tpu.memory_space<vmem>>, vector<1x16xf32>,
      %swap3A_333 = vector.shape_cast %swap3A_332 : vector<1x16xf32> to vector<16xf32>
      %swap3A_334 = vector.shape_cast %mul3A_325 : vector<16xf32> to vector<1x16xf32>
      tpu.vector_store %swap3A_329[%swap3A_330, %swap3A_331], %swap3A_334 {strides = array<i32>} : memref<128x128xf32, #tpu.memory_space<vmem>>, vector<1x16xf32>,
      %mul3A_335 = arith.constant 11.3137083 : f32
      %mul3A_336 = vector.broadcast %mul3A_335 : f32 to vector<16xf32>
      %mul3A_337 = arith.mulf %get3A_259, %mul3A_336 : vector<16xf32>
      %swap3A_338 = arith.constant 0 : i32
      %swap3A_339 = arith.constant 0 : i32
      %swap3A_340 = tpu.memref_slice %arg7[%scan3A_71, %swap3A_338, %swap3A_339] : memref<3x128x128xf32, #tpu.memory_space<vmem>> -> memref<1x128x128xf32, #tpu.memory_space<vmem>>
      %swap3A_341 = tpu.memref_squeeze %swap3A_340 : memref<1x128x128xf32, #tpu.memory_space<vmem>> -> memref<128x128xf32, #tpu.memory_space<vmem>>
      %swap3A_342 = arith.index_cast %scan3A_212 : i32 to index
      %swap3A_343 = arith.constant 80 : index
      %swap3A_344 = tpu.vector_load %swap3A_341[%swap3A_342, %swap3A_343] {strides = array<i32>} : memref<128x128xf32, #tpu.memory_space<vmem>>, vector<1x16xf32>,
      %swap3A_345 = vector.shape_cast %swap3A_344 : vector<1x16xf32> to vector<16xf32>
      %swap3A_346 = vector.shape_cast %mul3A_337 : vector<16xf32> to vector<1x16xf32>
      tpu.vector_store %swap3A_341[%swap3A_342, %swap3A_343], %swap3A_346 {strides = array<i32>} : memref<128x128xf32, #tpu.memory_space<vmem>>, vector<1x16xf32>,
      %mul3A_347 = arith.constant 11.3137083 : f32
      %mul3A_348 = vector.broadcast %mul3A_347 : f32 to vector<16xf32>
      %mul3A_349 = arith.mulf %get3A_267, %mul3A_348 : vector<16xf32>
      %swap3A_350 = arith.constant 0 : i32
      %swap3A_351 = arith.constant 0 : i32
      %swap3A_352 = tpu.memref_slice %arg7[%scan3A_71, %swap3A_350, %swap3A_351] : memref<3x128x128xf32, #tpu.memory_space<vmem>> -> memref<1x128x128xf32, #tpu.memory_space<vmem>>
      %swap3A_353 = tpu.memref_squeeze %swap3A_352 : memref<1x128x128xf32, #tpu.memory_space<vmem>> -> memref<128x128xf32, #tpu.memory_space<vmem>>
      %swap3A_354 = arith.index_cast %scan3A_212 : i32 to index
      %swap3A_355 = arith.constant 96 : index
      %swap3A_356 = tpu.vector_load %swap3A_353[%swap3A_354, %swap3A_355] {strides = array<i32>} : memref<128x128xf32, #tpu.memory_space<vmem>>, vector<1x16xf32>,
      %swap3A_357 = vector.shape_cast %swap3A_356 : vector<1x16xf32> to vector<16xf32>
      %swap3A_358 = vector.shape_cast %mul3A_349 : vector<16xf32> to vector<1x16xf32>
      tpu.vector_store %swap3A_353[%swap3A_354, %swap3A_355], %swap3A_358 {strides = array<i32>} : memref<128x128xf32, #tpu.memory_space<vmem>>, vector<1x16xf32>,
      %mul3A_359 = arith.constant 11.3137083 : f32
      %mul3A_360 = vector.broadcast %mul3A_359 : f32 to vector<16xf32>
      %mul3A_361 = arith.mulf %get3A_275, %mul3A_360 : vector<16xf32>
      %swap3A_362 = arith.constant 0 : i32
      %swap3A_363 = arith.constant 0 : i32
      %swap3A_364 = tpu.memref_slice %arg7[%scan3A_71, %swap3A_362, %swap3A_363] : memref<3x128x128xf32, #tpu.memory_space<vmem>> -> memref<1x128x128xf32, #tpu.memory_space<vmem>>
      %swap3A_365 = tpu.memref_squeeze %swap3A_364 : memref<1x128x128xf32, #tpu.memory_space<vmem>> -> memref<128x128xf32, #tpu.memory_space<vmem>>
      %swap3A_366 = arith.index_cast %scan3A_212 : i32 to index
      %swap3A_367 = arith.constant 112 : index
      %swap3A_368 = tpu.vector_load %swap3A_365[%swap3A_366, %swap3A_367] {strides = array<i32>} : memref<128x128xf32, #tpu.memory_space<vmem>>, vector<1x16xf32>,
      %swap3A_369 = vector.shape_cast %swap3A_368 : vector<1x16xf32> to vector<16xf32>
      %swap3A_370 = vector.shape_cast %mul3A_361 : vector<16xf32> to vector<1x16xf32>
      tpu.vector_store %swap3A_365[%swap3A_366, %swap3A_367], %swap3A_370 {strides = array<i32>} : memref<128x128xf32, #tpu.memory_space<vmem>>, vector<1x16xf32>,
      %scan3A_371 = arith.constant 1 : i32
      %scan3A_372 = arith.addi %scan3A_212, %scan3A_371 : i32
      %get3A_373 = arith.constant 0 : i32
      %get3A_374 = arith.constant 0 : i32
      %get3A_375 = tpu.memref_slice %arg6[%scan3A_70, %get3A_373, %get3A_374] : memref<3x128x128xf32, #tpu.memory_space<vmem>> -> memref<1x128x128xf32, #tpu.memory_space<vmem>>
      %get3A_376 = tpu.memref_squeeze %get3A_375 : memref<1x128x128xf32, #tpu.memory_space<vmem>> -> memref<128x128xf32, #tpu.memory_space<vmem>>
      %get3A_377 = arith.index_cast %scan3A_372 : i32 to index
      %get3A_378 = arith.constant 0 : index
      %get3A_379 = tpu.vector_load %get3A_376[%get3A_377, %get3A_378] {strides = array<i32>} : memref<128x128xf32, #tpu.memory_space<vmem>>, vector<1x16xf32>,
      %get3A_380 = vector.shape_cast %get3A_379 : vector<1x16xf32> to vector<16xf32>
      %get3A_381 = arith.constant 0 : i32
      %get3A_382 = arith.constant 0 : i32
      %get3A_383 = tpu.memref_slice %arg6[%scan3A_70, %get3A_381, %get3A_382] : memref<3x128x128xf32, #tpu.memory_space<vmem>> -> memref<1x128x128xf32, #tpu.memory_space<vmem>>
      %get3A_384 = tpu.memref_squeeze %get3A_383 : memref<1x128x128xf32, #tpu.memory_space<vmem>> -> memref<128x128xf32, #tpu.memory_space<vmem>>
      %get3A_385 = arith.index_cast %scan3A_372 : i32 to index
      %get3A_386 = arith.constant 16 : index
      %get3A_387 = tpu.vector_load %get3A_384[%get3A_385, %get3A_386] {strides = array<i32>} : memref<128x128xf32, #tpu.memory_space<vmem>>, vector<1x16xf32>,
      %get3A_388 = vector.shape_cast %get3A_387 : vector<1x16xf32> to vector<16xf32>
      %get3A_389 = arith.constant 0 : i32
      %get3A_390 = arith.constant 0 : i32
      %get3A_391 = tpu.memref_slice %arg6[%scan3A_70, %get3A_389, %get3A_390] : memref<3x128x128xf32, #tpu.memory_space<vmem>> -> memref<1x128x128xf32, #tpu.memory_space<vmem>>
      %get3A_392 = tpu.memref_squeeze %get3A_391 : memref<1x128x128xf32, #tpu.memory_space<vmem>> -> memref<128x128xf32, #tpu.memory_space<vmem>>
      %get3A_393 = arith.index_cast %scan3A_372 : i32 to index
      %get3A_394 = arith.constant 32 : index
      %get3A_395 = tpu.vector_load %get3A_392[%get3A_393, %get3A_394] {strides = array<i32>} : memref<128x128xf32, #tpu.memory_space<vmem>>, vector<1x16xf32>,
      %get3A_396 = vector.shape_cast %get3A_395 : vector<1x16xf32> to vector<16xf32>
      %get3A_397 = arith.constant 0 : i32
      %get3A_398 = arith.constant 0 : i32
      %get3A_399 = tpu.memref_slice %arg6[%scan3A_70, %get3A_397, %get3A_398] : memref<3x128x128xf32, #tpu.memory_space<vmem>> -> memref<1x128x128xf32, #tpu.memory_space<vmem>>
      %get3A_400 = tpu.memref_squeeze %get3A_399 : memref<1x128x128xf32, #tpu.memory_space<vmem>> -> memref<128x128xf32, #tpu.memory_space<vmem>>
      %get3A_401 = arith.index_cast %scan3A_372 : i32 to index
      %get3A_402 = arith.constant 48 : index
      %get3A_403 = tpu.vector_load %get3A_400[%get3A_401, %get3A_402] {strides = array<i32>} : memref<128x128xf32, #tpu.memory_space<vmem>>, vector<1x16xf32>,
      %get3A_404 = vector.shape_cast %get3A_403 : vector<1x16xf32> to vector<16xf32>
      %get3A_405 = arith.constant 0 : i32
      %get3A_406 = arith.constant 0 : i32
      %get3A_407 = tpu.memref_slice %arg6[%scan3A_70, %get3A_405, %get3A_406] : memref<3x128x128xf32, #tpu.memory_space<vmem>> -> memref<1x128x128xf32, #tpu.memory_space<vmem>>
      %get3A_408 = tpu.memref_squeeze %get3A_407 : memref<1x128x128xf32, #tpu.memory_space<vmem>> -> memref<128x128xf32, #tpu.memory_space<vmem>>
      %get3A_409 = arith.index_cast %scan3A_372 : i32 to index
      %get3A_410 = arith.constant 64 : index
      %get3A_411 = tpu.vector_load %get3A_408[%get3A_409, %get3A_410] {strides = array<i32>} : memref<128x128xf32, #tpu.memory_space<vmem>>, vector<1x16xf32>,
      %get3A_412 = vector.shape_cast %get3A_411 : vector<1x16xf32> to vector<16xf32>
      %get3A_413 = arith.constant 0 : i32
      %get3A_414 = arith.constant 0 : i32
      %get3A_415 = tpu.memref_slice %arg6[%scan3A_70, %get3A_413, %get3A_414] : memref<3x128x128xf32, #tpu.memory_space<vmem>> -> memref<1x128x128xf32, #tpu.memory_space<vmem>>
      %get3A_416 = tpu.memref_squeeze %get3A_415 : memref<1x128x128xf32, #tpu.memory_space<vmem>> -> memref<128x128xf32, #tpu.memory_space<vmem>>
      %get3A_417 = arith.index_cast %scan3A_372 : i32 to index
      %get3A_418 = arith.constant 80 : index
      %get3A_419 = tpu.vector_load %get3A_416[%get3A_417, %get3A_418] {strides = array<i32>} : memref<128x128xf32, #tpu.memory_space<vmem>>, vector<1x16xf32>,
      %get3A_420 = vector.shape_cast %get3A_419 : vector<1x16xf32> to vector<16xf32>
      %get3A_421 = arith.constant 0 : i32
      %get3A_422 = arith.constant 0 : i32
      %get3A_423 = tpu.memref_slice %arg6[%scan3A_70, %get3A_421, %get3A_422] : memref<3x128x128xf32, #tpu.memory_space<vmem>> -> memref<1x128x128xf32, #tpu.memory_space<vmem>>
      %get3A_424 = tpu.memref_squeeze %get3A_423 : memref<1x128x128xf32, #tpu.memory_space<vmem>> -> memref<128x128xf32, #tpu.memory_space<vmem>>
      %get3A_425 = arith.index_cast %scan3A_372 : i32 to index
      %get3A_426 = arith.constant 96 : index
      %get3A_427 = tpu.vector_load %get3A_424[%get3A_425, %get3A_426] {strides = array<i32>} : memref<128x128xf32, #tpu.memory_space<vmem>>, vector<1x16xf32>,
      %get3A_428 = vector.shape_cast %get3A_427 : vector<1x16xf32> to vector<16xf32>
      %get3A_429 = arith.constant 0 : i32
      %get3A_430 = arith.constant 0 : i32
      %get3A_431 = tpu.memref_slice %arg6[%scan3A_70, %get3A_429, %get3A_430] : memref<3x128x128xf32, #tpu.memory_space<vmem>> -> memref<1x128x128xf32, #tpu.memory_space<vmem>>
      %get3A_432 = tpu.memref_squeeze %get3A_431 : memref<1x128x128xf32, #tpu.memory_space<vmem>> -> memref<128x128xf32, #tpu.memory_space<vmem>>
      %get3A_433 = arith.index_cast %scan3A_372 : i32 to index
      %get3A_434 = arith.constant 112 : index
      %get3A_435 = tpu.vector_load %get3A_432[%get3A_433, %get3A_434] {strides = array<i32>} : memref<128x128xf32, #tpu.memory_space<vmem>>, vector<1x16xf32>,
      %get3A_436 = vector.shape_cast %get3A_435 : vector<1x16xf32> to vector<16xf32>
      %mul3A_437 = arith.constant 11.3137083 : f32
      %mul3A_438 = vector.broadcast %mul3A_437 : f32 to vector<16xf32>
      %mul3A_439 = arith.mulf %get3A_380, %mul3A_438 : vector<16xf32>
      %swap3A_440 = arith.constant 0 : i32
      %swap3A_441 = arith.constant 0 : i32
      %swap3A_442 = tpu.memref_slice %arg7[%scan3A_71, %swap3A_440, %swap3A_441] : memref<3x128x128xf32, #tpu.memory_space<vmem>> -> memref<1x128x128xf32, #tpu.memory_space<vmem>>
      %swap3A_443 = tpu.memref_squeeze %swap3A_442 : memref<1x128x128xf32, #tpu.memory_space<vmem>> -> memref<128x128xf32, #tpu.memory_space<vmem>>
      %swap3A_444 = arith.index_cast %scan3A_372 : i32 to index
      %swap3A_445 = arith.constant 0 : index
      %swap3A_446 = tpu.vector_load %swap3A_443[%swap3A_444, %swap3A_445] {strides = array<i32>} : memref<128x128xf32, #tpu.memory_space<vmem>>, vector<1x16xf32>,
      %swap3A_447 = vector.shape_cast %swap3A_446 : vector<1x16xf32> to vector<16xf32>
      %swap3A_448 = vector.shape_cast %mul3A_439 : vector<16xf32> to vector<1x16xf32>
      tpu.vector_store %swap3A_443[%swap3A_444, %swap3A_445], %swap3A_448 {strides = array<i32>} : memref<128x128xf32, #tpu.memory_space<vmem>>, vector<1x16xf32>,
      %mul3A_449 = arith.constant 11.3137083 : f32
      %mul3A_450 = vector.broadcast %mul3A_449 : f32 to vector<16xf32>
      %mul3A_451 = arith.mulf %get3A_388, %mul3A_450 : vector<16xf32>
      %swap3A_452 = arith.constant 0 : i32
      %swap3A_453 = arith.constant 0 : i32
      %swap3A_454 = tpu.memref_slice %arg7[%scan3A_71, %swap3A_452, %swap3A_453] : memref<3x128x128xf32, #tpu.memory_space<vmem>> -> memref<1x128x128xf32, #tpu.memory_space<vmem>>
      %swap3A_455 = tpu.memref_squeeze %swap3A_454 : memref<1x128x128xf32, #tpu.memory_space<vmem>> -> memref<128x128xf32, #tpu.memory_space<vmem>>
      %swap3A_456 = arith.index_cast %scan3A_372 : i32 to index
      %swap3A_457 = arith.constant 16 : index
      %swap3A_458 = tpu.vector_load %swap3A_455[%swap3A_456, %swap3A_457] {strides = array<i32>} : memref<128x128xf32, #tpu.memory_space<vmem>>, vector<1x16xf32>,
      %swap3A_459 = vector.shape_cast %swap3A_458 : vector<1x16xf32> to vector<16xf32>
      %swap3A_460 = vector.shape_cast %mul3A_451 : vector<16xf32> to vector<1x16xf32>
      tpu.vector_store %swap3A_455[%swap3A_456, %swap3A_457], %swap3A_460 {strides = array<i32>} : memref<128x128xf32, #tpu.memory_space<vmem>>, vector<1x16xf32>,
      %mul3A_461 = arith.constant 11.3137083 : f32
      %mul3A_462 = vector.broadcast %mul3A_461 : f32 to vector<16xf32>
      %mul3A_463 = arith.mulf %get3A_396, %mul3A_462 : vector<16xf32>
      %swap3A_464 = arith.constant 0 : i32
      %swap3A_465 = arith.constant 0 : i32
      %swap3A_466 = tpu.memref_slice %arg7[%scan3A_71, %swap3A_464, %swap3A_465] : memref<3x128x128xf32, #tpu.memory_space<vmem>> -> memref<1x128x128xf32, #tpu.memory_space<vmem>>
      %swap3A_467 = tpu.memref_squeeze %swap3A_466 : memref<1x128x128xf32, #tpu.memory_space<vmem>> -> memref<128x128xf32, #tpu.memory_space<vmem>>
      %swap3A_468 = arith.index_cast %scan3A_372 : i32 to index
      %swap3A_469 = arith.constant 32 : index
      %swap3A_470 = tpu.vector_load %swap3A_467[%swap3A_468, %swap3A_469] {strides = array<i32>} : memref<128x128xf32, #tpu.memory_space<vmem>>, vector<1x16xf32>,
      %swap3A_471 = vector.shape_cast %swap3A_470 : vector<1x16xf32> to vector<16xf32>
      %swap3A_472 = vector.shape_cast %mul3A_463 : vector<16xf32> to vector<1x16xf32>
      tpu.vector_store %swap3A_467[%swap3A_468, %swap3A_469], %swap3A_472 {strides = array<i32>} : memref<128x128xf32, #tpu.memory_space<vmem>>, vector<1x16xf32>,
      %mul3A_473 = arith.constant 11.3137083 : f32
      %mul3A_474 = vector.broadcast %mul3A_473 : f32 to vector<16xf32>
      %mul3A_475 = arith.mulf %get3A_404, %mul3A_474 : vector<16xf32>
      %swap3A_476 = arith.constant 0 : i32
      %swap3A_477 = arith.constant 0 : i32
      %swap3A_478 = tpu.memref_slice %arg7[%scan3A_71, %swap3A_476, %swap3A_477] : memref<3x128x128xf32, #tpu.memory_space<vmem>> -> memref<1x128x128xf32, #tpu.memory_space<vmem>>
      %swap3A_479 = tpu.memref_squeeze %swap3A_478 : memref<1x128x128xf32, #tpu.memory_space<vmem>> -> memref<128x128xf32, #tpu.memory_space<vmem>>
      %swap3A_480 = arith.index_cast %scan3A_372 : i32 to index
      %swap3A_481 = arith.constant 48 : index
      %swap3A_482 = tpu.vector_load %swap3A_479[%swap3A_480, %swap3A_481] {strides = array<i32>} : memref<128x128xf32, #tpu.memory_space<vmem>>, vector<1x16xf32>,
      %swap3A_483 = vector.shape_cast %swap3A_482 : vector<1x16xf32> to vector<16xf32>
      %swap3A_484 = vector.shape_cast %mul3A_475 : vector<16xf32> to vector<1x16xf32>
      tpu.vector_store %swap3A_479[%swap3A_480, %swap3A_481], %swap3A_484 {strides = array<i32>} : memref<128x128xf32, #tpu.memory_space<vmem>>, vector<1x16xf32>,
      %mul3A_485 = arith.constant 11.3137083 : f32
      %mul3A_486 = vector.broadcast %mul3A_485 : f32 to vector<16xf32>
      %mul3A_487 = arith.mulf %get3A_412, %mul3A_486 : vector<16xf32>
      %swap3A_488 = arith.constant 0 : i32
      %swap3A_489 = arith.constant 0 : i32
      %swap3A_490 = tpu.memref_slice %arg7[%scan3A_71, %swap3A_488, %swap3A_489] : memref<3x128x128xf32, #tpu.memory_space<vmem>> -> memref<1x128x128xf32, #tpu.memory_space<vmem>>
      %swap3A_491 = tpu.memref_squeeze %swap3A_490 : memref<1x128x128xf32, #tpu.memory_space<vmem>> -> memref<128x128xf32, #tpu.memory_space<vmem>>
      %swap3A_492 = arith.index_cast %scan3A_372 : i32 to index
      %swap3A_493 = arith.constant 64 : index
      %swap3A_494 = tpu.vector_load %swap3A_491[%swap3A_492, %swap3A_493] {strides = array<i32>} : memref<128x128xf32, #tpu.memory_space<vmem>>, vector<1x16xf32>,
      %swap3A_495 = vector.shape_cast %swap3A_494 : vector<1x16xf32> to vector<16xf32>
      %swap3A_496 = vector.shape_cast %mul3A_487 : vector<16xf32> to vector<1x16xf32>
      tpu.vector_store %swap3A_491[%swap3A_492, %swap3A_493], %swap3A_496 {strides = array<i32>} : memref<128x128xf32, #tpu.memory_space<vmem>>, vector<1x16xf32>,
      %mul3A_497 = arith.constant 11.3137083 : f32
      %mul3A_498 = vector.broadcast %mul3A_497 : f32 to vector<16xf32>
      %mul3A_499 = arith.mulf %get3A_420, %mul3A_498 : vector<16xf32>
      %swap3A_500 = arith.constant 0 : i32
      %swap3A_501 = arith.constant 0 : i32
      %swap3A_502 = tpu.memref_slice %arg7[%scan3A_71, %swap3A_500, %swap3A_501] : memref<3x128x128xf32, #tpu.memory_space<vmem>> -> memref<1x128x128xf32, #tpu.memory_space<vmem>>
      %swap3A_503 = tpu.memref_squeeze %swap3A_502 : memref<1x128x128xf32, #tpu.memory_space<vmem>> -> memref<128x128xf32, #tpu.memory_space<vmem>>
      %swap3A_504 = arith.index_cast %scan3A_372 : i32 to index
      %swap3A_505 = arith.constant 80 : index
      %swap3A_506 = tpu.vector_load %swap3A_503[%swap3A_504, %swap3A_505] {strides = array<i32>} : memref<128x128xf32, #tpu.memory_space<vmem>>, vector<1x16xf32>,
      %swap3A_507 = vector.shape_cast %swap3A_506 : vector<1x16xf32> to vector<16xf32>
      %swap3A_508 = vector.shape_cast %mul3A_499 : vector<16xf32> to vector<1x16xf32>
      tpu.vector_store %swap3A_503[%swap3A_504, %swap3A_505], %swap3A_508 {strides = array<i32>} : memref<128x128xf32, #tpu.memory_space<vmem>>, vector<1x16xf32>,
      %mul3A_509 = arith.constant 11.3137083 : f32
      %mul3A_510 = vector.broadcast %mul3A_509 : f32 to vector<16xf32>
      %mul3A_511 = arith.mulf %get3A_428, %mul3A_510 : vector<16xf32>
      %swap3A_512 = arith.constant 0 : i32
      %swap3A_513 = arith.constant 0 : i32
      %swap3A_514 = tpu.memref_slice %arg7[%scan3A_71, %swap3A_512, %swap3A_513] : memref<3x128x128xf32, #tpu.memory_space<vmem>> -> memref<1x128x128xf32, #tpu.memory_space<vmem>>
      %swap3A_515 = tpu.memref_squeeze %swap3A_514 : memref<1x128x128xf32, #tpu.memory_space<vmem>> -> memref<128x128xf32, #tpu.memory_space<vmem>>
      %swap3A_516 = arith.index_cast %scan3A_372 : i32 to index
      %swap3A_517 = arith.constant 96 : index
      %swap3A_518 = tpu.vector_load %swap3A_515[%swap3A_516, %swap3A_517] {strides = array<i32>} : memref<128x128xf32, #tpu.memory_space<vmem>>, vector<1x16xf32>,
      %swap3A_519 = vector.shape_cast %swap3A_518 : vector<1x16xf32> to vector<16xf32>
      %swap3A_520 = vector.shape_cast %mul3A_511 : vector<16xf32> to vector<1x16xf32>
      tpu.vector_store %swap3A_515[%swap3A_516, %swap3A_517], %swap3A_520 {strides = array<i32>} : memref<128x128xf32, #tpu.memory_space<vmem>>, vector<1x16xf32>,
      %mul3A_521 = arith.constant 11.3137083 : f32
      %mul3A_522 = vector.broadcast %mul3A_521 : f32 to vector<16xf32>
      %mul3A_523 = arith.mulf %get3A_436, %mul3A_522 : vector<16xf32>
      %swap3A_524 = arith.constant 0 : i32
      %swap3A_525 = arith.constant 0 : i32
      %swap3A_526 = tpu.memref_slice %arg7[%scan3A_71, %swap3A_524, %swap3A_525] : memref<3x128x128xf32, #tpu.memory_space<vmem>> -> memref<1x128x128xf32, #tpu.memory_space<vmem>>
      %swap3A_527 = tpu.memref_squeeze %swap3A_526 : memref<1x128x128xf32, #tpu.memory_space<vmem>> -> memref<128x128xf32, #tpu.memory_space<vmem>>
      %swap3A_528 = arith.index_cast %scan3A_372 : i32 to index
      %swap3A_529 = arith.constant 112 : index
      %swap3A_530 = tpu.vector_load %swap3A_527[%swap3A_528, %swap3A_529] {strides = array<i32>} : memref<128x128xf32, #tpu.memory_space<vmem>>, vector<1x16xf32>,
      %swap3A_531 = vector.shape_cast %swap3A_530 : vector<1x16xf32> to vector<16xf32>
      %swap3A_532 = vector.shape_cast %mul3A_523 : vector<16xf32> to vector<1x16xf32>
      tpu.vector_store %swap3A_527[%swap3A_528, %swap3A_529], %swap3A_532 {strides = array<i32>} : memref<128x128xf32, #tpu.memory_space<vmem>>, vector<1x16xf32>,
    }
    %scan3A_76 = arith.constant 128 : i32
    %mul3A_77 = arith.constant 128 : i32
    %mul3A_78 = arith.muli %add3A, %mul3A_77 : i32
    %add3A_79 = arith.constant 196608 : i32
    %add3A_80 = arith.addi %add3A_79, %mul3A_78 : i32
    %dma_start3A_81 = arith.constant 0 : i32
    %dma_start3A_82 = arith.constant 0 : i32
    %dma_start3A_83 = arith.constant 0 : i32
    %dma_start3A_84 = arith.constant 0 : i32
    %dma_start3A_85 = tpu.memref_slice %arg7[%dma_start3A_81, %dma_start3A_83, %dma_start3A_84] : memref<3x128x128xf32, #tpu.memory_space<vmem>> -> memref<1x128x128xf32, #tpu.memory_space<vmem>>
    %dma_start3A_86 = tpu.memref_squeeze %dma_start3A_85 : memref<1x128x128xf32, #tpu.memory_space<vmem>> -> memref<128x128xf32, #tpu.memory_space<vmem>>
    %dma_start3A_87 = arith.constant 0 : i32
    %dma_start3A_88 = tpu.memref_slice %arg4[%add3A_80, %dma_start3A_87] : memref<204800x128xf32, #tpu.memory_space<hbm>> -> memref<128x128xf32, #tpu.memory_space<hbm>>
    %dma_start3A_89 = tpu.memref_slice %arg9[%dma_start3A_82] : memref<3x!tpu.dma_semaphore, #tpu.memory_space<semaphore_mem>> -> memref<1x!tpu.dma_semaphore, #tpu.memory_space<semaphore_mem>>
    %dma_start3A_90 = tpu.memref_squeeze %dma_start3A_89 : memref<1x!tpu.dma_semaphore, #tpu.memory_space<semaphore_mem>> -> memref<!tpu.dma_semaphore, #tpu.memory_space<semaphore_mem>>
    %dma_start3A_91 = arith.constant 0 : i32
    %dma_start3A_92 = tpu.memref_slice %arg4[%add3A_80, %dma_start3A_91] : memref<204800x128xf32, #tpu.memory_space<hbm>> -> memref<128x128xf32, #tpu.memory_space<hbm>>
    %dma_start3A_93 = arith.constant 0 : i32
    %dma_start3A_94 = arith.constant 0 : i32
    %dma_start3A_95 = tpu.memref_slice %arg7[%dma_start3A_81, %dma_start3A_93, %dma_start3A_94] : memref<3x128x128xf32, #tpu.memory_space<vmem>> -> memref<1x128x128xf32, #tpu.memory_space<vmem>>
    %dma_start3A_96 = tpu.memref_squeeze %dma_start3A_95 : memref<1x128x128xf32, #tpu.memory_space<vmem>> -> memref<128x128xf32, #tpu.memory_space<vmem>>
    tpu.enqueue_dma source(%dma_start3A_96 : memref<128x128xf32, #tpu.memory_space<vmem>>) target(%dma_start3A_92 : memref<128x128xf32, #tpu.memory_space<hbm>>) target_semaphore(%dma_start3A_90 : memref<!tpu.dma_semaphore, #tpu.memory_space<semaphore_mem>>)
    %dma_wait3A_97 = arith.constant 49 : i32
    %dma_wait3A_98 = arith.constant 1 : i32
    %dma_wait3A_99 = arith.constant 1 : i32
    %dma_wait3A_100 = arith.constant 0 : i32
    %dma_wait3A_101 = arith.constant 0 : i32
    %dma_wait3A_102 = tpu.memref_slice %arg6[%dma_wait3A_98, %dma_wait3A_100, %dma_wait3A_101] : memref<3x128x128xf32, #tpu.memory_space<vmem>> -> memref<1x128x128xf32, #tpu.memory_space<vmem>>
    %dma_wait3A_103 = tpu.memref_squeeze %dma_wait3A_102 : memref<1x128x128xf32, #tpu.memory_space<vmem>> -> memref<128x128xf32, #tpu.memory_space<vmem>>
    %dma_wait3A_104 = arith.constant 0 : i32
    %dma_wait3A_105 = tpu.memref_slice %arg5[%dma_wait3A_97, %dma_wait3A_104] : memref<50x128xi32, #tpu.memory_space<vmem>> -> memref<1x128xi32, #tpu.memory_space<vmem>>
    %dma_wait3A_106 = tpu.memref_squeeze %dma_wait3A_105 : memref<1x128xi32, #tpu.memory_space<vmem>> -> memref<128xi32, #tpu.memory_space<vmem>>
    %dma_wait3A_107 = arith.constant 0 : i32
    %dma_wait3A_108 = arith.constant 0 : i32
    %dma_wait3A_109 = tpu.memref_slice %arg3[%dma_wait3A_107, %dma_wait3A_108] : memref<100000x128xf32, #tpu.memory_space<hbm>> -> memref<100000x128xf32, #tpu.memory_space<hbm>>
    %dma_wait3A_110 = tpu.memref_slice %arg8[%dma_wait3A_99] : memref<3x!tpu.dma_semaphore, #tpu.memory_space<semaphore_mem>> -> memref<1x!tpu.dma_semaphore, #tpu.memory_space<semaphore_mem>>
    %dma_wait3A_111 = tpu.memref_squeeze %dma_wait3A_110 : memref<1x!tpu.dma_semaphore, #tpu.memory_space<semaphore_mem>> -> memref<!tpu.dma_semaphore, #tpu.memory_space<semaphore_mem>>
    tpu.wait_indirect_dma semaphore(%dma_wait3A_111 : memref<!tpu.dma_semaphore, #tpu.memory_space<semaphore_mem>>) src(%dma_wait3A_109 : memref<100000x128xf32, #tpu.memory_space<hbm>>) dst(%dma_wait3A_103 : memref<128x128xf32, #tpu.memory_space<vmem>>)
    %dma_wait3A_112 = arith.constant 1 : i32
    %dma_wait3A_113 = arith.constant 1 : i32
    %dma_wait3A_114 = arith.constant 0 : i32
    %dma_wait3A_115 = arith.constant 0 : i32
    %dma_wait3A_116 = tpu.memref_slice %arg7[%dma_wait3A_112, %dma_wait3A_114, %dma_wait3A_115] : memref<3x128x128xf32, #tpu.memory_space<vmem>> -> memref<1x128x128xf32, #tpu.memory_space<vmem>>
    %dma_wait3A_117 = tpu.memref_squeeze %dma_wait3A_116 : memref<1x128x128xf32, #tpu.memory_space<vmem>> -> memref<128x128xf32, #tpu.memory_space<vmem>>
    %dma_wait3A_118 = arith.constant 0 : i32
    %dma_wait3A_119 = arith.constant 0 : i32
    %dma_wait3A_120 = tpu.memref_slice %arg4[%dma_wait3A_118, %dma_wait3A_119] : memref<204800x128xf32, #tpu.memory_space<hbm>> -> memref<128x128xf32, #tpu.memory_space<hbm>>
    %dma_wait3A_121 = tpu.memref_slice %arg9[%dma_wait3A_113] : memref<3x!tpu.dma_semaphore, #tpu.memory_space<semaphore_mem>> -> memref<1x!tpu.dma_semaphore, #tpu.memory_space<semaphore_mem>>
    %dma_wait3A_122 = tpu.memref_squeeze %dma_wait3A_121 : memref<1x!tpu.dma_semaphore, #tpu.memory_space<semaphore_mem>> -> memref<!tpu.dma_semaphore, #tpu.memory_space<semaphore_mem>>
    %dma_wait3A_123 = arith.constant 0 : i32
    %dma_wait3A_124 = arith.constant 0 : i32
    %dma_wait3A_125 = tpu.memref_slice %arg4[%dma_wait3A_123, %dma_wait3A_124] : memref<204800x128xf32, #tpu.memory_space<hbm>> -> memref<128x128xf32, #tpu.memory_space<hbm>>
    %dma_wait3A_126 = arith.constant 0 : i32
    %dma_wait3A_127 = arith.constant 0 : i32
    %dma_wait3A_128 = tpu.memref_slice %arg7[%dma_wait3A_112, %dma_wait3A_126, %dma_wait3A_127] : memref<3x128x128xf32, #tpu.memory_space<vmem>> -> memref<1x128x128xf32, #tpu.memory_space<vmem>>
    %dma_wait3A_129 = tpu.memref_squeeze %dma_wait3A_128 : memref<1x128x128xf32, #tpu.memory_space<vmem>> -> memref<128x128xf32, #tpu.memory_space<vmem>>
    tpu.wait_dma2 semaphore(%dma_wait3A_122 : memref<!tpu.dma_semaphore, #tpu.memory_space<semaphore_mem>>) src(%dma_wait3A_129 : memref<128x128xf32, #tpu.memory_space<vmem>>) dst(%dma_wait3A_125 : memref<128x128xf32, #tpu.memory_space<hbm>>)
    %scan3A_130 = arith.constant 0 : i32
    %scan3A_131 = arith.constant 1 : i32
    %scan3A_132 = arith.constant 1 : i32
    %scan3A_133 = arith.constant 0 : i32
    %scan3A_134 = arith.constant 128 : i32
    %scan3A_135 = arith.addi %scan3A_133, %scan3A_134 : i32
    %scan3A_136 = arith.constant 2 : i32
    scf.for %scan3A_212 = %scan3A_133 to %scan3A_135 step %scan3A_136  : i32 {
      %get3A = arith.constant 0 : i32
      %get3A_213 = arith.constant 0 : i32
      %get3A_214 = tpu.memref_slice %arg6[%scan3A_131, %get3A, %get3A_213] : memref<3x128x128xf32, #tpu.memory_space<vmem>> -> memref<1x128x128xf32, #tpu.memory_space<vmem>>
      %get3A_215 = tpu.memref_squeeze %get3A_214 : memref<1x128x128xf32, #tpu.memory_space<vmem>> -> memref<128x128xf32, #tpu.memory_space<vmem>>
      %get3A_216 = arith.index_cast %scan3A_212 : i32 to index
      %get3A_217 = arith.constant 0 : index
      %get3A_218 = tpu.vector_load %get3A_215[%get3A_216, %get3A_217] {strides = array<i32>} : memref<128x128xf32, #tpu.memory_space<vmem>>, vector<1x16xf32>,
      %get3A_219 = vector.shape_cast %get3A_218 : vector<1x16xf32> to vector<16xf32>
      %get3A_220 = arith.constant 0 : i32
      %get3A_221 = arith.constant 0 : i32
      %get3A_222 = tpu.memref_slice %arg6[%scan3A_131, %get3A_220, %get3A_221] : memref<3x128x128xf32, #tpu.memory_space<vmem>> -> memref<1x128x128xf32, #tpu.memory_space<vmem>>
      %get3A_223 = tpu.memref_squeeze %get3A_222 : memref<1x128x128xf32, #tpu.memory_space<vmem>> -> memref<128x128xf32, #tpu.memory_space<vmem>>
      %get3A_224 = arith.index_cast %scan3A_212 : i32 to index
      %get3A_225 = arith.constant 16 : index
      %get3A_226 = tpu.vector_load %get3A_223[%get3A_224, %get3A_225] {strides = array<i32>} : memref<128x128xf32, #tpu.memory_space<vmem>>, vector<1x16xf32>,
      %get3A_227 = vector.shape_cast %get3A_226 : vector<1x16xf32> to vector<16xf32>
      %get3A_228 = arith.constant 0 : i32
      %get3A_229 = arith.constant 0 : i32
      %get3A_230 = tpu.memref_slice %arg6[%scan3A_131, %get3A_228, %get3A_229] : memref<3x128x128xf32, #tpu.memory_space<vmem>> -> memref<1x128x128xf32, #tpu.memory_space<vmem>>
      %get3A_231 = tpu.memref_squeeze %get3A_230 : memref<1x128x128xf32, #tpu.memory_space<vmem>> -> memref<128x128xf32, #tpu.memory_space<vmem>>
      %get3A_232 = arith.index_cast %scan3A_212 : i32 to index
      %get3A_233 = arith.constant 32 : index
      %get3A_234 = tpu.vector_load %get3A_231[%get3A_232, %get3A_233] {strides = array<i32>} : memref<128x128xf32, #tpu.memory_space<vmem>>, vector<1x16xf32>,
      %get3A_235 = vector.shape_cast %get3A_234 : vector<1x16xf32> to vector<16xf32>
      %get3A_236 = arith.constant 0 : i32
      %get3A_237 = arith.constant 0 : i32
      %get3A_238 = tpu.memref_slice %arg6[%scan3A_131, %get3A_236, %get3A_237] : memref<3x128x128xf32, #tpu.memory_space<vmem>> -> memref<1x128x128xf32, #tpu.memory_space<vmem>>
      %get3A_239 = tpu.memref_squeeze %get3A_238 : memref<1x128x128xf32, #tpu.memory_space<vmem>> -> memref<128x128xf32, #tpu.memory_space<vmem>>
      %get3A_240 = arith.index_cast %scan3A_212 : i32 to index
      %get3A_241 = arith.constant 48 : index
      %get3A_242 = tpu.vector_load %get3A_239[%get3A_240, %get3A_241] {strides = array<i32>} : memref<128x128xf32, #tpu.memory_space<vmem>>, vector<1x16xf32>,
      %get3A_243 = vector.shape_cast %get3A_242 : vector<1x16xf32> to vector<16xf32>
      %get3A_244 = arith.constant 0 : i32
      %get3A_245 = arith.constant 0 : i32
      %get3A_246 = tpu.memref_slice %arg6[%scan3A_131, %get3A_244, %get3A_245] : memref<3x128x128xf32, #tpu.memory_space<vmem>> -> memref<1x128x128xf32, #tpu.memory_space<vmem>>
      %get3A_247 = tpu.memref_squeeze %get3A_246 : memref<1x128x128xf32, #tpu.memory_space<vmem>> -> memref<128x128xf32, #tpu.memory_space<vmem>>
      %get3A_248 = arith.index_cast %scan3A_212 : i32 to index
      %get3A_249 = arith.constant 64 : index
      %get3A_250 = tpu.vector_load %get3A_247[%get3A_248, %get3A_249] {strides = array<i32>} : memref<128x128xf32, #tpu.memory_space<vmem>>, vector<1x16xf32>,
      %get3A_251 = vector.shape_cast %get3A_250 : vector<1x16xf32> to vector<16xf32>
      %get3A_252 = arith.constant 0 : i32
      %get3A_253 = arith.constant 0 : i32
      %get3A_254 = tpu.memref_slice %arg6[%scan3A_131, %get3A_252, %get3A_253] : memref<3x128x128xf32, #tpu.memory_space<vmem>> -> memref<1x128x128xf32, #tpu.memory_space<vmem>>
      %get3A_255 = tpu.memref_squeeze %get3A_254 : memref<1x128x128xf32, #tpu.memory_space<vmem>> -> memref<128x128xf32, #tpu.memory_space<vmem>>
      %get3A_256 = arith.index_cast %scan3A_212 : i32 to index
      %get3A_257 = arith.constant 80 : index
      %get3A_258 = tpu.vector_load %get3A_255[%get3A_256, %get3A_257] {strides = array<i32>} : memref<128x128xf32, #tpu.memory_space<vmem>>, vector<1x16xf32>,
      %get3A_259 = vector.shape_cast %get3A_258 : vector<1x16xf32> to vector<16xf32>
      %get3A_260 = arith.constant 0 : i32
      %get3A_261 = arith.constant 0 : i32
      %get3A_262 = tpu.memref_slice %arg6[%scan3A_131, %get3A_260, %get3A_261] : memref<3x128x128xf32, #tpu.memory_space<vmem>> -> memref<1x128x128xf32, #tpu.memory_space<vmem>>
      %get3A_263 = tpu.memref_squeeze %get3A_262 : memref<1x128x128xf32, #tpu.memory_space<vmem>> -> memref<128x128xf32, #tpu.memory_space<vmem>>
      %get3A_264 = arith.index_cast %scan3A_212 : i32 to index
      %get3A_265 = arith.constant 96 : index
      %get3A_266 = tpu.vector_load %get3A_263[%get3A_264, %get3A_265] {strides = array<i32>} : memref<128x128xf32, #tpu.memory_space<vmem>>, vector<1x16xf32>,
      %get3A_267 = vector.shape_cast %get3A_266 : vector<1x16xf32> to vector<16xf32>
      %get3A_268 = arith.constant 0 : i32
      %get3A_269 = arith.constant 0 : i32
      %get3A_270 = tpu.memref_slice %arg6[%scan3A_131, %get3A_268, %get3A_269] : memref<3x128x128xf32, #tpu.memory_space<vmem>> -> memref<1x128x128xf32, #tpu.memory_space<vmem>>
      %get3A_271 = tpu.memref_squeeze %get3A_270 : memref<1x128x128xf32, #tpu.memory_space<vmem>> -> memref<128x128xf32, #tpu.memory_space<vmem>>
      %get3A_272 = arith.index_cast %scan3A_212 : i32 to index
      %get3A_273 = arith.constant 112 : index
      %get3A_274 = tpu.vector_load %get3A_271[%get3A_272, %get3A_273] {strides = array<i32>} : memref<128x128xf32, #tpu.memory_space<vmem>>, vector<1x16xf32>,
      %get3A_275 = vector.shape_cast %get3A_274 : vector<1x16xf32> to vector<16xf32>
      %mul3A_276 = arith.constant 11.3137083 : f32
      %mul3A_277 = vector.broadcast %mul3A_276 : f32 to vector<16xf32>
      %mul3A_278 = arith.mulf %get3A_219, %mul3A_277 : vector<16xf32>
      %swap3A = arith.constant 0 : i32
      %swap3A_279 = arith.constant 0 : i32
      %swap3A_280 = tpu.memref_slice %arg7[%scan3A_132, %swap3A, %swap3A_279] : memref<3x128x128xf32, #tpu.memory_space<vmem>> -> memref<1x128x128xf32, #tpu.memory_space<vmem>>
      %swap3A_281 = tpu.memref_squeeze %swap3A_280 : memref<1x128x128xf32, #tpu.memory_space<vmem>> -> memref<128x128xf32, #tpu.memory_space<vmem>>
      %swap3A_282 = arith.index_cast %scan3A_212 : i32 to index
      %swap3A_283 = arith.constant 0 : index
      %swap3A_284 = tpu.vector_load %swap3A_281[%swap3A_282, %swap3A_283] {strides = array<i32>} : memref<128x128xf32, #tpu.memory_space<vmem>>, vector<1x16xf32>,
      %swap3A_285 = vector.shape_cast %swap3A_284 : vector<1x16xf32> to vector<16xf32>
      %swap3A_286 = vector.shape_cast %mul3A_278 : vector<16xf32> to vector<1x16xf32>
      tpu.vector_store %swap3A_281[%swap3A_282, %swap3A_283], %swap3A_286 {strides = array<i32>} : memref<128x128xf32, #tpu.memory_space<vmem>>, vector<1x16xf32>,
      %mul3A_287 = arith.constant 11.3137083 : f32
      %mul3A_288 = vector.broadcast %mul3A_287 : f32 to vector<16xf32>
      %mul3A_289 = arith.mulf %get3A_227, %mul3A_288 : vector<16xf32>
      %swap3A_290 = arith.constant 0 : i32
      %swap3A_291 = arith.constant 0 : i32
      %swap3A_292 = tpu.memref_slice %arg7[%scan3A_132, %swap3A_290, %swap3A_291] : memref<3x128x128xf32, #tpu.memory_space<vmem>> -> memref<1x128x128xf32, #tpu.memory_space<vmem>>
      %swap3A_293 = tpu.memref_squeeze %swap3A_292 : memref<1x128x128xf32, #tpu.memory_space<vmem>> -> memref<128x128xf32, #tpu.memory_space<vmem>>
      %swap3A_294 = arith.index_cast %scan3A_212 : i32 to index
      %swap3A_295 = arith.constant 16 : index
      %swap3A_296 = tpu.vector_load %swap3A_293[%swap3A_294, %swap3A_295] {strides = array<i32>} : memref<128x128xf32, #tpu.memory_space<vmem>>, vector<1x16xf32>,
      %swap3A_297 = vector.shape_cast %swap3A_296 : vector<1x16xf32> to vector<16xf32>
      %swap3A_298 = vector.shape_cast %mul3A_289 : vector<16xf32> to vector<1x16xf32>
      tpu.vector_store %swap3A_293[%swap3A_294, %swap3A_295], %swap3A_298 {strides = array<i32>} : memref<128x128xf32, #tpu.memory_space<vmem>>, vector<1x16xf32>,
      %mul3A_299 = arith.constant 11.3137083 : f32
      %mul3A_300 = vector.broadcast %mul3A_299 : f32 to vector<16xf32>
      %mul3A_301 = arith.mulf %get3A_235, %mul3A_300 : vector<16xf32>
      %swap3A_302 = arith.constant 0 : i32
      %swap3A_303 = arith.constant 0 : i32
      %swap3A_304 = tpu.memref_slice %arg7[%scan3A_132, %swap3A_302, %swap3A_303] : memref<3x128x128xf32, #tpu.memory_space<vmem>> -> memref<1x128x128xf32, #tpu.memory_space<vmem>>
      %swap3A_305 = tpu.memref_squeeze %swap3A_304 : memref<1x128x128xf32, #tpu.memory_space<vmem>> -> memref<128x128xf32, #tpu.memory_space<vmem>>
      %swap3A_306 = arith.index_cast %scan3A_212 : i32 to index
      %swap3A_307 = arith.constant 32 : index
      %swap3A_308 = tpu.vector_load %swap3A_305[%swap3A_306, %swap3A_307] {strides = array<i32>} : memref<128x128xf32, #tpu.memory_space<vmem>>, vector<1x16xf32>,
      %swap3A_309 = vector.shape_cast %swap3A_308 : vector<1x16xf32> to vector<16xf32>
      %swap3A_310 = vector.shape_cast %mul3A_301 : vector<16xf32> to vector<1x16xf32>
      tpu.vector_store %swap3A_305[%swap3A_306, %swap3A_307], %swap3A_310 {strides = array<i32>} : memref<128x128xf32, #tpu.memory_space<vmem>>, vector<1x16xf32>,
      %mul3A_311 = arith.constant 11.3137083 : f32
      %mul3A_312 = vector.broadcast %mul3A_311 : f32 to vector<16xf32>
      %mul3A_313 = arith.mulf %get3A_243, %mul3A_312 : vector<16xf32>
      %swap3A_314 = arith.constant 0 : i32
      %swap3A_315 = arith.constant 0 : i32
      %swap3A_316 = tpu.memref_slice %arg7[%scan3A_132, %swap3A_314, %swap3A_315] : memref<3x128x128xf32, #tpu.memory_space<vmem>> -> memref<1x128x128xf32, #tpu.memory_space<vmem>>
      %swap3A_317 = tpu.memref_squeeze %swap3A_316 : memref<1x128x128xf32, #tpu.memory_space<vmem>> -> memref<128x128xf32, #tpu.memory_space<vmem>>
      %swap3A_318 = arith.index_cast %scan3A_212 : i32 to index
      %swap3A_319 = arith.constant 48 : index
      %swap3A_320 = tpu.vector_load %swap3A_317[%swap3A_318, %swap3A_319] {strides = array<i32>} : memref<128x128xf32, #tpu.memory_space<vmem>>, vector<1x16xf32>,
      %swap3A_321 = vector.shape_cast %swap3A_320 : vector<1x16xf32> to vector<16xf32>
      %swap3A_322 = vector.shape_cast %mul3A_313 : vector<16xf32> to vector<1x16xf32>
      tpu.vector_store %swap3A_317[%swap3A_318, %swap3A_319], %swap3A_322 {strides = array<i32>} : memref<128x128xf32, #tpu.memory_space<vmem>>, vector<1x16xf32>,
      %mul3A_323 = arith.constant 11.3137083 : f32
      %mul3A_324 = vector.broadcast %mul3A_323 : f32 to vector<16xf32>
      %mul3A_325 = arith.mulf %get3A_251, %mul3A_324 : vector<16xf32>
      %swap3A_326 = arith.constant 0 : i32
      %swap3A_327 = arith.constant 0 : i32
      %swap3A_328 = tpu.memref_slice %arg7[%scan3A_132, %swap3A_326, %swap3A_327] : memref<3x128x128xf32, #tpu.memory_space<vmem>> -> memref<1x128x128xf32, #tpu.memory_space<vmem>>
      %swap3A_329 = tpu.memref_squeeze %swap3A_328 : memref<1x128x128xf32, #tpu.memory_space<vmem>> -> memref<128x128xf32, #tpu.memory_space<vmem>>
      %swap3A_330 = arith.index_cast %scan3A_212 : i32 to index
      %swap3A_331 = arith.constant 64 : index
      %swap3A_332 = tpu.vector_load %swap3A_329[%swap3A_330, %swap3A_331] {strides = array<i32>} : memref<128x128xf32, #tpu.memory_space<vmem>>, vector<1x16xf32>,
      %swap3A_333 = vector.shape_cast %swap3A_332 : vector<1x16xf32> to vector<16xf32>
      %swap3A_334 = vector.shape_cast %mul3A_325 : vector<16xf32> to vector<1x16xf32>
      tpu.vector_store %swap3A_329[%swap3A_330, %swap3A_331], %swap3A_334 {strides = array<i32>} : memref<128x128xf32, #tpu.memory_space<vmem>>, vector<1x16xf32>,
      %mul3A_335 = arith.constant 11.3137083 : f32
      %mul3A_336 = vector.broadcast %mul3A_335 : f32 to vector<16xf32>
      %mul3A_337 = arith.mulf %get3A_259, %mul3A_336 : vector<16xf32>
      %swap3A_338 = arith.constant 0 : i32
      %swap3A_339 = arith.constant 0 : i32
      %swap3A_340 = tpu.memref_slice %arg7[%scan3A_132, %swap3A_338, %swap3A_339] : memref<3x128x128xf32, #tpu.memory_space<vmem>> -> memref<1x128x128xf32, #tpu.memory_space<vmem>>
      %swap3A_341 = tpu.memref_squeeze %swap3A_340 : memref<1x128x128xf32, #tpu.memory_space<vmem>> -> memref<128x128xf32, #tpu.memory_space<vmem>>
      %swap3A_342 = arith.index_cast %scan3A_212 : i32 to index
      %swap3A_343 = arith.constant 80 : index
      %swap3A_344 = tpu.vector_load %swap3A_341[%swap3A_342, %swap3A_343] {strides = array<i32>} : memref<128x128xf32, #tpu.memory_space<vmem>>, vector<1x16xf32>,
      %swap3A_345 = vector.shape_cast %swap3A_344 : vector<1x16xf32> to vector<16xf32>
      %swap3A_346 = vector.shape_cast %mul3A_337 : vector<16xf32> to vector<1x16xf32>
      tpu.vector_store %swap3A_341[%swap3A_342, %swap3A_343], %swap3A_346 {strides = array<i32>} : memref<128x128xf32, #tpu.memory_space<vmem>>, vector<1x16xf32>,
      %mul3A_347 = arith.constant 11.3137083 : f32
      %mul3A_348 = vector.broadcast %mul3A_347 : f32 to vector<16xf32>
      %mul3A_349 = arith.mulf %get3A_267, %mul3A_348 : vector<16xf32>
      %swap3A_350 = arith.constant 0 : i32
      %swap3A_351 = arith.constant 0 : i32
      %swap3A_352 = tpu.memref_slice %arg7[%scan3A_132, %swap3A_350, %swap3A_351] : memref<3x128x128xf32, #tpu.memory_space<vmem>> -> memref<1x128x128xf32, #tpu.memory_space<vmem>>
      %swap3A_353 = tpu.memref_squeeze %swap3A_352 : memref<1x128x128xf32, #tpu.memory_space<vmem>> -> memref<128x128xf32, #tpu.memory_space<vmem>>
      %swap3A_354 = arith.index_cast %scan3A_212 : i32 to index
      %swap3A_355 = arith.constant 96 : index
      %swap3A_356 = tpu.vector_load %swap3A_353[%swap3A_354, %swap3A_355] {strides = array<i32>} : memref<128x128xf32, #tpu.memory_space<vmem>>, vector<1x16xf32>,
      %swap3A_357 = vector.shape_cast %swap3A_356 : vector<1x16xf32> to vector<16xf32>
      %swap3A_358 = vector.shape_cast %mul3A_349 : vector<16xf32> to vector<1x16xf32>
      tpu.vector_store %swap3A_353[%swap3A_354, %swap3A_355], %swap3A_358 {strides = array<i32>} : memref<128x128xf32, #tpu.memory_space<vmem>>, vector<1x16xf32>,
      %mul3A_359 = arith.constant 11.3137083 : f32
      %mul3A_360 = vector.broadcast %mul3A_359 : f32 to vector<16xf32>
      %mul3A_361 = arith.mulf %get3A_275, %mul3A_360 : vector<16xf32>
      %swap3A_362 = arith.constant 0 : i32
      %swap3A_363 = arith.constant 0 : i32
      %swap3A_364 = tpu.memref_slice %arg7[%scan3A_132, %swap3A_362, %swap3A_363] : memref<3x128x128xf32, #tpu.memory_space<vmem>> -> memref<1x128x128xf32, #tpu.memory_space<vmem>>
      %swap3A_365 = tpu.memref_squeeze %swap3A_364 : memref<1x128x128xf32, #tpu.memory_space<vmem>> -> memref<128x128xf32, #tpu.memory_space<vmem>>
      %swap3A_366 = arith.index_cast %scan3A_212 : i32 to index
      %swap3A_367 = arith.constant 112 : index
      %swap3A_368 = tpu.vector_load %swap3A_365[%swap3A_366, %swap3A_367] {strides = array<i32>} : memref<128x128xf32, #tpu.memory_space<vmem>>, vector<1x16xf32>,
      %swap3A_369 = vector.shape_cast %swap3A_368 : vector<1x16xf32> to vector<16xf32>
      %swap3A_370 = vector.shape_cast %mul3A_361 : vector<16xf32> to vector<1x16xf32>
      tpu.vector_store %swap3A_365[%swap3A_366, %swap3A_367], %swap3A_370 {strides = array<i32>} : memref<128x128xf32, #tpu.memory_space<vmem>>, vector<1x16xf32>,
      %scan3A_371 = arith.constant 1 : i32
      %scan3A_372 = arith.addi %scan3A_212, %scan3A_371 : i32
      %get3A_373 = arith.constant 0 : i32
      %get3A_374 = arith.constant 0 : i32
      %get3A_375 = tpu.memref_slice %arg6[%scan3A_131, %get3A_373, %get3A_374] : memref<3x128x128xf32, #tpu.memory_space<vmem>> -> memref<1x128x128xf32, #tpu.memory_space<vmem>>
      %get3A_376 = tpu.memref_squeeze %get3A_375 : memref<1x128x128xf32, #tpu.memory_space<vmem>> -> memref<128x128xf32, #tpu.memory_space<vmem>>
      %get3A_377 = arith.index_cast %scan3A_372 : i32 to index
      %get3A_378 = arith.constant 0 : index
      %get3A_379 = tpu.vector_load %get3A_376[%get3A_377, %get3A_378] {strides = array<i32>} : memref<128x128xf32, #tpu.memory_space<vmem>>, vector<1x16xf32>,
      %get3A_380 = vector.shape_cast %get3A_379 : vector<1x16xf32> to vector<16xf32>
      %get3A_381 = arith.constant 0 : i32
      %get3A_382 = arith.constant 0 : i32
      %get3A_383 = tpu.memref_slice %arg6[%scan3A_131, %get3A_381, %get3A_382] : memref<3x128x128xf32, #tpu.memory_space<vmem>> -> memref<1x128x128xf32, #tpu.memory_space<vmem>>
      %get3A_384 = tpu.memref_squeeze %get3A_383 : memref<1x128x128xf32, #tpu.memory_space<vmem>> -> memref<128x128xf32, #tpu.memory_space<vmem>>
      %get3A_385 = arith.index_cast %scan3A_372 : i32 to index
      %get3A_386 = arith.constant 16 : index
      %get3A_387 = tpu.vector_load %get3A_384[%get3A_385, %get3A_386] {strides = array<i32>} : memref<128x128xf32, #tpu.memory_space<vmem>>, vector<1x16xf32>,
      %get3A_388 = vector.shape_cast %get3A_387 : vector<1x16xf32> to vector<16xf32>
      %get3A_389 = arith.constant 0 : i32
      %get3A_390 = arith.constant 0 : i32
      %get3A_391 = tpu.memref_slice %arg6[%scan3A_131, %get3A_389, %get3A_390] : memref<3x128x128xf32, #tpu.memory_space<vmem>> -> memref<1x128x128xf32, #tpu.memory_space<vmem>>
      %get3A_392 = tpu.memref_squeeze %get3A_391 : memref<1x128x128xf32, #tpu.memory_space<vmem>> -> memref<128x128xf32, #tpu.memory_space<vmem>>
      %get3A_393 = arith.index_cast %scan3A_372 : i32 to index
      %get3A_394 = arith.constant 32 : index
      %get3A_395 = tpu.vector_load %get3A_392[%get3A_393, %get3A_394] {strides = array<i32>} : memref<128x128xf32, #tpu.memory_space<vmem>>, vector<1x16xf32>,
      %get3A_396 = vector.shape_cast %get3A_395 : vector<1x16xf32> to vector<16xf32>
      %get3A_397 = arith.constant 0 : i32
      %get3A_398 = arith.constant 0 : i32
      %get3A_399 = tpu.memref_slice %arg6[%scan3A_131, %get3A_397, %get3A_398] : memref<3x128x128xf32, #tpu.memory_space<vmem>> -> memref<1x128x128xf32, #tpu.memory_space<vmem>>
      %get3A_400 = tpu.memref_squeeze %get3A_399 : memref<1x128x128xf32, #tpu.memory_space<vmem>> -> memref<128x128xf32, #tpu.memory_space<vmem>>
      %get3A_401 = arith.index_cast %scan3A_372 : i32 to index
      %get3A_402 = arith.constant 48 : index
      %get3A_403 = tpu.vector_load %get3A_400[%get3A_401, %get3A_402] {strides = array<i32>} : memref<128x128xf32, #tpu.memory_space<vmem>>, vector<1x16xf32>,
      %get3A_404 = vector.shape_cast %get3A_403 : vector<1x16xf32> to vector<16xf32>
      %get3A_405 = arith.constant 0 : i32
      %get3A_406 = arith.constant 0 : i32
      %get3A_407 = tpu.memref_slice %arg6[%scan3A_131, %get3A_405, %get3A_406] : memref<3x128x128xf32, #tpu.memory_space<vmem>> -> memref<1x128x128xf32, #tpu.memory_space<vmem>>
      %get3A_408 = tpu.memref_squeeze %get3A_407 : memref<1x128x128xf32, #tpu.memory_space<vmem>> -> memref<128x128xf32, #tpu.memory_space<vmem>>
      %get3A_409 = arith.index_cast %scan3A_372 : i32 to index
      %get3A_410 = arith.constant 64 : index
      %get3A_411 = tpu.vector_load %get3A_408[%get3A_409, %get3A_410] {strides = array<i32>} : memref<128x128xf32, #tpu.memory_space<vmem>>, vector<1x16xf32>,
      %get3A_412 = vector.shape_cast %get3A_411 : vector<1x16xf32> to vector<16xf32>
      %get3A_413 = arith.constant 0 : i32
      %get3A_414 = arith.constant 0 : i32
      %get3A_415 = tpu.memref_slice %arg6[%scan3A_131, %get3A_413, %get3A_414] : memref<3x128x128xf32, #tpu.memory_space<vmem>> -> memref<1x128x128xf32, #tpu.memory_space<vmem>>
      %get3A_416 = tpu.memref_squeeze %get3A_415 : memref<1x128x128xf32, #tpu.memory_space<vmem>> -> memref<128x128xf32, #tpu.memory_space<vmem>>
      %get3A_417 = arith.index_cast %scan3A_372 : i32 to index
      %get3A_418 = arith.constant 80 : index
      %get3A_419 = tpu.vector_load %get3A_416[%get3A_417, %get3A_418] {strides = array<i32>} : memref<128x128xf32, #tpu.memory_space<vmem>>, vector<1x16xf32>,
      %get3A_420 = vector.shape_cast %get3A_419 : vector<1x16xf32> to vector<16xf32>
      %get3A_421 = arith.constant 0 : i32
      %get3A_422 = arith.constant 0 : i32
      %get3A_423 = tpu.memref_slice %arg6[%scan3A_131, %get3A_421, %get3A_422] : memref<3x128x128xf32, #tpu.memory_space<vmem>> -> memref<1x128x128xf32, #tpu.memory_space<vmem>>
      %get3A_424 = tpu.memref_squeeze %get3A_423 : memref<1x128x128xf32, #tpu.memory_space<vmem>> -> memref<128x128xf32, #tpu.memory_space<vmem>>
      %get3A_425 = arith.index_cast %scan3A_372 : i32 to index
      %get3A_426 = arith.constant 96 : index
      %get3A_427 = tpu.vector_load %get3A_424[%get3A_425, %get3A_426] {strides = array<i32>} : memref<128x128xf32, #tpu.memory_space<vmem>>, vector<1x16xf32>,
      %get3A_428 = vector.shape_cast %get3A_427 : vector<1x16xf32> to vector<16xf32>
      %get3A_429 = arith.constant 0 : i32
      %get3A_430 = arith.constant 0 : i32
      %get3A_431 = tpu.memref_slice %arg6[%scan3A_131, %get3A_429, %get3A_430] : memref<3x128x128xf32, #tpu.memory_space<vmem>> -> memref<1x128x128xf32, #tpu.memory_space<vmem>>
      %get3A_432 = tpu.memref_squeeze %get3A_431 : memref<1x128x128xf32, #tpu.memory_space<vmem>> -> memref<128x128xf32, #tpu.memory_space<vmem>>
      %get3A_433 = arith.index_cast %scan3A_372 : i32 to index
      %get3A_434 = arith.constant 112 : index
      %get3A_435 = tpu.vector_load %get3A_432[%get3A_433, %get3A_434] {strides = array<i32>} : memref<128x128xf32, #tpu.memory_space<vmem>>, vector<1x16xf32>,
      %get3A_436 = vector.shape_cast %get3A_435 : vector<1x16xf32> to vector<16xf32>
      %mul3A_437 = arith.constant 11.3137083 : f32
      %mul3A_438 = vector.broadcast %mul3A_437 : f32 to vector<16xf32>
      %mul3A_439 = arith.mulf %get3A_380, %mul3A_438 : vector<16xf32>
      %swap3A_440 = arith.constant 0 : i32
      %swap3A_441 = arith.constant 0 : i32
      %swap3A_442 = tpu.memref_slice %arg7[%scan3A_132, %swap3A_440, %swap3A_441] : memref<3x128x128xf32, #tpu.memory_space<vmem>> -> memref<1x128x128xf32, #tpu.memory_space<vmem>>
      %swap3A_443 = tpu.memref_squeeze %swap3A_442 : memref<1x128x128xf32, #tpu.memory_space<vmem>> -> memref<128x128xf32, #tpu.memory_space<vmem>>
      %swap3A_444 = arith.index_cast %scan3A_372 : i32 to index
      %swap3A_445 = arith.constant 0 : index
      %swap3A_446 = tpu.vector_load %swap3A_443[%swap3A_444, %swap3A_445] {strides = array<i32>} : memref<128x128xf32, #tpu.memory_space<vmem>>, vector<1x16xf32>,
      %swap3A_447 = vector.shape_cast %swap3A_446 : vector<1x16xf32> to vector<16xf32>
      %swap3A_448 = vector.shape_cast %mul3A_439 : vector<16xf32> to vector<1x16xf32>
      tpu.vector_store %swap3A_443[%swap3A_444, %swap3A_445], %swap3A_448 {strides = array<i32>} : memref<128x128xf32, #tpu.memory_space<vmem>>, vector<1x16xf32>,
      %mul3A_449 = arith.constant 11.3137083 : f32
      %mul3A_450 = vector.broadcast %mul3A_449 : f32 to vector<16xf32>
      %mul3A_451 = arith.mulf %get3A_388, %mul3A_450 : vector<16xf32>
      %swap3A_452 = arith.constant 0 : i32
      %swap3A_453 = arith.constant 0 : i32
      %swap3A_454 = tpu.memref_slice %arg7[%scan3A_132, %swap3A_452, %swap3A_453] : memref<3x128x128xf32, #tpu.memory_space<vmem>> -> memref<1x128x128xf32, #tpu.memory_space<vmem>>
      %swap3A_455 = tpu.memref_squeeze %swap3A_454 : memref<1x128x128xf32, #tpu.memory_space<vmem>> -> memref<128x128xf32, #tpu.memory_space<vmem>>
      %swap3A_456 = arith.index_cast %scan3A_372 : i32 to index
      %swap3A_457 = arith.constant 16 : index
      %swap3A_458 = tpu.vector_load %swap3A_455[%swap3A_456, %swap3A_457] {strides = array<i32>} : memref<128x128xf32, #tpu.memory_space<vmem>>, vector<1x16xf32>,
      %swap3A_459 = vector.shape_cast %swap3A_458 : vector<1x16xf32> to vector<16xf32>
      %swap3A_460 = vector.shape_cast %mul3A_451 : vector<16xf32> to vector<1x16xf32>
      tpu.vector_store %swap3A_455[%swap3A_456, %swap3A_457], %swap3A_460 {strides = array<i32>} : memref<128x128xf32, #tpu.memory_space<vmem>>, vector<1x16xf32>,
      %mul3A_461 = arith.constant 11.3137083 : f32
      %mul3A_462 = vector.broadcast %mul3A_461 : f32 to vector<16xf32>
      %mul3A_463 = arith.mulf %get3A_396, %mul3A_462 : vector<16xf32>
      %swap3A_464 = arith.constant 0 : i32
      %swap3A_465 = arith.constant 0 : i32
      %swap3A_466 = tpu.memref_slice %arg7[%scan3A_132, %swap3A_464, %swap3A_465] : memref<3x128x128xf32, #tpu.memory_space<vmem>> -> memref<1x128x128xf32, #tpu.memory_space<vmem>>
      %swap3A_467 = tpu.memref_squeeze %swap3A_466 : memref<1x128x128xf32, #tpu.memory_space<vmem>> -> memref<128x128xf32, #tpu.memory_space<vmem>>
      %swap3A_468 = arith.index_cast %scan3A_372 : i32 to index
      %swap3A_469 = arith.constant 32 : index
      %swap3A_470 = tpu.vector_load %swap3A_467[%swap3A_468, %swap3A_469] {strides = array<i32>} : memref<128x128xf32, #tpu.memory_space<vmem>>, vector<1x16xf32>,
      %swap3A_471 = vector.shape_cast %swap3A_470 : vector<1x16xf32> to vector<16xf32>
      %swap3A_472 = vector.shape_cast %mul3A_463 : vector<16xf32> to vector<1x16xf32>
      tpu.vector_store %swap3A_467[%swap3A_468, %swap3A_469], %swap3A_472 {strides = array<i32>} : memref<128x128xf32, #tpu.memory_space<vmem>>, vector<1x16xf32>,
      %mul3A_473 = arith.constant 11.3137083 : f32
      %mul3A_474 = vector.broadcast %mul3A_473 : f32 to vector<16xf32>
      %mul3A_475 = arith.mulf %get3A_404, %mul3A_474 : vector<16xf32>
      %swap3A_476 = arith.constant 0 : i32
      %swap3A_477 = arith.constant 0 : i32
      %swap3A_478 = tpu.memref_slice %arg7[%scan3A_132, %swap3A_476, %swap3A_477] : memref<3x128x128xf32, #tpu.memory_space<vmem>> -> memref<1x128x128xf32, #tpu.memory_space<vmem>>
      %swap3A_479 = tpu.memref_squeeze %swap3A_478 : memref<1x128x128xf32, #tpu.memory_space<vmem>> -> memref<128x128xf32, #tpu.memory_space<vmem>>
      %swap3A_480 = arith.index_cast %scan3A_372 : i32 to index
      %swap3A_481 = arith.constant 48 : index
      %swap3A_482 = tpu.vector_load %swap3A_479[%swap3A_480, %swap3A_481] {strides = array<i32>} : memref<128x128xf32, #tpu.memory_space<vmem>>, vector<1x16xf32>,
      %swap3A_483 = vector.shape_cast %swap3A_482 : vector<1x16xf32> to vector<16xf32>
      %swap3A_484 = vector.shape_cast %mul3A_475 : vector<16xf32> to vector<1x16xf32>
      tpu.vector_store %swap3A_479[%swap3A_480, %swap3A_481], %swap3A_484 {strides = array<i32>} : memref<128x128xf32, #tpu.memory_space<vmem>>, vector<1x16xf32>,
      %mul3A_485 = arith.constant 11.3137083 : f32
      %mul3A_486 = vector.broadcast %mul3A_485 : f32 to vector<16xf32>
      %mul3A_487 = arith.mulf %get3A_412, %mul3A_486 : vector<16xf32>
      %swap3A_488 = arith.constant 0 : i32
      %swap3A_489 = arith.constant 0 : i32
      %swap3A_490 = tpu.memref_slice %arg7[%scan3A_132, %swap3A_488, %swap3A_489] : memref<3x128x128xf32, #tpu.memory_space<vmem>> -> memref<1x128x128xf32, #tpu.memory_space<vmem>>
      %swap3A_491 = tpu.memref_squeeze %swap3A_490 : memref<1x128x128xf32, #tpu.memory_space<vmem>> -> memref<128x128xf32, #tpu.memory_space<vmem>>
      %swap3A_492 = arith.index_cast %scan3A_372 : i32 to index
      %swap3A_493 = arith.constant 64 : index
      %swap3A_494 = tpu.vector_load %swap3A_491[%swap3A_492, %swap3A_493] {strides = array<i32>} : memref<128x128xf32, #tpu.memory_space<vmem>>, vector<1x16xf32>,
      %swap3A_495 = vector.shape_cast %swap3A_494 : vector<1x16xf32> to vector<16xf32>
      %swap3A_496 = vector.shape_cast %mul3A_487 : vector<16xf32> to vector<1x16xf32>
      tpu.vector_store %swap3A_491[%swap3A_492, %swap3A_493], %swap3A_496 {strides = array<i32>} : memref<128x128xf32, #tpu.memory_space<vmem>>, vector<1x16xf32>,
      %mul3A_497 = arith.constant 11.3137083 : f32
      %mul3A_498 = vector.broadcast %mul3A_497 : f32 to vector<16xf32>
      %mul3A_499 = arith.mulf %get3A_420, %mul3A_498 : vector<16xf32>
      %swap3A_500 = arith.constant 0 : i32
      %swap3A_501 = arith.constant 0 : i32
      %swap3A_502 = tpu.memref_slice %arg7[%scan3A_132, %swap3A_500, %swap3A_501] : memref<3x128x128xf32, #tpu.memory_space<vmem>> -> memref<1x128x128xf32, #tpu.memory_space<vmem>>
      %swap3A_503 = tpu.memref_squeeze %swap3A_502 : memref<1x128x128xf32, #tpu.memory_space<vmem>> -> memref<128x128xf32, #tpu.memory_space<vmem>>
      %swap3A_504 = arith.index_cast %scan3A_372 : i32 to index
      %swap3A_505 = arith.constant 80 : index
      %swap3A_506 = tpu.vector_load %swap3A_503[%swap3A_504, %swap3A_505] {strides = array<i32>} : memref<128x128xf32, #tpu.memory_space<vmem>>, vector<1x16xf32>,
      %swap3A_507 = vector.shape_cast %swap3A_506 : vector<1x16xf32> to vector<16xf32>
      %swap3A_508 = vector.shape_cast %mul3A_499 : vector<16xf32> to vector<1x16xf32>
      tpu.vector_store %swap3A_503[%swap3A_504, %swap3A_505], %swap3A_508 {strides = array<i32>} : memref<128x128xf32, #tpu.memory_space<vmem>>, vector<1x16xf32>,
      %mul3A_509 = arith.constant 11.3137083 : f32
      %mul3A_510 = vector.broadcast %mul3A_509 : f32 to vector<16xf32>
      %mul3A_511 = arith.mulf %get3A_428, %mul3A_510 : vector<16xf32>
      %swap3A_512 = arith.constant 0 : i32
      %swap3A_513 = arith.constant 0 : i32
      %swap3A_514 = tpu.memref_slice %arg7[%scan3A_132, %swap3A_512, %swap3A_513] : memref<3x128x128xf32, #tpu.memory_space<vmem>> -> memref<1x128x128xf32, #tpu.memory_space<vmem>>
      %swap3A_515 = tpu.memref_squeeze %swap3A_514 : memref<1x128x128xf32, #tpu.memory_space<vmem>> -> memref<128x128xf32, #tpu.memory_space<vmem>>
      %swap3A_516 = arith.index_cast %scan3A_372 : i32 to index
      %swap3A_517 = arith.constant 96 : index
      %swap3A_518 = tpu.vector_load %swap3A_515[%swap3A_516, %swap3A_517] {strides = array<i32>} : memref<128x128xf32, #tpu.memory_space<vmem>>, vector<1x16xf32>,
      %swap3A_519 = vector.shape_cast %swap3A_518 : vector<1x16xf32> to vector<16xf32>
      %swap3A_520 = vector.shape_cast %mul3A_511 : vector<16xf32> to vector<1x16xf32>
      tpu.vector_store %swap3A_515[%swap3A_516, %swap3A_517], %swap3A_520 {strides = array<i32>} : memref<128x128xf32, #tpu.memory_space<vmem>>, vector<1x16xf32>,
      %mul3A_521 = arith.constant 11.3137083 : f32
      %mul3A_522 = vector.broadcast %mul3A_521 : f32 to vector<16xf32>
      %mul3A_523 = arith.mulf %get3A_436, %mul3A_522 : vector<16xf32>
      %swap3A_524 = arith.constant 0 : i32
      %swap3A_525 = arith.constant 0 : i32
      %swap3A_526 = tpu.memref_slice %arg7[%scan3A_132, %swap3A_524, %swap3A_525] : memref<3x128x128xf32, #tpu.memory_space<vmem>> -> memref<1x128x128xf32, #tpu.memory_space<vmem>>
      %swap3A_527 = tpu.memref_squeeze %swap3A_526 : memref<1x128x128xf32, #tpu.memory_space<vmem>> -> memref<128x128xf32, #tpu.memory_space<vmem>>
      %swap3A_528 = arith.index_cast %scan3A_372 : i32 to index
      %swap3A_529 = arith.constant 112 : index
      %swap3A_530 = tpu.vector_load %swap3A_527[%swap3A_528, %swap3A_529] {strides = array<i32>} : memref<128x128xf32, #tpu.memory_space<vmem>>, vector<1x16xf32>,
      %swap3A_531 = vector.shape_cast %swap3A_530 : vector<1x16xf32> to vector<16xf32>
      %swap3A_532 = vector.shape_cast %mul3A_523 : vector<16xf32> to vector<1x16xf32>
      tpu.vector_store %swap3A_527[%swap3A_528, %swap3A_529], %swap3A_532 {strides = array<i32>} : memref<128x128xf32, #tpu.memory_space<vmem>>, vector<1x16xf32>,
    }
    %scan3A_137 = arith.constant 128 : i32
    %mul3A_138 = arith.constant 128 : i32
    %mul3A_139 = arith.muli %add3A, %mul3A_138 : i32
    %add3A_140 = arith.constant 200704 : i32
    %add3A_141 = arith.addi %add3A_140, %mul3A_139 : i32
    %dma_start3A_142 = arith.constant 1 : i32
    %dma_start3A_143 = arith.constant 1 : i32
    %dma_start3A_144 = arith.constant 0 : i32
    %dma_start3A_145 = arith.constant 0 : i32
    %dma_start3A_146 = tpu.memref_slice %arg7[%dma_start3A_142, %dma_start3A_144, %dma_start3A_145] : memref<3x128x128xf32, #tpu.memory_space<vmem>> -> memref<1x128x128xf32, #tpu.memory_space<vmem>>
    %dma_start3A_147 = tpu.memref_squeeze %dma_start3A_146 : memref<1x128x128xf32, #tpu.memory_space<vmem>> -> memref<128x128xf32, #tpu.memory_space<vmem>>
    %dma_start3A_148 = arith.constant 0 : i32
    %dma_start3A_149 = tpu.memref_slice %arg4[%add3A_141, %dma_start3A_148] : memref<204800x128xf32, #tpu.memory_space<hbm>> -> memref<128x128xf32, #tpu.memory_space<hbm>>
    %dma_start3A_150 = tpu.memref_slice %arg9[%dma_start3A_143] : memref<3x!tpu.dma_semaphore, #tpu.memory_space<semaphore_mem>> -> memref<1x!tpu.dma_semaphore, #tpu.memory_space<semaphore_mem>>
    %dma_start3A_151 = tpu.memref_squeeze %dma_start3A_150 : memref<1x!tpu.dma_semaphore, #tpu.memory_space<semaphore_mem>> -> memref<!tpu.dma_semaphore, #tpu.memory_space<semaphore_mem>>
    %dma_start3A_152 = arith.constant 0 : i32
    %dma_start3A_153 = tpu.memref_slice %arg4[%add3A_141, %dma_start3A_152] : memref<204800x128xf32, #tpu.memory_space<hbm>> -> memref<128x128xf32, #tpu.memory_space<hbm>>
    %dma_start3A_154 = arith.constant 0 : i32
    %dma_start3A_155 = arith.constant 0 : i32
    %dma_start3A_156 = tpu.memref_slice %arg7[%dma_start3A_142, %dma_start3A_154, %dma_start3A_155] : memref<3x128x128xf32, #tpu.memory_space<vmem>> -> memref<1x128x128xf32, #tpu.memory_space<vmem>>
    %dma_start3A_157 = tpu.memref_squeeze %dma_start3A_156 : memref<1x128x128xf32, #tpu.memory_space<vmem>> -> memref<128x128xf32, #tpu.memory_space<vmem>>
    tpu.enqueue_dma source(%dma_start3A_157 : memref<128x128xf32, #tpu.memory_space<vmem>>) target(%dma_start3A_153 : memref<128x128xf32, #tpu.memory_space<hbm>>) target_semaphore(%dma_start3A_151 : memref<!tpu.dma_semaphore, #tpu.memory_space<semaphore_mem>>)
    %dma_wait3A_158 = arith.constant 0 : i32
    %dma_wait3A_159 = arith.constant 0 : i32
    %dma_wait3A_160 = arith.constant 0 : i32
    %dma_wait3A_161 = arith.constant 0 : i32
    %dma_wait3A_162 = tpu.memref_slice %arg7[%dma_wait3A_158, %dma_wait3A_160, %dma_wait3A_161] : memref<3x128x128xf32, #tpu.memory_space<vmem>> -> memref<1x128x128xf32, #tpu.memory_space<vmem>>
    %dma_wait3A_163 = tpu.memref_squeeze %dma_wait3A_162 : memref<1x128x128xf32, #tpu.memory_space<vmem>> -> memref<128x128xf32, #tpu.memory_space<vmem>>
    %dma_wait3A_164 = arith.constant 0 : i32
    %dma_wait3A_165 = arith.constant 0 : i32
    %dma_wait3A_166 = tpu.memref_slice %arg4[%dma_wait3A_164, %dma_wait3A_165] : memref<204800x128xf32, #tpu.memory_space<hbm>> -> memref<128x128xf32, #tpu.memory_space<hbm>>
    %dma_wait3A_167 = tpu.memref_slice %arg9[%dma_wait3A_159] : memref<3x!tpu.dma_semaphore, #tpu.memory_space<semaphore_mem>> -> memref<1x!tpu.dma_semaphore, #tpu.memory_space<semaphore_mem>>
    %dma_wait3A_168 = tpu.memref_squeeze %dma_wait3A_167 : memref<1x!tpu.dma_semaphore, #tpu.memory_space<semaphore_mem>> -> memref<!tpu.dma_semaphore, #tpu.memory_space<semaphore_mem>>
    %dma_wait3A_169 = arith.constant 0 : i32
    %dma_wait3A_170 = arith.constant 0 : i32
    %dma_wait3A_171 = tpu.memref_slice %arg4[%dma_wait3A_169, %dma_wait3A_170] : memref<204800x128xf32, #tpu.memory_space<hbm>> -> memref<128x128xf32, #tpu.memory_space<hbm>>
    %dma_wait3A_172 = arith.constant 0 : i32
    %dma_wait3A_173 = arith.constant 0 : i32
    %dma_wait3A_174 = tpu.memref_slice %arg7[%dma_wait3A_158, %dma_wait3A_172, %dma_wait3A_173] : memref<3x128x128xf32, #tpu.memory_space<vmem>> -> memref<1x128x128xf32, #tpu.memory_space<vmem>>
    %dma_wait3A_175 = tpu.memref_squeeze %dma_wait3A_174 : memref<1x128x128xf32, #tpu.memory_space<vmem>> -> memref<128x128xf32, #tpu.memory_space<vmem>>
    tpu.wait_dma2 semaphore(%dma_wait3A_168 : memref<!tpu.dma_semaphore, #tpu.memory_space<semaphore_mem>>) src(%dma_wait3A_175 : memref<128x128xf32, #tpu.memory_space<vmem>>) dst(%dma_wait3A_171 : memref<128x128xf32, #tpu.memory_space<hbm>>)
    %dma_wait3A_176 = arith.constant 1 : i32
    %dma_wait3A_177 = arith.constant 1 : i32
    %dma_wait3A_178 = arith.constant 0 : i32
    %dma_wait3A_179 = arith.constant 0 : i32
    %dma_wait3A_180 = tpu.memref_slice %arg7[%dma_wait3A_176, %dma_wait3A_178, %dma_wait3A_179] : memref<3x128x128xf32, #tpu.memory_space<vmem>> -> memref<1x128x128xf32, #tpu.memory_space<vmem>>
    %dma_wait3A_181 = tpu.memref_squeeze %dma_wait3A_180 : memref<1x128x128xf32, #tpu.memory_space<vmem>> -> memref<128x128xf32, #tpu.memory_space<vmem>>
    %dma_wait3A_182 = arith.constant 0 : i32
    %dma_wait3A_183 = arith.constant 0 : i32
    %dma_wait3A_184 = tpu.memref_slice %arg4[%dma_wait3A_182, %dma_wait3A_183] : memref<204800x128xf32, #tpu.memory_space<hbm>> -> memref<128x128xf32, #tpu.memory_space<hbm>>
    %dma_wait3A_185 = tpu.memref_slice %arg9[%dma_wait3A_177] : memref<3x!tpu.dma_semaphore, #tpu.memory_space<semaphore_mem>> -> memref<1x!tpu.dma_semaphore, #tpu.memory_space<semaphore_mem>>
    %dma_wait3A_186 = tpu.memref_squeeze %dma_wait3A_185 : memref<1x!tpu.dma_semaphore, #tpu.memory_space<semaphore_mem>> -> memref<!tpu.dma_semaphore, #tpu.memory_space<semaphore_mem>>
    %dma_wait3A_187 = arith.constant 0 : i32
    %dma_wait3A_188 = arith.constant 0 : i32
    %dma_wait3A_189 = tpu.memref_slice %arg4[%dma_wait3A_187, %dma_wait3A_188] : memref<204800x128xf32, #tpu.memory_space<hbm>> -> memref<128x128xf32, #tpu.memory_space<hbm>>
    %dma_wait3A_190 = arith.constant 0 : i32
    %dma_wait3A_191 = arith.constant 0 : i32
    %dma_wait3A_192 = tpu.memref_slice %arg7[%dma_wait3A_176, %dma_wait3A_190, %dma_wait3A_191] : memref<3x128x128xf32, #tpu.memory_space<vmem>> -> memref<1x128x128xf32, #tpu.memory_space<vmem>>
    %dma_wait3A_193 = tpu.memref_squeeze %dma_wait3A_192 : memref<1x128x128xf32, #tpu.memory_space<vmem>> -> memref<128x128xf32, #tpu.memory_space<vmem>>
    tpu.wait_dma2 semaphore(%dma_wait3A_186 : memref<!tpu.dma_semaphore, #tpu.memory_space<semaphore_mem>>) src(%dma_wait3A_193 : memref<128x128xf32, #tpu.memory_space<vmem>>) dst(%dma_wait3A_189 : memref<128x128xf32, #tpu.memory_space<hbm>>)
    %dma_wait3A_194 = arith.constant 2 : i32
    %dma_wait3A_195 = arith.constant 2 : i32
    %dma_wait3A_196 = arith.constant 0 : i32
    %dma_wait3A_197 = arith.constant 0 : i32
    %dma_wait3A_198 = tpu.memref_slice %arg7[%dma_wait3A_194, %dma_wait3A_196, %dma_wait3A_197] : memref<3x128x128xf32, #tpu.memory_space<vmem>> -> memref<1x128x128xf32, #tpu.memory_space<vmem>>
    %dma_wait3A_199 = tpu.memref_squeeze %dma_wait3A_198 : memref<1x128x128xf32, #tpu.memory_space<vmem>> -> memref<128x128xf32, #tpu.memory_space<vmem>>
    %dma_wait3A_200 = arith.constant 0 : i32
    %dma_wait3A_201 = arith.constant 0 : i32
    %dma_wait3A_202 = tpu.memref_slice %arg4[%dma_wait3A_200, %dma_wait3A_201] : memref<204800x128xf32, #tpu.memory_space<hbm>> -> memref<128x128xf32, #tpu.memory_space<hbm>>
    %dma_wait3A_203 = tpu.memref_slice %arg9[%dma_wait3A_195] : memref<3x!tpu.dma_semaphore, #tpu.memory_space<semaphore_mem>> -> memref<1x!tpu.dma_semaphore, #tpu.memory_space<semaphore_mem>>
    %dma_wait3A_204 = tpu.memref_squeeze %dma_wait3A_203 : memref<1x!tpu.dma_semaphore, #tpu.memory_space<semaphore_mem>> -> memref<!tpu.dma_semaphore, #tpu.memory_space<semaphore_mem>>
    %dma_wait3A_205 = arith.constant 0 : i32
    %dma_wait3A_206 = arith.constant 0 : i32
    %dma_wait3A_207 = tpu.memref_slice %arg4[%dma_wait3A_205, %dma_wait3A_206] : memref<204800x128xf32, #tpu.memory_space<hbm>> -> memref<128x128xf32, #tpu.memory_space<hbm>>
    %dma_wait3A_208 = arith.constant 0 : i32
    %dma_wait3A_209 = arith.constant 0 : i32
    %dma_wait3A_210 = tpu.memref_slice %arg7[%dma_wait3A_194, %dma_wait3A_208, %dma_wait3A_209] : memref<3x128x128xf32, #tpu.memory_space<vmem>> -> memref<1x128x128xf32, #tpu.memory_space<vmem>>
    %dma_wait3A_211 = tpu.memref_squeeze %dma_wait3A_210 : memref<1x128x128xf32, #tpu.memory_space<vmem>> -> memref<128x128xf32, #tpu.memory_space<vmem>>
    tpu.wait_dma2 semaphore(%dma_wait3A_204 : memref<!tpu.dma_semaphore, #tpu.memory_space<semaphore_mem>>) src(%dma_wait3A_211 : memref<128x128xf32, #tpu.memory_space<vmem>>) dst(%dma_wait3A_207 : memref<128x128xf32, #tpu.memory_space<hbm>>)
    return
  }
}

</mosaic_0001>

<sc_bundles>
// kernel: kernel.3.cloned.1.call-start
scs
__scs_entry_jumppad:
0x0: {  	(pc) =	sbr.rel $0x88, $3  }
0x1: {  	(tag) =	ssettag $0x0;
	lr =	simm.s32 $0x1  }
0x2: {  	[smem:$0x3F9F] =	sst lr;
	_ =	strace $0xD0000000  }
0x3: {  	_ = 	snop  }
0x4: {  	_ = 	snop  }
0x5: {  	_ = 	snop  }
0x6: {  	_ = 	snop  }
0x7: {  	_ = 	snop  }
__scs_overlays_trampoline_lowered:
0x8: {  	[smem:$0x3FAE] =	sst s0  }
0x9: {  	[smem:$0x3FAF] =	sst s1  }
0xa: {  	[smem:$0x3FB0] =	sst s2  }
0xb: {  	[smem:$0x3FB1] =	sst s3  }
0xc: {  	[smem:$0x3FB2] =	sst s4  }
0xd: {  	[smem:$0x3FB3] =	sst s5  }
0xe: {  	[smem:$0x3FB4] =	sst s6  }
0xf: {  	[smem:$0x3FB5] =	sst s7  }
0x10: {  	[smem:$0x3FB6] =	sst s8  }
0x11: {  	[smem:$0x3FB7] =	sst s9;
	s0 =	simm.s32 @!p0 $0x0  }
0x12: {  	s1 =	sld [smem:$0x3F9D];
	s0 =	simm.s32 @p0 $0x1  }
0x13: {  	[smem:$0x3FB8] =	sst s0;
	s0 =	simm.s32 @!p1 $0x0  }
0x14: {  	s2 =	sld [smem:$0x3F9C];
	s0 =	simm.s32 @p1 $0x1  }
0x15: {  	[smem:$0x3FB9] =	sst s0;
	s0 =	simm.s32 @!p2 $0x0  }
0x16: {  	s3 =	sld [smem:$0x3FDB];
	s0 =	simm.s32 @p2 $0x1  }
0x17: {  	s4 =	simm.s32 $0x1BF5;
	[smem:$0x3FBB] =	sst s0  }
0x18: {  	s0 =	sld [smem:$0x3F9E];
	_ =	swait.ge [sflag:s4], $0x0  }
0x19: {  	s7 =	sld [smem:$0x3F9F]  }
0x1a: {  	s8 =	sadd.s32 $0xFFFFE003, lr  }
0x1b: {  	s9 =	sadd.s32 $0xFFFFFEF7, lr;
	s5 =	simm.s32 $0xFFFFFFFF;
	p2 =	slt.u32 s8, $0xFFFFF086  }
0x1c: {  	p1 =	slt.u32 s9, $0xF7A;
	s5 =	simm.s32 @!p2 $0x0  }
0x1d: {  	s5 =	simm.s32 @p1 $0x1;
	p0 =	seq.s32 s7, s2  }
0x1e: {  	s7 =	smul.u32 @!p0 $0xF7A, s2;
	p2 =	seq.s32 @!p0 s5, $0x0  }
0x1f: {  	s9 =	smul.u32 $0xF7A, s1;
	s8 =	simm.s32 @!p0 $0x1BF5;
	p2 =	por !p2, p0  }
0x20: {  	[sflag:s8] =	ssyncset.s32 @!p0 $0xFFFFF086;
	s6 =	sadd.s32 @!p0 s3, s7;
	s7 =	simm.s32 @!p0 $0x108  }
0x21: {  	s3 =	sadd.s32 s3, s9;
	s6 =	sadd.s32 @!p0 $0x88, s6;
	s7 =	simm.s32 @p2 $0x1082  }
0x22: {  	[simem:s7], [sflag:s8] =	dma.local @!p0 [hbm:s6], $0xF7A  }
0x23: {  	s9 =	sor.u32 $0xD0000000, s2;
	s6 =	simm.s32 $0x108;
	_ =	swait.ge @!p0 [sflag:s8], $0x0  }
0x24: {  	s3 =	sadd.s32 $0x88, s3;
	s6 =	simm.s32 @!p1 $0x1082;
	[sflag:s4] =	ssyncset.s32 $0xFFFFF086  }
0x25: {  	[simem:s6], [sflag:s4] =	dma.local [hbm:s3], $0xF7A  }
0x26: {  	[smem:$0x3F9F] =	sst s1;
	(tag) =	ssettag s2;
	_ =	strace s9  }
0x27: {  	s1 =	sld [smem:$0x3FAF]  }
0x28: {  	s2 =	sld [smem:$0x3FB0]  }
0x29: {  	s4 =	sld [smem:$0x3FB2]  }
0x2a: {  	p0 =	seq.s32 s5, $0x0;
	s5 =	sld [smem:$0x3FB3]  }
0x2b: {  	s6 =	sld [smem:$0x3FB4]  }
0x2c: {  	s7 =	sld [smem:$0x3FB5]  }
0x2d: {  	s3 =	simm.s32 $0x108;
	s8 =	sld [smem:$0x3FB6]  }
0x2e: {  	s3 =	simm.s32 @!p0 $0x1082;
	s9 =	sld [smem:$0x3FB7]  }
0x2f: {  	lr =	sadd.s32 s0, s3;
	s0 =	sld [smem:$0x3FAE]  }
0x30: {  	s3 =	sld [smem:$0x3FB1]  }
0x31: {  	[smem:$0x3FBA] =	sst s10  }
0x32: {  	s10 =	sld [smem:$0x3FB8];
	_ =	sdelay $0x3  }
0x33: {  	p0 =	seq.s32 s10, $0x1;
	s10 =	sld [smem:$0x3FBA];
	_ =	sdelay $0x3  }
0x34: {  	[smem:$0x3FBA] =	sst s10  }
0x35: {  	s10 =	sld [smem:$0x3FB9];
	_ =	sdelay $0x3  }
0x36: {  	p1 =	seq.s32 s10, $0x1;
	s10 =	sld [smem:$0x3FBA];
	_ =	sdelay $0x3  }
0x37: {  	[smem:$0x3FBA] =	sst s10  }
0x38: {  	s10 =	sld [smem:$0x3FBB]  }
0x39: {  	_ = 	snop;
	(pc) =	sbr.ind lr, $3  }
0x3a: {  	_ = 	snop  }
0x3b: {  	_ = 	snop  }
0x3c: {  	p2 =	seq.s32 s10, $0x1;
	s10 =	sld [smem:$0x3FBA]  }
0x3d: {  	_ =	shalt  }
0x3e: {  	_ =	shalt  }
0x3f: {  	_ =	shalt  }
0x40: {  	_ =	shalt  }
0x41: {  	_ =	shalt  }
0x42: {  	_ =	shalt  }
0x43: {  	_ =	shalt  }
0x44: {  	_ =	shalt  }
0x45: {  	_ =	shalt  }
0x46: {  	_ =	shalt  }
0x47: {  	_ =	shalt  }
0x48: {  	_ =	shalt  }
0x49: {  	_ =	shalt  }
0x4a: {  	_ =	shalt  }
0x4b: {  	_ =	shalt  }
0x4c: {  	_ =	shalt  }
0x4d: {  	_ =	shalt  }
0x4e: {  	_ =	shalt  }
0x4f: {  	_ =	shalt  }
0x50: {  	_ =	shalt  }
0x51: {  	_ =	shalt  }
0x52: {  	_ =	shalt  }
0x53: {  	_ =	shalt  }
0x54: {  	_ =	shalt  }
0x55: {  	_ =	shalt  }
0x56: {  	_ =	shalt  }
0x57: {  	_ =	shalt  }
0x58: {  	_ =	shalt  }
0x59: {  	_ =	shalt  }
0x5a: {  	_ =	shalt  }
0x5b: {  	_ =	shalt  }
0x5c: {  	_ =	shalt  }
0x5d: {  	_ =	shalt  }
0x5e: {  	_ =	shalt  }
0x5f: {  	_ =	shalt  }
0x60: {  	_ =	shalt  }
0x61: {  	_ =	shalt  }
0x62: {  	_ =	shalt  }
0x63: {  	_ =	shalt  }
0x64: {  	_ =	shalt  }
0x65: {  	_ =	shalt  }
0x66: {  	_ =	shalt  }
0x67: {  	_ =	shalt  }
0x68: {  	_ =	shalt  }
0x69: {  	_ =	shalt  }
0x6a: {  	_ =	shalt  }
0x6b: {  	_ =	shalt  }
0x6c: {  	_ =	shalt  }
0x6d: {  	_ =	shalt  }
0x6e: {  	_ =	shalt  }
0x6f: {  	_ =	shalt  }
0x70: {  	_ =	shalt  }
0x71: {  	_ =	shalt  }
0x72: {  	_ =	shalt  }
0x73: {  	_ =	shalt  }
0x74: {  	_ =	shalt  }
0x75: {  	_ =	shalt  }
0x76: {  	_ =	shalt  }
0x77: {  	_ =	shalt  }
0x78: {  	_ =	shalt  }
0x79: {  	_ =	shalt  }
0x7a: {  	_ =	shalt  }
0x7b: {  	_ =	shalt  }
0x7c: {  	_ =	shalt  }
0x7d: {  	_ =	shalt  }
0x7e: {  	_ =	shalt  }
0x7f: {  	_ =	shalt  }
0x80: {  	_ =	shalt  }
0x81: {  	_ =	shalt  }
0x82: {  	_ =	shalt  }
0x83: {  	_ =	shalt  }
0x84: {  	_ =	shalt  }
0x85: {  	_ =	shalt  }
0x86: {  	_ =	shalt  }
0x87: {  	_ =	shalt  }
.Lfunc_end0:
.L_simem_size_0:
called_computation_lowered:
.L_overlay_start_0:
0x88: {  	s2 =	sld [smem:$0x3FD9]  }
0x89: {  	s3 =	sld [smem:$0x3FFE];
	_ =	sdelay $0x1  }
0x8a: {  	s1 =	srdreg.scid  }
0x8b: {  	s0 =	sand.u32 $0x1, s1  }
0x8c: {  	s18 =	sshll.u32 s0, $0xA;
	s2 =	sadd.s32 s3, s2  }
0x8d: {  	s2 =	sadd.s32 s2, s18  }
0x8e: {  	[smem:$0x3FC6] =	sst s2  }
0x8f: {  	_ = 	snop  }
0x90: {  	s2 =	sld [smem:$0x3FC9]  }
0x91: {  	s19 =	sld [smem:$0x3FC8]  }
0x92: {  	s4 =	sld [smem:$0x3FD0];
	(tm) =	ssettm $0x1  }
0x93: {  	s5 =	sld [smem:$0x3FFB];
	_ =	sdelay $0x3  }
0x94: {  	_ =	strace s5  }
0x95: {  	s5 =	sld [smem:$0x3FFC];
	_ =	sdelay $0x3  }
0x96: {  	_ =	strace s5  }
0x97: {  	s5 =	sld [smem:$0x3FFD];
	_ =	sdelay $0x3  }
0x98: {  	_ =	strace s5  }
0x99: {  	_ =	strace $0x8FFFFFFF  }
0x9a: {  	s20 =	sld [smem:$0x3FDB];
	_ =	sdelay $0x1  }
0x9b: {  	s6 =	simm.s32 $_scs_section_size  }
0x9c: {  	s7 =	simm.s32 $_size__tile_overlayer_lowered;
	s8 =	simm.s32 $_tile_overlayer_lowered  }
0x9d: {  	s23 =	simm.s32 $0x1BFF;
	s22 =	sshll.u32 s8, $0x1;
	s5 =	sadd.s32 s6, s20  }
0x9e: {  	s9 =	simm.s32 $0x0;
	s21 =	sshll.u32 s7, $0x1;
	s7 =	sadd.s32 s22, s5  }
0x9f: {  	[timem:s9], [sflag:s23] =	dma.local [hbm:s7], s21  }
0xa0: {  	_ =	swait.ge [sflag:s23], s21  }
0xa1: {  	s6 =	ssub.s32 $0x0, s21;
	[sflag:s23] =	ssyncset.done $0x0  }
0xa2: {  	[sflag:s23] =	ssyncadd.s32 s6;
	_ =	sdelay $0x1  }
0xa3: {  	s24 =	simm.s32 $0x1B8B  }
0xa4: {  	_ =	swait.ge [sflag:s24], $0x1  }
0xa5: {  	[sflag:s24] =	ssyncset.done $0x0  }
0xa6: {  	s25 =	simm.s32 $0x1B8E;
	[sflag:s24] =	ssyncadd.s32 $0xFFFFFFFF  }
0xa7: {  	s26 =	simm.s32 $execute0_lowered;
	[smem:$0x3FD2] =	sst s25  }
0xa8: {  	s6 =	sshll.u32 s26, $0x1;
	_ =	strace $0x80000046;
	[dreg:$0x1] =	wrdreg $0xFFFFFFFF  }
0xa9: {  	s28 =	simm.s32 $_size_execute0_lowered;
	s5 =	sadd.s32 s5, s6;
	[dreg:$0x0] =	wrdreg $0x0  }
0xaa: {  	s6 =	sshll.u32 s28, $0x1;
	[dreg:$0x2] =	wrdreg s5  }
0xab: {  	[dreg:$0x3] =	wrdreg s6  }
0xac: {  	[dreg:$0x4] =	wrdreg $0xC0  }
0xad: {  	_ =	task [dreg:s9], $0x5FFFF  }
0xae: {  	[dreg:$0x1] =	wrdreg $0xFFFFFFFF  }
0xaf: {  	[dreg:$0x0] =	wrdreg $0x60  }
0xb0: {  	[dreg:$0x2] =	wrdreg s2  }
0xb1: {  	[dreg:$0x3] =	wrdreg s19  }
0xb2: {  	[dreg:$0x4] =	wrdreg s4  }
0xb3: {  	[dreg:$0x5] =	wrdreg $0x9  }
0xb4: {  	_ =	task.clear_ibuf [dreg:s9], $0x6FFFF;
	_ =	strace $0x90000046  }
0xb5: {  	s29 =	simm.s32 $0x9;
	_ =	strace $0x80000048  }
0xb6: {  	_ =	swait.ge [sflag:s29], $0x1  }
0xb7: {  	[sflag:s29] =	ssyncadd.s32 $0xFFFFFFFF  }
0xb8: {  	_ =	strace $0x90000048  }
0xb9: {  	_ =	sfence  }
0xba: {  	s30 =	sld [smem:$0x0];
	_ =	sdelay $0x2  }
0xbb: {  	s31 =	sshll.u32 s1, $0xD;
	s1 =	sshrl.u32 s1, $0x2  }
0xbc: {  	s3 =	sand.u32 $0x4000, s31;
	s1 =	sadd.s32 s1, s30  }
0xbd: {  	s0 =	sor.u32 s3, s0;
	s1 =	sshll.u32 s1, $0x11  }
0xbe: {  	s0 =	sor.u32 s1, s0  }
0xbf: {  	s0 =	sadd.s32 $0x8F2B, s0  }
0xc0: {  	[sflag:s0] =	ssyncadd.remote.s32 $0x1  }
0xc1: {  	_ =	sfence.sel $0xFFFF  }
0xc2: {  	[dreg:$0x0] =	wrdreg $0xFFFFFFFF;
	(pc) =	sbr.abs _section_cstart, $3  }
0xc3: {  	[dreg:$0x1] =	wrdreg $0xFFFFFFFF  }
0xc4: {  	_ =	task.clear_ibuf [dreg:s9], $0x2FFFF;
	_ =	strace $0x9FFFFFFF  }
0xc5: {  	(tm) =	ssettm $0x7FFFFFFF  }
tec
execute0_lowered:
.L_overlay_start_1:
0x0: {  	(tag) =	ssettag $0x1  }
0x1: {  	s0 =	rddreg [dreg:$0x0]  }
0x2: {  	s1 =	rddreg [dreg:$0x1]  }
0x3: {  	s2 =	rddreg [dreg:$0x2];
	s3 =	srdreg.scid;
	s4 =	simm.s32 $0x0  }
0x4: {  	s7 =	stileid.u32;
	s16 =	simm.s32 $0x7;
	s17 =	simm.s32 $0x80  }
0x5: {  	s18 =	simm.s32 $0x1C00;
	s19 =	simm.s32 $0x5C00;
	s20 =	simm.s32 $0x1  }
0x6: {  	s21 =	simm.s32 $0x9C00;
	s22 =	simm.s32 $0xDC00;
	s23 =	simm.s32 $0x2  }
0x7: {  	s28 =	simm.s32 $0x4;
	s29 =	simm.s32 $0x5;
	s3 =	sand.u32 $0x1, s3  }
0x8: {  	s30 =	simm.s32 $0x6;
	s31 =	simm.s32 $0x0;
	s5 =	ssub.s32 $0x2, s3  }
0x9: {  	s7 =	sshll.u32 s7, $0x8;
	s3 =	sshll.u32 s3, $0x7;
	s6 =	sshrl.u32 s5, $0x1  }
0xa: {  	[smem:$0x7FF] =	sst s4;
	s10 =	ssub.s32 s5, s6;
	s5 =	sor.u32 s3, s7  }
0xb: {  	_ =	strace $0x80000047;
	s6 =	sadd.s32 s0, s5;
	s24 =	sshll.u32 s5, $0x7  }
0xc: {  	s3 =	sshll.u32 s5, $0x4;
	s12 =	smax.u32 s10, $0x1;
	s25 =	sadd.s32 $0x6000, s6  }
0xd: {  	s8 =	sor.u32 $0x80000, s24;
	s9 =	sadd.s32 s2, s3;
	s24 =	simm.s32 $0x11C00  }
0xe: {  	[dreg:$0x4] =	wrdreg s25;
	s26 =	sadd.s32 $0x300000, s9;
	s11 =	sadd.s32 $0x310000, s9  }
0xf: {  	s25 =	simm.s32 $0x3;
	[dreg:$0x5] =	wrdreg s26;
	s26 =	simm.s32 $0x15C00  }
.LBB2_1:
0x10: {  	s0 =	simm.s32 $0x400;
	s3 =	simm.s32 $0x8000  }
0x11: {  	[tilespmem:s4], [sflag:$0x7] =	stream.strided.gather [hbm4b:s6+s0], $0x1800, s3, s0, $0x38;
	[tilespmem:$0x19C00] =	vst v63  }
0x12: {  	s14 =	rddreg [dreg:$0x4];
	s15 =	simm.s32 $0x1800  }
0x13: {  	[tilespmem:s15], [sflag:$0x7] =	stream.linear.gather [hbm4b:s14+s4], $0x100, $0x38;
	[tilespmem:$0x19C00] =	vst v63  }
0x14: {  	_ =	swait.ge [sflag:s16], $0x1900  }
0x15: {  	[sflag:s16] =	ssyncset.done $0x0  }
0x16: {  	[sflag:s16] =	ssyncadd.s32 $0xFFFFE700  }
0x17: {  	[tilespmem:s18], [sflag:$0x1] =	stream.indirect.gather [hbm4b:s1+s17], $0x80, s4, s17, $0xb8;
	[tilespmem:$0x19C00] =	vst v63  }
0x18: {  	s0 =	simm.s32 $0x0  }
0x19: {  	[tilespmem:s19], [sflag:$0x2] =	stream.indirect.gather [hbm4b:s1+s17], $0x80, s17, s17, $0xb8;
	[tilespmem:$0x19C00] =	vst v63  }
.LBB2_2:
0x1a: {  	s3 =	smul.u32 $0x3, s0;
	_ =	sdelay $0x1  }
0x1b: {  	_ =	swait.ge [sflag:s20], $0x4000;
	s3 =	sadd.s32 $0x2, s3  }
0x1c: {  	[sflag:s20] =	ssyncset.done $0x0;
	s7 =	sshll.u32 s3, $0x7  }
0x1d: {  	p0 =	seq.s32 s0, $0x0;
	[sflag:s20] =	ssyncadd.s32 $0xFFFFC000;
	s7 =	sand.u32 $0x3FFFFF80, s7  }
0x1e: {  	[tilespmem:s21], [sflag:$0x3] =	stream.indirect.gather [hbm4b:s1+s17], $0x80, s7, s17, $0xb8;
	[tilespmem:$0x19C00] =	vst v63  }
0x1f: {  	s7 =	simm.s32 @!p0 $0x4  }
0x20: {  	_ =	swait.ge @!p0 [sflag:s7], $0x4000  }
0x21: {  	[sflag:s7] =	ssyncset.done @!p0 $0x0  }
0x22: {  	s13 =	simm.s32 $0x1C80;
	[sflag:s7] =	ssyncadd.s32 @!p0 $0xFFFFC000  }
0x23: {  	v1 =	vld [tilespmem:s13+$0xFFFFFF80]  }
0x24: {  	v2 =	vld [tilespmem:s13+$0xFFFFFFD0]  }
0x25: {  	v0 =	vld [tilespmem:s13+$0xFFFFFFF0]  }
0x26: {  	v3 =	vld [tilespmem:s13+$0xFFFFFFB0]  }
0x27: {  	v4 =	vld [tilespmem:s13+$0xFFFFFFA0]  }
0x28: {  	v5 =	vld [tilespmem:s13+$0xFFFFFFC0];
	v1 =	vmul.f32 $1.131370830e+01, v1  }
0x29: {  	s14 =	simm.s32 $0xDC80;
	v6 =	vld [tilespmem:s13+$0xFFFFFFE0];
	v2 =	vmul.f32 $1.131370830e+01, v2  }
0x2a: {  	v7 =	vld [tilespmem:s13+$0xFFFFFF90];
	v0 =	vmul.f32 $1.131370830e+01, v0;
	[tilespmem:s14+$0xFFFFFF80] =	vst v1  }
0x2b: {  	v1 =	vmul.f32 $1.131370830e+01, v3;
	[tilespmem:s14+$0xFFFFFFD0] =	vst v2  }
0x2c: {  	v3 =	vmul.f32 $1.131370830e+01, v4;
	[tilespmem:s14+$0xFFFFFFF0] =	vst v0  }
0x2d: {  	[tilespmem:s14+$0xFFFFFFB0] =	vst v1;
	v1 =	vmul.f32 $1.131370830e+01, v5  }
0x2e: {  	v2 =	vmul.f32 $1.131370830e+01, v6;
	[tilespmem:s14+$0xFFFFFFA0] =	vst v3  }
0x2f: {  	[tilespmem:s14+$0xFFFFFFC0] =	vst v1;
	v1 =	vmul.f32 $1.131370830e+01, v7  }
0x30: {  	[tilespmem:s14+$0xFFFFFFE0] =	vst v2  }
0x31: {  	[tilespmem:s14+$0xFFFFFF90] =	vst v1  }
0x32: {  	v0 =	vld [tilespmem:s13+$0x0]  }
0x33: {  	v4 =	vld [tilespmem:s13+$0x10]  }
0x34: {  	v3 =	vld [tilespmem:s13+$0x70]  }
0x35: {  	v1 =	vld [tilespmem:s13+$0x30]  }
0x36: {  	s10 =	simm.s32 $0x1C80;
	s15 =	simm.s32 $0xDC80;
	s7 =	simm.s32 $0x0;
	v2 =	vld [tilespmem:s13+$0x40]  }
.LBB2_3:
0x37: {  	s7 =	sadd.s32 $0x2, s7;
	v5 =	vld [tilespmem:s13+$0x50];
	s14 =	sadd.s32 $0x100, s14;
	s10 =	sadd.s32 $0x100, s10  }
0x38: {  	p1 =	slt.u32 s7, $0x7E;
	v6 =	vld [tilespmem:s13+$0x60];
	v4 =	vmul.f32 $1.131370830e+01, v4  }
0x39: {  	v7 =	vld [tilespmem:s13+$0x20];
	v3 =	vmul.f32 $1.131370830e+01, v3;
	s13 =	smov.u32 s10  }
0x3a: {  	[tilespmem:s15+$0x10] =	vst v4;
	v1 =	vmul.f32 $1.131370830e+01, v1  }
0x3b: {  	v2 =	vmul.f32 $1.131370830e+01, v2;
	[tilespmem:s15+$0x70] =	vst v3  }
0x3c: {  	[tilespmem:s15+$0x30] =	vst v1;
	v1 =	vmul.f32 $1.131370830e+01, v5  }
0x3d: {  	[tilespmem:s15+$0x40] =	vst v2;
	v2 =	vmul.f32 $1.131370830e+01, v6  }
0x3e: {  	v3 =	vmul.f32 $1.131370830e+01, v7;
	[tilespmem:s15+$0x50] =	vst v1  }
0x3f: {  	v0 =	vmul.f32 $1.131370830e+01, v0;
	[tilespmem:s15+$0x60] =	vst v2  }
0x40: {  	[tilespmem:s15+$0x20] =	vst v3  }
0x41: {  	[tilespmem:s15+$0x0] =	vst v0;
	s15 =	smov.u32 s14  }
0x42: {  	v0 =	vld [tilespmem:s10+$0xFFFFFFF0]  }
0x43: {  	v1 =	vld [tilespmem:s10+$0xFFFFFFD0]  }
0x44: {  	v2 =	vld [tilespmem:s10+$0xFFFFFF80]  }
0x45: {  	v3 =	vld [tilespmem:s10+$0xFFFFFFE0]  }
0x46: {  	v4 =	vld [tilespmem:s10+$0xFFFFFFB0]  }
0x47: {  	v5 =	vld [tilespmem:s10+$0xFFFFFFA0]  }
0x48: {  	v6 =	vld [tilespmem:s10+$0xFFFFFFC0]  }
0x49: {  	v0 =	vmul.f32 $1.131370830e+01, v0;
	v7 =	vld [tilespmem:s10+$0xFFFFFF90];
	v2 =	vmul.f32 $1.131370830e+01, v2  }
0x4a: {  	v1 =	vmul.f32 $1.131370830e+01, v1  }
0x4b: {  	v3 =	vmul.f32 $1.131370830e+01, v3;
	[tilespmem:s14+$0xFFFFFF80] =	vst v2;
	v2 =	vmul.f32 $1.131370830e+01, v4  }
0x4c: {  	v4 =	vmul.f32 $1.131370830e+01, v5;
	[tilespmem:s14+$0xFFFFFFD0] =	vst v1  }
0x4d: {  	[tilespmem:s14+$0xFFFFFFB0] =	vst v2;
	v1 =	vmul.f32 $1.131370830e+01, v6  }
0x4e: {  	v2 =	vmul.f32 $1.131370830e+01, v7;
	[tilespmem:s14+$0xFFFFFFA0] =	vst v4  }
0x4f: {  	[tilespmem:s14+$0xFFFFFFC0] =	vst v1  }
0x50: {  	[tilespmem:s14+$0xFFFFFFE0] =	vst v3  }
0x51: {  	[tilespmem:s14+$0xFFFFFFF0] =	vst v0  }
0x52: {  	[tilespmem:s14+$0xFFFFFF90] =	vst v2  }
.Ltmp0:
0x53: {  	v0 =	vld [tilespmem:s10+$0x0];
	(pc) =	sbr.rel @p1 .LBB2_3-.Ltmp0, $4  }
0x54: {  	v4 =	vld [tilespmem:s10+$0x10]  }
0x55: {  	v3 =	vld [tilespmem:s10+$0x70]  }
0x56: {  	v1 =	vld [tilespmem:s10+$0x30]  }
0x57: {  	v2 =	vld [tilespmem:s10+$0x40]  }
0x58: {  	v5 =	vld [tilespmem:s13+$0x50];
	v0 =	vmul.f32 $1.131370830e+01, v0  }
0x59: {  	v7 =	vld [tilespmem:s13+$0x20];
	v4 =	vmul.f32 $1.131370830e+01, v4  }
0x5a: {  	v6 =	vld [tilespmem:s13+$0x60];
	v3 =	vmul.f32 $1.131370830e+01, v3;
	[tilespmem:s15+$0x0] =	vst v0  }
0x5b: {  	[tilespmem:s15+$0x10] =	vst v4;
	v1 =	vmul.f32 $1.131370830e+01, v1  }
0x5c: {  	v2 =	vmul.f32 $1.131370830e+01, v2;
	[tilespmem:s15+$0x70] =	vst v3  }
0x5d: {  	s7 =	smul.u32 $0x3000, s0;
	[tilespmem:s15+$0x30] =	vst v1;
	v1 =	vmul.f32 $1.131370830e+01, v5  }
0x5e: {  	v3 =	vmul.f32 $1.131370830e+01, v7;
	[tilespmem:s15+$0x40] =	vst v2  }
0x5f: {  	s7 =	sor.u32 s5, s7;
	v2 =	vmul.f32 $1.131370830e+01, v6;
	[tilespmem:s15+$0x50] =	vst v1  }
0x60: {  	s7 =	sshll.u32 s7, $0x4;
	[tilespmem:s15+$0x20] =	vst v3  }
0x61: {  	s7 =	sadd.s32 s2, s7;
	[tilespmem:s15+$0x60] =	vst v2;
	s15 =	smul.u32 $0x600, s0  }
0x62: {  	[hbm4b:s7+s4] =	stream.linear.scatter [tilespmem:s22], [sflag:$0x4], $0x4000, $0x38;
	[tilespmem:$0x19C00] =	vst v63  }
0x63: {  	_ =	swait.ge [sflag:s23], $0x4000  }
0x64: {  	s13 =	sshra.s32 s15, $0x2;
	[sflag:s23] =	ssyncset.done $0x0  }
0x65: {  	s7 =	sadd.s32 $0x180, s13;
	[sflag:s23] =	ssyncadd.s32 $0xFFFFC000  }
0x66: {  	[tilespmem:s18], [sflag:$0x1] =	stream.indirect.gather [hbm4b:s1+s17], $0x80, s7, s17, $0xb8;
	[tilespmem:$0x19C00] =	vst v63  }
0x67: {  	s7 =	simm.s32 @!p0 $0x5  }
0x68: {  	_ =	swait.ge @!p0 [sflag:s7], $0x4000  }
0x69: {  	[sflag:s7] =	ssyncset.done @!p0 $0x0  }
0x6a: {  	s14 =	simm.s32 $0x0;
	[sflag:s7] =	ssyncadd.s32 @!p0 $0xFFFFC000  }
0x6b: {  	v0 =	vld [tilespmem:s14+$0x5CF0]  }
0x6c: {  	v1 =	vld [tilespmem:s14+$0x5C00]  }
0x6d: {  	v2 =	vld [tilespmem:s14+$0x5C10]  }
0x6e: {  	v3 =	vld [tilespmem:s14+$0x5C20]  }
0x6f: {  	v4 =	vld [tilespmem:s14+$0x5C30]  }
0x70: {  	v5 =	vld [tilespmem:s14+$0x5C40];
	v0 =	vmul.f32 $1.131370830e+01, v0  }
0x71: {  	v6 =	vld [tilespmem:s14+$0x5C50];
	v1 =	vmul.f32 $1.131370830e+01, v1  }
0x72: {  	v7 =	vld [tilespmem:s14+$0x5C60];
	[tilespmem:s14+$0x11CF0] =	vst v0;
	v0 =	vmul.f32 $1.131370830e+01, v2  }
0x73: {  	v8 =	vld [tilespmem:s14+$0x5C70];
	[tilespmem:s14+$0x11C00] =	vst v1;
	v1 =	vmul.f32 $1.131370830e+01, v3  }
0x74: {  	v9 =	vld [tilespmem:s14+$0x5C80];
	v2 =	vmul.f32 $1.131370830e+01, v4;
	[tilespmem:s14+$0x11C10] =	vst v0  }
0x75: {  	v3 =	vmul.f32 $1.131370830e+01, v5;
	[tilespmem:s14+$0x11C20] =	vst v1;
	v0 =	vld [tilespmem:s14+$0x5C90]  }
0x76: {  	v4 =	vmul.f32 $1.131370830e+01, v6;
	[tilespmem:s14+$0x11C30] =	vst v2;
	v1 =	vld [tilespmem:s14+$0x5CA0]  }
0x77: {  	v5 =	vmul.f32 $1.131370830e+01, v7;
	[tilespmem:s14+$0x11C40] =	vst v3;
	v2 =	vld [tilespmem:s14+$0x5CB0]  }
0x78: {  	v6 =	vmul.f32 $1.131370830e+01, v8;
	[tilespmem:s14+$0x11C50] =	vst v4;
	v3 =	vld [tilespmem:s14+$0x5CC0]  }
0x79: {  	s10 =	simm.s32 $0x400;
	s7 =	simm.s32 $0x0;
	[tilespmem:s14+$0x11C60] =	vst v5;
	v4 =	vld [tilespmem:s14+$0x5CD0];
	v5 =	vmul.f32 $1.131370830e+01, v9  }
.LBB2_5:
0x7a: {  	s15 =	sshra.s32 s10, $0x2;
	s7 =	sadd.s32 $0x2, s7;
	[tilespmem:s14+$0x11C70] =	vst v6;
	v6 =	vld [tilespmem:s14+$0x5CE0];
	v0 =	vmul.f32 $1.131370830e+01, v0  }
0x7b: {  	v7 =	vld [tilespmem:s15+$0x5CF0];
	p1 =	slt.u32 s7, $0x7E;
	[tilespmem:s14+$0x11C80] =	vst v5;
	v1 =	vmul.f32 $1.131370830e+01, v1  }
0x7c: {  	v5 =	vld [tilespmem:s15+$0x5C00];
	[tilespmem:s14+$0x11C90] =	vst v0;
	v0 =	vmul.f32 $1.131370830e+01, v2  }
0x7d: {  	v2 =	vld [tilespmem:s15+$0x5C10];
	[tilespmem:s14+$0x11CA0] =	vst v1;
	v1 =	vmul.f32 $1.131370830e+01, v3  }
0x7e: {  	v3 =	vld [tilespmem:s15+$0x5C20];
	[tilespmem:s14+$0x11CB0] =	vst v0;
	v0 =	vmul.f32 $1.131370830e+01, v4  }
0x7f: {  	v4 =	vld [tilespmem:s15+$0x5C30];
	[tilespmem:s14+$0x11CC0] =	vst v1;
	v1 =	vmul.f32 $1.131370830e+01, v6  }
0x80: {  	v6 =	vld [tilespmem:s15+$0x5C40];
	v7 =	vmul.f32 $1.131370830e+01, v7;
	[tilespmem:s14+$0x11CD0] =	vst v0  }
0x81: {  	v8 =	vld [tilespmem:s15+$0x5C50];
	v0 =	vmul.f32 $1.131370830e+01, v5;
	[tilespmem:s14+$0x11CE0] =	vst v1;
	s14 =	smov.u32 s15  }
0x82: {  	v5 =	vld [tilespmem:s14+$0x5C60];
	v1 =	vmul.f32 $1.131370830e+01, v2;
	[tilespmem:s14+$0x11CF0] =	vst v7  }
0x83: {  	v7 =	vld [tilespmem:s14+$0x5C70];
	[tilespmem:s14+$0x11C00] =	vst v0;
	v0 =	vmul.f32 $1.131370830e+01, v3  }
0x84: {  	[tilespmem:s14+$0x11C10] =	vst v1;
	v1 =	vmul.f32 $1.131370830e+01, v4;
	v9 =	vld [tilespmem:s14+$0x5C80]  }
.Ltmp1:
0x85: {  	[tilespmem:s14+$0x11C20] =	vst v0;
	v2 =	vmul.f32 $1.131370830e+01, v6;
	v0 =	vld [tilespmem:s14+$0x5C90];
	(pc) =	sbr.rel @p1 .LBB2_5-.Ltmp1, $4  }
0x86: {  	[tilespmem:s14+$0x11C30] =	vst v1;
	v3 =	vmul.f32 $1.131370830e+01, v8;
	v1 =	vld [tilespmem:s14+$0x5CA0]  }
0x87: {  	[tilespmem:s14+$0x11C40] =	vst v2;
	v4 =	vmul.f32 $1.131370830e+01, v5;
	v2 =	vld [tilespmem:s14+$0x5CB0]  }
0x88: {  	[tilespmem:s14+$0x11C50] =	vst v3;
	v6 =	vmul.f32 $1.131370830e+01, v7;
	v3 =	vld [tilespmem:s14+$0x5CC0]  }
0x89: {  	s10 =	sadd.s32 $0x400, s10;
	[tilespmem:s14+$0x11C60] =	vst v4;
	v4 =	vld [tilespmem:s14+$0x5CD0];
	v5 =	vmul.f32 $1.131370830e+01, v9  }
0x8a: {  	[tilespmem:s14+$0x11C70] =	vst v6;
	v6 =	vld [tilespmem:s14+$0x5CE0];
	v0 =	vmul.f32 $1.131370830e+01, v0  }
0x8b: {  	[tilespmem:s14+$0x11C80] =	vst v5;
	v1 =	vmul.f32 $1.131370830e+01, v1  }
0x8c: {  	[tilespmem:s14+$0x11C90] =	vst v0;
	v0 =	vmul.f32 $1.131370830e+01, v2  }
0x8d: {  	s7 =	smul.u32 $0x180000, s0;
	[tilespmem:s14+$0x11CA0] =	vst v1;
	v1 =	vmul.f32 $1.131370830e+01, v3  }
0x8e: {  	[tilespmem:s14+$0x11CB0] =	vst v0;
	v0 =	vmul.f32 $1.131370830e+01, v4  }
0x8f: {  	s7 =	sadd.s32 s8, s7;
	[tilespmem:s14+$0x11CC0] =	vst v1;
	v1 =	vmul.f32 $1.131370830e+01, v6  }
0x90: {  	s7 =	sshrl.u32 s7, $0x3;
	[tilespmem:s14+$0x11CD0] =	vst v0  }
0x91: {  	s7 =	sadd.s32 s2, s7;
	[tilespmem:s14+$0x11CE0] =	vst v1  }
0x92: {  	[hbm4b:s7+s4] =	stream.linear.scatter [tilespmem:s24], [sflag:$0x5], $0x4000, $0x38;
	[tilespmem:$0x19C00] =	vst v63  }
0x93: {  	_ =	swait.ge [sflag:s25], $0x4000  }
0x94: {  	[sflag:s25] =	ssyncset.done $0x0  }
0x95: {  	s15 =	sadd.s32 $0x200, s13;
	s7 =	simm.s32 @!p0 $0x6;
	[sflag:s25] =	ssyncadd.s32 $0xFFFFC000  }
0x96: {  	[tilespmem:s19], [sflag:$0x2] =	stream.indirect.gather [hbm4b:s1+s17], $0x80, s15, s17, $0xb8;
	[tilespmem:$0x19C00] =	vst v63  }
0x97: {  	_ =	swait.ge @!p0 [sflag:s7], $0x4000  }
0x98: {  	[sflag:s7] =	ssyncset.done @!p0 $0x0  }
0x99: {  	s13 =	simm.s32 $0x0;
	[sflag:s7] =	ssyncadd.s32 @!p0 $0xFFFFC000  }
0x9a: {  	v0 =	vld [tilespmem:s13+$0x9CF0]  }
0x9b: {  	v1 =	vld [tilespmem:s13+$0x9C00]  }
0x9c: {  	v2 =	vld [tilespmem:s13+$0x9C10]  }
0x9d: {  	v3 =	vld [tilespmem:s13+$0x9C20]  }
0x9e: {  	v4 =	vld [tilespmem:s13+$0x9C30]  }
0x9f: {  	v5 =	vld [tilespmem:s13+$0x9C40];
	v0 =	vmul.f32 $1.131370830e+01, v0  }
0xa0: {  	v6 =	vld [tilespmem:s13+$0x9C50];
	v1 =	vmul.f32 $1.131370830e+01, v1  }
0xa1: {  	v7 =	vld [tilespmem:s13+$0x9C60];
	[tilespmem:s13+$0x15CF0] =	vst v0;
	v0 =	vmul.f32 $1.131370830e+01, v2  }
0xa2: {  	v8 =	vld [tilespmem:s13+$0x9C70];
	[tilespmem:s13+$0x15C00] =	vst v1;
	v1 =	vmul.f32 $1.131370830e+01, v3  }
0xa3: {  	v9 =	vld [tilespmem:s13+$0x9C80];
	v2 =	vmul.f32 $1.131370830e+01, v4;
	[tilespmem:s13+$0x15C10] =	vst v0  }
0xa4: {  	v3 =	vmul.f32 $1.131370830e+01, v5;
	[tilespmem:s13+$0x15C20] =	vst v1;
	v0 =	vld [tilespmem:s13+$0x9C90]  }
0xa5: {  	v4 =	vmul.f32 $1.131370830e+01, v6;
	[tilespmem:s13+$0x15C30] =	vst v2;
	v1 =	vld [tilespmem:s13+$0x9CA0]  }
0xa6: {  	v5 =	vmul.f32 $1.131370830e+01, v7;
	[tilespmem:s13+$0x15C40] =	vst v3;
	v2 =	vld [tilespmem:s13+$0x9CB0]  }
0xa7: {  	v6 =	vmul.f32 $1.131370830e+01, v8;
	[tilespmem:s13+$0x15C50] =	vst v4;
	v3 =	vld [tilespmem:s13+$0x9CC0]  }
0xa8: {  	s10 =	simm.s32 $0x400;
	s7 =	simm.s32 $0x0;
	[tilespmem:s13+$0x15C60] =	vst v5;
	v4 =	vld [tilespmem:s13+$0x9CD0];
	v5 =	vmul.f32 $1.131370830e+01, v9  }
.LBB2_7:
0xa9: {  	s14 =	sshra.s32 s10, $0x2;
	s7 =	sadd.s32 $0x2, s7;
	[tilespmem:s13+$0x15C70] =	vst v6;
	v6 =	vld [tilespmem:s13+$0x9CE0];
	v0 =	vmul.f32 $1.131370830e+01, v0  }
0xaa: {  	v7 =	vld [tilespmem:s14+$0x9CF0];
	p0 =	slt.u32 s7, $0x7E;
	[tilespmem:s13+$0x15C80] =	vst v5;
	v1 =	vmul.f32 $1.131370830e+01, v1  }
0xab: {  	v5 =	vld [tilespmem:s14+$0x9C00];
	[tilespmem:s13+$0x15C90] =	vst v0;
	v0 =	vmul.f32 $1.131370830e+01, v2  }
0xac: {  	v2 =	vld [tilespmem:s14+$0x9C10];
	[tilespmem:s13+$0x15CA0] =	vst v1;
	v1 =	vmul.f32 $1.131370830e+01, v3  }
0xad: {  	v3 =	vld [tilespmem:s14+$0x9C20];
	[tilespmem:s13+$0x15CB0] =	vst v0;
	v0 =	vmul.f32 $1.131370830e+01, v4  }
0xae: {  	v4 =	vld [tilespmem:s14+$0x9C30];
	[tilespmem:s13+$0x15CC0] =	vst v1;
	v1 =	vmul.f32 $1.131370830e+01, v6  }
0xaf: {  	v6 =	vld [tilespmem:s14+$0x9C40];
	v7 =	vmul.f32 $1.131370830e+01, v7;
	[tilespmem:s13+$0x15CD0] =	vst v0  }
0xb0: {  	v8 =	vld [tilespmem:s14+$0x9C50];
	v0 =	vmul.f32 $1.131370830e+01, v5;
	[tilespmem:s13+$0x15CE0] =	vst v1;
	s13 =	smov.u32 s14  }
0xb1: {  	v5 =	vld [tilespmem:s13+$0x9C60];
	v1 =	vmul.f32 $1.131370830e+01, v2;
	[tilespmem:s13+$0x15CF0] =	vst v7  }
0xb2: {  	v7 =	vld [tilespmem:s13+$0x9C70];
	[tilespmem:s13+$0x15C00] =	vst v0;
	v0 =	vmul.f32 $1.131370830e+01, v3  }
0xb3: {  	[tilespmem:s13+$0x15C10] =	vst v1;
	v1 =	vmul.f32 $1.131370830e+01, v4;
	v9 =	vld [tilespmem:s13+$0x9C80]  }
.Ltmp2:
0xb4: {  	[tilespmem:s13+$0x15C20] =	vst v0;
	v2 =	vmul.f32 $1.131370830e+01, v6;
	v0 =	vld [tilespmem:s13+$0x9C90];
	(pc) =	sbr.rel @p0 .LBB2_7-.Ltmp2, $4  }
0xb5: {  	[tilespmem:s13+$0x15C30] =	vst v1;
	v3 =	vmul.f32 $1.131370830e+01, v8;
	v1 =	vld [tilespmem:s13+$0x9CA0]  }
0xb6: {  	[tilespmem:s13+$0x15C40] =	vst v2;
	v4 =	vmul.f32 $1.131370830e+01, v5;
	v2 =	vld [tilespmem:s13+$0x9CB0]  }
0xb7: {  	[tilespmem:s13+$0x15C50] =	vst v3;
	v6 =	vmul.f32 $1.131370830e+01, v7;
	v3 =	vld [tilespmem:s13+$0x9CC0]  }
0xb8: {  	s10 =	sadd.s32 $0x400, s10;
	[tilespmem:s13+$0x15C60] =	vst v4;
	v4 =	vld [tilespmem:s13+$0x9CD0];
	v5 =	vmul.f32 $1.131370830e+01, v9  }
0xb9: {  	[tilespmem:s13+$0x15C70] =	vst v6;
	v59 =	vld [tilespmem:s13+$0x9CE0];
	v0 =	vmul.f32 $1.131370830e+01, v0  }
0xba: {  	[tilespmem:s13+$0x15C80] =	vst v5;
	v1 =	vmul.f32 $1.131370830e+01, v1  }
0xbb: {  	s0 =	sadd.s32 $0x1, s0;
	[tilespmem:s13+$0x15C90] =	vst v0;
	v60 =	vmul.f32 $1.131370830e+01, v2  }
0xbc: {  	p0 =	sne.s32 s0, $0x10;
	[tilespmem:s13+$0x15CA0] =	vst v1;
	v61 =	vmul.f32 $1.131370830e+01, v3  }
.Ltmp3:
0xbd: {  	[tilespmem:s13+$0x15CB0] =	vst v60;
	v62 =	vmul.f32 $1.131370830e+01, v4;
	(pc) =	sbr.rel @p0 .LBB2_2-.Ltmp3, $4  }
0xbe: {  	[tilespmem:s13+$0x15CC0] =	vst v61;
	v63 =	vmul.f32 $1.131370830e+01, v59  }
0xbf: {  	s3 =	sshll.u32 s3, $0x10;
	[tilespmem:s13+$0x15CD0] =	vst v62  }
0xc0: {  	s3 =	sadd.s32 s3, s9;
	[tilespmem:s13+$0x15CE0] =	vst v63  }
0xc1: {  	[hbm4b:s3+s4] =	stream.linear.scatter [tilespmem:s26], [sflag:$0x6], $0x4000, $0x38;
	[tilespmem:$0x19C00] =	vst v63  }
0xc2: {  	_ =	swait.ge [sflag:s20], $0x4000  }
0xc3: {  	[sflag:s20] =	ssyncset.done $0x0  }
0xc4: {  	[sflag:s20] =	ssyncadd.s32 $0xFFFFC000  }
0xc5: {  	_ =	swait.ge [sflag:s28], $0x4000  }
0xc6: {  	[sflag:s28] =	ssyncset.done $0x0  }
0xc7: {  	s0 =	simm.s32 $0x1C80;
	[sflag:s28] =	ssyncadd.s32 $0xFFFFC000  }
0xc8: {  	v1 =	vld [tilespmem:s0+$0xFFFFFF80]  }
0xc9: {  	v2 =	vld [tilespmem:s0+$0xFFFFFFD0]  }
0xca: {  	v0 =	vld [tilespmem:s0+$0xFFFFFFF0]  }
0xcb: {  	v3 =	vld [tilespmem:s0+$0xFFFFFFB0]  }
0xcc: {  	v4 =	vld [tilespmem:s0+$0xFFFFFFA0]  }
0xcd: {  	v5 =	vld [tilespmem:s0+$0xFFFFFFC0];
	v1 =	vmul.f32 $1.131370830e+01, v1  }
0xce: {  	s3 =	simm.s32 $0xDC80;
	v6 =	vld [tilespmem:s0+$0xFFFFFFE0];
	v2 =	vmul.f32 $1.131370830e+01, v2  }
0xcf: {  	v7 =	vld [tilespmem:s0+$0xFFFFFF90];
	v0 =	vmul.f32 $1.131370830e+01, v0;
	[tilespmem:s3+$0xFFFFFF80] =	vst v1  }
0xd0: {  	v1 =	vmul.f32 $1.131370830e+01, v3;
	[tilespmem:s3+$0xFFFFFFD0] =	vst v2  }
0xd1: {  	v3 =	vmul.f32 $1.131370830e+01, v4;
	[tilespmem:s3+$0xFFFFFFF0] =	vst v0  }
0xd2: {  	[tilespmem:s3+$0xFFFFFFB0] =	vst v1;
	v1 =	vmul.f32 $1.131370830e+01, v5  }
0xd3: {  	v2 =	vmul.f32 $1.131370830e+01, v6;
	[tilespmem:s3+$0xFFFFFFA0] =	vst v3  }
0xd4: {  	[tilespmem:s3+$0xFFFFFFC0] =	vst v1;
	v1 =	vmul.f32 $1.131370830e+01, v7  }
0xd5: {  	[tilespmem:s3+$0xFFFFFFE0] =	vst v2  }
0xd6: {  	[tilespmem:s3+$0xFFFFFF90] =	vst v1  }
0xd7: {  	v0 =	vld [tilespmem:s0+$0x0]  }
0xd8: {  	v4 =	vld [tilespmem:s0+$0x10]  }
0xd9: {  	v3 =	vld [tilespmem:s0+$0x70]  }
0xda: {  	v1 =	vld [tilespmem:s0+$0x30]  }
0xdb: {  	s7 =	simm.s32 $0x0;
	s10 =	simm.s32 $0x1C80;
	s13 =	simm.s32 $0xDC80;
	v2 =	vld [tilespmem:s0+$0x40]  }
.LBB2_10:
0xdc: {  	s7 =	sadd.s32 $0x2, s7;
	v5 =	vld [tilespmem:s0+$0x50];
	s3 =	sadd.s32 $0x100, s3;
	s10 =	sadd.s32 $0x100, s10  }
0xdd: {  	p0 =	slt.u32 s7, $0x7E;
	v6 =	vld [tilespmem:s0+$0x60];
	v4 =	vmul.f32 $1.131370830e+01, v4  }
0xde: {  	v7 =	vld [tilespmem:s0+$0x20];
	v3 =	vmul.f32 $1.131370830e+01, v3;
	s0 =	smov.u32 s10  }
0xdf: {  	[tilespmem:s13+$0x10] =	vst v4;
	v1 =	vmul.f32 $1.131370830e+01, v1  }
0xe0: {  	v2 =	vmul.f32 $1.131370830e+01, v2;
	[tilespmem:s13+$0x70] =	vst v3  }
0xe1: {  	[tilespmem:s13+$0x30] =	vst v1;
	v1 =	vmul.f32 $1.131370830e+01, v5  }
0xe2: {  	[tilespmem:s13+$0x40] =	vst v2;
	v2 =	vmul.f32 $1.131370830e+01, v6  }
0xe3: {  	v3 =	vmul.f32 $1.131370830e+01, v7;
	[tilespmem:s13+$0x50] =	vst v1  }
0xe4: {  	v0 =	vmul.f32 $1.131370830e+01, v0;
	[tilespmem:s13+$0x60] =	vst v2  }
0xe5: {  	[tilespmem:s13+$0x20] =	vst v3  }
0xe6: {  	[tilespmem:s13+$0x0] =	vst v0;
	s13 =	smov.u32 s3  }
0xe7: {  	v0 =	vld [tilespmem:s10+$0xFFFFFFF0]  }
0xe8: {  	v1 =	vld [tilespmem:s10+$0xFFFFFFD0]  }
0xe9: {  	v2 =	vld [tilespmem:s10+$0xFFFFFF80]  }
0xea: {  	v3 =	vld [tilespmem:s10+$0xFFFFFFE0]  }
0xeb: {  	v4 =	vld [tilespmem:s10+$0xFFFFFFB0]  }
0xec: {  	v5 =	vld [tilespmem:s10+$0xFFFFFFA0]  }
0xed: {  	v6 =	vld [tilespmem:s10+$0xFFFFFFC0]  }
0xee: {  	v0 =	vmul.f32 $1.131370830e+01, v0;
	v7 =	vld [tilespmem:s10+$0xFFFFFF90];
	v2 =	vmul.f32 $1.131370830e+01, v2  }
0xef: {  	v1 =	vmul.f32 $1.131370830e+01, v1  }
0xf0: {  	v3 =	vmul.f32 $1.131370830e+01, v3;
	[tilespmem:s3+$0xFFFFFF80] =	vst v2;
	v2 =	vmul.f32 $1.131370830e+01, v4  }
0xf1: {  	v4 =	vmul.f32 $1.131370830e+01, v5;
	[tilespmem:s3+$0xFFFFFFD0] =	vst v1  }
0xf2: {  	[tilespmem:s3+$0xFFFFFFB0] =	vst v2;
	v1 =	vmul.f32 $1.131370830e+01, v6  }
0xf3: {  	v2 =	vmul.f32 $1.131370830e+01, v7;
	[tilespmem:s3+$0xFFFFFFA0] =	vst v4  }
0xf4: {  	[tilespmem:s3+$0xFFFFFFC0] =	vst v1  }
0xf5: {  	[tilespmem:s3+$0xFFFFFFE0] =	vst v3  }
0xf6: {  	[tilespmem:s3+$0xFFFFFFF0] =	vst v0  }
0xf7: {  	[tilespmem:s3+$0xFFFFFF90] =	vst v2  }
.Ltmp4:
0xf8: {  	v0 =	vld [tilespmem:s10+$0x0];
	(pc) =	sbr.rel @p0 .LBB2_10-.Ltmp4, $4  }
0xf9: {  	v4 =	vld [tilespmem:s10+$0x10]  }
0xfa: {  	v3 =	vld [tilespmem:s10+$0x70]  }
0xfb: {  	v1 =	vld [tilespmem:s10+$0x30]  }
0xfc: {  	v2 =	vld [tilespmem:s10+$0x40]  }
0xfd: {  	v5 =	vld [tilespmem:s0+$0x50];
	v0 =	vmul.f32 $1.131370830e+01, v0  }
0xfe: {  	v7 =	vld [tilespmem:s0+$0x20];
	v4 =	vmul.f32 $1.131370830e+01, v4  }
0xff: {  	v6 =	vld [tilespmem:s0+$0x60];
	v3 =	vmul.f32 $1.131370830e+01, v3;
	[tilespmem:s13+$0x0] =	vst v0  }
0x100: {  	[tilespmem:s13+$0x10] =	vst v4;
	v1 =	vmul.f32 $1.131370830e+01, v1  }
0x101: {  	v2 =	vmul.f32 $1.131370830e+01, v2;
	[tilespmem:s13+$0x70] =	vst v3  }
0x102: {  	[tilespmem:s13+$0x30] =	vst v1;
	v1 =	vmul.f32 $1.131370830e+01, v5  }
0x103: {  	v3 =	vmul.f32 $1.131370830e+01, v7;
	[tilespmem:s13+$0x40] =	vst v2  }
0x104: {  	v2 =	vmul.f32 $1.131370830e+01, v6;
	[tilespmem:s13+$0x50] =	vst v1  }
0x105: {  	[tilespmem:s13+$0x20] =	vst v3  }
0x106: {  	s15 =	simm.s32 $0x0;
	s3 =	rddreg [dreg:$0x5];
	[tilespmem:s13+$0x60] =	vst v2  }
0x107: {  	[hbm4b:s3+s15] =	stream.linear.scatter [tilespmem:s22], [sflag:$0x4], $0x4000, $0x38;
	[tilespmem:$0x19C00] =	vst v63  }
0x108: {  	_ =	swait.ge [sflag:s23], $0x4000  }
0x109: {  	[sflag:s23] =	ssyncset.done $0x0  }
0x10a: {  	[sflag:s23] =	ssyncadd.s32 $0xFFFFC000  }
0x10b: {  	_ =	swait.ge [sflag:s29], $0x4000  }
0x10c: {  	[sflag:s29] =	ssyncset.done $0x0  }
0x10d: {  	s0 =	simm.s32 $0x0;
	[sflag:s29] =	ssyncadd.s32 $0xFFFFC000  }
0x10e: {  	v0 =	vld [tilespmem:s0+$0x5CF0]  }
0x10f: {  	v1 =	vld [tilespmem:s0+$0x5C00]  }
0x110: {  	v2 =	vld [tilespmem:s0+$0x5C10]  }
0x111: {  	v3 =	vld [tilespmem:s0+$0x5C20]  }
0x112: {  	v4 =	vld [tilespmem:s0+$0x5C30]  }
0x113: {  	v5 =	vld [tilespmem:s0+$0x5C40];
	v0 =	vmul.f32 $1.131370830e+01, v0  }
0x114: {  	v6 =	vld [tilespmem:s0+$0x5C50];
	v1 =	vmul.f32 $1.131370830e+01, v1  }
0x115: {  	v7 =	vld [tilespmem:s0+$0x5C60];
	[tilespmem:s0+$0x11CF0] =	vst v0;
	v0 =	vmul.f32 $1.131370830e+01, v2  }
0x116: {  	v8 =	vld [tilespmem:s0+$0x5C70];
	[tilespmem:s0+$0x11C00] =	vst v1;
	v1 =	vmul.f32 $1.131370830e+01, v3  }
0x117: {  	v9 =	vld [tilespmem:s0+$0x5C80];
	v2 =	vmul.f32 $1.131370830e+01, v4;
	[tilespmem:s0+$0x11C10] =	vst v0  }
0x118: {  	v3 =	vmul.f32 $1.131370830e+01, v5;
	[tilespmem:s0+$0x11C20] =	vst v1;
	v0 =	vld [tilespmem:s0+$0x5C90]  }
0x119: {  	v4 =	vmul.f32 $1.131370830e+01, v6;
	[tilespmem:s0+$0x11C30] =	vst v2;
	v1 =	vld [tilespmem:s0+$0x5CA0]  }
0x11a: {  	v5 =	vmul.f32 $1.131370830e+01, v7;
	[tilespmem:s0+$0x11C40] =	vst v3;
	v2 =	vld [tilespmem:s0+$0x5CB0]  }
0x11b: {  	v6 =	vmul.f32 $1.131370830e+01, v8;
	[tilespmem:s0+$0x11C50] =	vst v4;
	v3 =	vld [tilespmem:s0+$0x5CC0]  }
0x11c: {  	s7 =	simm.s32 $0x400;
	s3 =	simm.s32 $0x0;
	[tilespmem:s0+$0x11C60] =	vst v5;
	v4 =	vld [tilespmem:s0+$0x5CD0];
	v5 =	vmul.f32 $1.131370830e+01, v9  }
.LBB2_12:
0x11d: {  	s10 =	sshra.s32 s7, $0x2;
	s3 =	sadd.s32 $0x2, s3;
	[tilespmem:s0+$0x11C70] =	vst v6;
	v6 =	vld [tilespmem:s0+$0x5CE0];
	v0 =	vmul.f32 $1.131370830e+01, v0  }
0x11e: {  	v7 =	vld [tilespmem:s10+$0x5CF0];
	p0 =	slt.u32 s3, $0x7E;
	[tilespmem:s0+$0x11C80] =	vst v5;
	v1 =	vmul.f32 $1.131370830e+01, v1  }
0x11f: {  	v5 =	vld [tilespmem:s10+$0x5C00];
	[tilespmem:s0+$0x11C90] =	vst v0;
	v0 =	vmul.f32 $1.131370830e+01, v2  }
0x120: {  	v2 =	vld [tilespmem:s10+$0x5C10];
	[tilespmem:s0+$0x11CA0] =	vst v1;
	v1 =	vmul.f32 $1.131370830e+01, v3  }
0x121: {  	v3 =	vld [tilespmem:s10+$0x5C20];
	[tilespmem:s0+$0x11CB0] =	vst v0;
	v0 =	vmul.f32 $1.131370830e+01, v4  }
0x122: {  	v4 =	vld [tilespmem:s10+$0x5C30];
	[tilespmem:s0+$0x11CC0] =	vst v1;
	v1 =	vmul.f32 $1.131370830e+01, v6  }
0x123: {  	v6 =	vld [tilespmem:s10+$0x5C40];
	v7 =	vmul.f32 $1.131370830e+01, v7;
	[tilespmem:s0+$0x11CD0] =	vst v0  }
0x124: {  	v8 =	vld [tilespmem:s10+$0x5C50];
	v0 =	vmul.f32 $1.131370830e+01, v5;
	[tilespmem:s0+$0x11CE0] =	vst v1;
	s0 =	smov.u32 s10  }
0x125: {  	v5 =	vld [tilespmem:s0+$0x5C60];
	v1 =	vmul.f32 $1.131370830e+01, v2;
	[tilespmem:s0+$0x11CF0] =	vst v7  }
0x126: {  	v7 =	vld [tilespmem:s0+$0x5C70];
	[tilespmem:s0+$0x11C00] =	vst v0;
	v0 =	vmul.f32 $1.131370830e+01, v3  }
0x127: {  	[tilespmem:s0+$0x11C10] =	vst v1;
	v1 =	vmul.f32 $1.131370830e+01, v4;
	v9 =	vld [tilespmem:s0+$0x5C80]  }
.Ltmp5:
0x128: {  	[tilespmem:s0+$0x11C20] =	vst v0;
	v2 =	vmul.f32 $1.131370830e+01, v6;
	v0 =	vld [tilespmem:s0+$0x5C90];
	(pc) =	sbr.rel @p0 .LBB2_12-.Ltmp5, $4  }
0x129: {  	[tilespmem:s0+$0x11C30] =	vst v1;
	v3 =	vmul.f32 $1.131370830e+01, v8;
	v1 =	vld [tilespmem:s0+$0x5CA0]  }
0x12a: {  	[tilespmem:s0+$0x11C40] =	vst v2;
	v4 =	vmul.f32 $1.131370830e+01, v5;
	v2 =	vld [tilespmem:s0+$0x5CB0]  }
0x12b: {  	[tilespmem:s0+$0x11C50] =	vst v3;
	v6 =	vmul.f32 $1.131370830e+01, v7;
	v3 =	vld [tilespmem:s0+$0x5CC0]  }
0x12c: {  	s7 =	sadd.s32 $0x400, s7;
	[tilespmem:s0+$0x11C60] =	vst v4;
	v4 =	vld [tilespmem:s0+$0x5CD0];
	v5 =	vmul.f32 $1.131370830e+01, v9  }
0x12d: {  	[tilespmem:s0+$0x11C70] =	vst v6;
	v59 =	vld [tilespmem:s0+$0x5CE0];
	v0 =	vmul.f32 $1.131370830e+01, v0  }
0x12e: {  	[tilespmem:s0+$0x11C80] =	vst v5;
	v1 =	vmul.f32 $1.131370830e+01, v1  }
0x12f: {  	[tilespmem:s0+$0x11C90] =	vst v0;
	v60 =	vmul.f32 $1.131370830e+01, v2  }
0x130: {  	[tilespmem:s0+$0x11CA0] =	vst v1;
	v61 =	vmul.f32 $1.131370830e+01, v3  }
0x131: {  	[tilespmem:s0+$0x11CB0] =	vst v60;
	v62 =	vmul.f32 $1.131370830e+01, v4  }
0x132: {  	[tilespmem:s0+$0x11CC0] =	vst v61;
	v63 =	vmul.f32 $1.131370830e+01, v59  }
0x133: {  	[tilespmem:s0+$0x11CD0] =	vst v62  }
0x134: {  	[tilespmem:s0+$0x11CE0] =	vst v63  }
0x135: {  	[hbm4b:s11+s4] =	stream.linear.scatter [tilespmem:s24], [sflag:$0x5], $0x4000, $0x38;
	[tilespmem:$0x19C00] =	vst v63  }
0x136: {  	_ =	swait.ge [sflag:s28], $0x4000  }
0x137: {  	[sflag:s28] =	ssyncset.done $0x0  }
0x138: {  	s31 =	sadd.s32 $0x1, s31;
	[sflag:s28] =	ssyncadd.s32 $0xFFFFC000  }
0x139: {  	p0 =	sne.s32 s31, s12;
	_ =	swait.ge [sflag:s29], $0x4000  }
.Ltmp6:
0x13a: {  	[sflag:s29] =	ssyncset.done $0x0;
	(pc) =	sbr.rel @p0 .LBB2_1-.Ltmp6, $4  }
0x13b: {  	[sflag:s29] =	ssyncadd.s32 $0xFFFFC000  }
0x13c: {  	_ =	swait.ge [sflag:s30], $0x4000  }
0x13d: {  	[sflag:s30] =	ssyncset.done $0x0  }
0x13e: {  	[sflag:s30] =	ssyncadd.s32 $0xFFFFC000  }
0x13f: {  	_ =	sfence.sel $0x180000  }
0x140: {  	[bflag:$0x0] =	sbarrier.arrive $0xFFFF  }
0x141: {  	_ =	strace $0x90000047  }
0x142: {  	s0 =	stileid.u32;
	[bflag:$0x2] =	sbarrier.arrive $0xFFFF  }
0x143: {  	p0 =	sne.s32 s0, $0x0;
	s0 =	rddreg [dreg:$0x3]  }
0x144: {  	s0 =	sadd.s32 @!p0 $0x100000, s0  }
0x145: {  	[sflag:s0] =	ssyncadd.tile.s32 @!p0 $0x1;
	_ =	shalt  }
.Lfunc_end2:
_tile_overlayer_lowered:
.L_overlay_start_2:
0x146: {  	(tag) =	ssettag $0x2  }
0x147: {  	s0 =	rddreg [dreg:$0x0];
	s2 =	stileid.u32  }
0x148: {  	s1 =	rddreg [dreg:$0x1];
	p0 =	sne.s32 s2, $0x0  }
0x149: {  	s3 =	rddreg [dreg:$0x2];
	[bflag:$0x3] =	sbarrier.arrive $0xFFFF;
	s2 =	simm.s32 @!p0 $0x1C07  }
0x14a: {  	[timem:s3], [sflag:s2] =	dma.local @!p0 [hbm:s0], s1  }
0x14b: {  	s0 =	simm.s32 @!p0 $0x7  }
0x14c: {  	_ =	swait.ge @!p0 [sflag:s0], s1  }
0x14d: {  	s1 =	ssub.s32 @!p0 $0x0, s1;
	[sflag:s0] =	ssyncset.done @!p0 $0x0  }
0x14e: {  	[sflag:s0] =	ssyncadd.s32 @!p0 s1  }
0x14f: {  	[bflag:$0x3] =	sbarrier.arrive $0xFFFF  }
0x150: {  	_ =	shalt  }

</sc_bundles>
